<compile_context>
chip_gen: v7x
topology: tpu7x:2x2x1
jax: 0.10.2.dev20260603
libtpu: 0.0.44.dev20260713+nightly
codegen_flags: <defaults>
</compile_context>

<pallas_src>
import functools

import jax
import jax.numpy as jnp
from jax import lax
from jax.experimental import pallas as pl
from jax.experimental.pallas import tpu as pltpu
from jax.experimental.pallas import tpu_sc as plsc

N = 320000
D = 128
R = 10000

NC = 2
NS = 16
L = 16

C = 128
RH = R // NC
SEG_PER_TILE = 320
RH_PAD = NS * SEG_PER_TILE
DUMP = RH
LAST_VALID = RH - (NS - 1) * SEG_PER_TILE
PARTS = (C, C, SEG_PER_TILE - 2 * C)
LAST_PARTS = (C, LAST_VALID - C, 0)
NBUF = 4


def _mult(x, n):
    return pl.multiple_of(x, n)


def _body(atom_hbm, ridx_hbm, bnd_hbm, out_hbm,
          bnd_v, rows0, rows1, rows2, rows3, ids0, ids1, ids2, ids3,
          sidx0, sidx1, sidx2, sidx3,
          cnt_local, cnt16, rcp_v,
          shared_sums, shared_cnt,
          lsem0, lsem1, lsem2, lsem3, isem0, isem1, isem2, isem3,
          ssem0, ssem1, ssem2, ssem3):
    c = lax.axis_index("c")
    s = lax.axis_index("s")
    iota = jnp.arange(L, dtype=jnp.int32)
    zf16 = jnp.zeros((L,), jnp.float32)
    ones16 = jnp.ones((L,), jnp.float32)

    pltpu.sync_copy(bnd_hbm, bnd_v)
    bvals = plsc.load_gather(bnd_v, [iota])
    m = jnp.sum(jnp.where(iota == 0, bvals, 0))
    row_begin = jnp.where(c == 0, 0, m)
    row_end = jnp.where(c == 0, m, N)
    id_lo = c * RH
    s0 = (row_begin // C) * C
    total = row_end - s0
    k_per_tile = ((total + NS * C * NBUF - 1) // (NS * C * NBUF)) * NBUF
    tile_base = s0 + s * k_per_tile * C

    def zero_cnt(i, _):
        plsc.store_scatter(cnt_local, [i * L + iota], zf16)
        return 0
    lax.fori_loop(0, RH_PAD // L, zero_cnt, 0)

    def zero_rows(i, _):
        q = i * L + iota
        plsc.store_scatter(rows0, [q >> 7, q & (D - 1)], zf16)
        return 0
    lax.fori_loop(0, C * D // L, zero_rows, 0)

    for p, plen in enumerate(PARTS):
        pltpu.sync_copy(
            rows0.at[pl.ds(0, plen)],
            shared_sums.at[pl.ds(_mult(s * SEG_PER_TILE + p * C, 8), plen)])
    plsc.subcore_barrier()

    def chunk_start(i):
        s_int = tile_base + i * C
        return _mult(jnp.minimum(s_int, N - C), C)

    def start_load(i, buf):
        rows_b, ids_b, lsem_b, isem_b, _, _ = buf
        st = chunk_start(i)
        pltpu.async_copy(atom_hbm.at[pl.ds(st, C)], rows_b, lsem_b)
        pltpu.async_copy(ridx_hbm.at[pl.ds(st, C)], ids_b, isem_b)

    def build_sidx(i, buf):
        rows_b, ids_b, lsem_b, isem_b, sidx_b, ssem_b = buf
        s_int = tile_base + i * C
        st = chunk_start(i)
        lo = jnp.maximum(s_int, row_begin)
        hi = jnp.minimum(s_int + C, row_end)
        pltpu.make_async_copy(ridx_hbm.at[pl.ds(st, C)], ids_b, isem_b).wait()

        def vec(j, _):
            q = j * L + iota
            idv = plsc.load_gather(ids_b, [q])
            gr = st + q
            keep = (gr >= lo) & (gr < hi)
            sx = jnp.where(keep, idv - id_lo, DUMP)
            plsc.store_scatter(sidx_b, [q], sx)
            plsc.addupdate_scatter(cnt_local, [sx], ones16)
            return 0
        lax.fori_loop(0, C // L, vec, 0)

    def wait_rows(i, buf):
        rows_b, _, lsem_b, _, _, _ = buf
        st = chunk_start(i)
        pltpu.make_async_copy(atom_hbm.at[pl.ds(st, C)], rows_b, lsem_b).wait()

    def wait_scatter(buf):
        rows_b, _, _, _, sidx_b, ssem_b = buf
        pltpu.make_async_copy(rows_b, shared_sums.at[sidx_b], ssem_b).wait()

    bufs = [(rows0, ids0, lsem0, isem0, sidx0, ssem0),
            (rows1, ids1, lsem1, isem1, sidx1, ssem1),
            (rows2, ids2, lsem2, isem2, sidx2, ssem2),
            (rows3, ids3, lsem3, isem3, sidx3, ssem3)]

    @pl.when(k_per_tile > 0)
    def _():
        start_load(0, bufs[0])
        start_load(1, bufs[1])
        start_load(2, bufs[2])

    def step(i, u):
        buf = bufs[u]
        qbuf = bufs[(u + 3) % NBUF]
        build_sidx(i, buf)
        wait_rows(i, buf)
        pltpu.async_copy(buf[0], shared_sums.at[buf[4]], buf[5], add=True)

        @pl.when(i + 3 < k_per_tile)
        def _():
            if u == 0:
                @pl.when(i >= 1)
                def _():
                    wait_scatter(qbuf)
            else:
                wait_scatter(qbuf)
            start_load(i + 3, qbuf)

    def quad(i4, _):
        for u in range(NBUF):
            step(i4 * NBUF + u, u)
        return 0
    lax.fori_loop(0, k_per_tile // NBUF, quad, 0)

    @pl.when(k_per_tile > 0)
    def _():
        for u in range(NBUF):
            wait_scatter(bufs[u])

    pltpu.sync_copy(cnt_local, shared_cnt.at[pl.ds(_mult(s * RH_PAD, 8), RH_PAD)])
    plsc.subcore_barrier()

    g0 = s * SEG_PER_TILE
    for k in range(NS):
        pltpu.sync_copy(
            shared_cnt.at[pl.ds(_mult(k * RH_PAD + g0, 8), SEG_PER_TILE)],
            cnt16.at[pl.ds(k * SEG_PER_TILE, SEG_PER_TILE)])

    def csum(j, _):
        q = j * L + iota
        acc = zf16
        for k in range(NS):
            acc = acc + plsc.load_gather(cnt16, [k * SEG_PER_TILE + q])
        r = 1.0 / jnp.maximum(acc, 1.0)
        plsc.store_scatter(rcp_v, [q], r)
        return 0
    lax.fori_loop(0, SEG_PER_TILE // L, csum, 0)

    is_last = s == NS - 1
    rows_bufs = (rows0, rows1, rows2)
    for p in range(3):
        plen = PARTS[p]
        wlen = LAST_PARTS[p]
        rows_b = rows_bufs[p]
        off = p * C
        pltpu.sync_copy(
            shared_sums.at[pl.ds(_mult(g0 + off, 8), plen)],
            rows_b.at[pl.ds(0, plen)])

        def scale(n, _, off=off, rows_b=rows_b):
            nn = jnp.full((L,), 0, jnp.int32) + n
            rsplat = plsc.load_gather(rcp_v, [off + nn])
            for jj in range(D // L):
                col = jj * L + iota
                v = plsc.load_gather(rows_b, [nn, col])
                plsc.store_scatter(rows_b, [nn, col], v * rsplat)
            return 0
        lax.fori_loop(0, plen, scale, 0)

        orow = _mult(c * RH + g0 + off, 8)

        @pl.when(jnp.logical_not(is_last))
        def _(rows_b=rows_b, plen=plen, orow=orow):
            pltpu.sync_copy(rows_b.at[pl.ds(0, plen)],
                            out_hbm.at[pl.ds(orow, plen)])

        if wlen > 0:
            @pl.when(is_last)
            def _(rows_b=rows_b, wlen=wlen, orow=orow):
                pltpu.sync_copy(rows_b.at[pl.ds(0, wlen)],
                                out_hbm.at[pl.ds(orow, wlen)])


@jax.jit
def kernel(atom_features, residue_index):
    m = jnp.sum((residue_index < RH).astype(jnp.int32))
    bnd = jnp.zeros((L,), jnp.int32).at[0].set(m)

    mesh = plsc.VectorSubcoreMesh(core_axis_name="c", subcore_axis_name="s")
    f = pl.kernel(
        _body,
        out_type=jax.ShapeDtypeStruct((R, D), jnp.float32),
        mesh=mesh,
        compiler_params=pltpu.CompilerParams(needs_layout_passes=False),
        scratch_types=[
            pltpu.VMEM((L,), jnp.int32),
            pltpu.VMEM((C, D), jnp.float32),
            pltpu.VMEM((C, D), jnp.float32),
            pltpu.VMEM((C, D), jnp.float32),
            pltpu.VMEM((C, D), jnp.float32),
            pltpu.VMEM((C,), jnp.int32),
            pltpu.VMEM((C,), jnp.int32),
            pltpu.VMEM((C,), jnp.int32),
            pltpu.VMEM((C,), jnp.int32),
            pltpu.VMEM((C,), jnp.int32),
            pltpu.VMEM((C,), jnp.int32),
            pltpu.VMEM((C,), jnp.int32),
            pltpu.VMEM((C,), jnp.int32),
            pltpu.VMEM((RH_PAD,), jnp.float32),
            pltpu.VMEM((NS * SEG_PER_TILE,), jnp.float32),
            pltpu.VMEM((SEG_PER_TILE,), jnp.float32),
            pltpu.VMEM_SHARED((RH_PAD, D), jnp.float32),
            pltpu.VMEM_SHARED((NS * RH_PAD,), jnp.float32),
        ] + [pltpu.SemaphoreType.DMA] * 12,
    )
    return f(atom_features, residue_index, bnd)

# --- scband reference (transcript-rebuilt; emitter-appended) ---
"""Pipeline reference for scband-residue-pooling-16045997818006 (READ-ONLY COPY).

The authoritative reference and input builder live on the scoring server;
editing this copy changes nothing except your own understanding.
"""

import jax, jax.numpy as jnp
import numpy as np

N = 320000
D = 128
R = 10000

def setup_inputs(seed: int = 0) -> dict:
    key = jax.random.key(seed)
    k1, k2 = jax.random.split(key)
    atom_features = jax.random.normal(k1, (N, D), dtype=jnp.float32)
    residue_index = jnp.sort(jax.random.randint(k2, (N,), 0, R, dtype=jnp.int32))
    return {"atom_features": atom_features, "residue_index": residue_index}

def reference(atom_features, residue_index):
    # scatter_mean: segment sum divided by per-segment counts (clamped to >=1)
    sums = jax.ops.segment_sum(atom_features, residue_index, num_segments=R)
    counts = jax.ops.segment_sum(jnp.ones((atom_features.shape[0],), dtype=atom_features.dtype), residue_index, num_segments=R)
    counts = jnp.clip(counts, 1.0, None)
    return sums / counts[:, None]

if __name__ == "__main__":
    import jax
    _d = setup_inputs()
    print(jax.jit(kernel)(*tuple(_d.values())))

</pallas_src>

<mosaic_0001>
#map = affine_map<(d0, d1) -> (0, 0)>
#map1 = affine_map<(d0, d1) -> (0)>
module attributes {stable_mosaic.version = 14 : i64} {
  func.func @_body(%arg0: i32, %arg1: i32, %arg2: memref<320000x128xf32, #tpu.memory_space<hbm>>, %arg3: memref<320000xi32, #tpu.memory_space<hbm>>, %arg4: memref<16xi32, #tpu.memory_space<hbm>>, %arg5: memref<10000x128xf32, #tpu.memory_space<hbm>>, %arg6: memref<16xi32, #tpu.memory_space<vmem>>, %arg7: memref<128x128xf32, #tpu.memory_space<vmem>>, %arg8: memref<128x128xf32, #tpu.memory_space<vmem>>, %arg9: memref<128x128xf32, #tpu.memory_space<vmem>>, %arg10: memref<128x128xf32, #tpu.memory_space<vmem>>, %arg11: memref<128xi32, #tpu.memory_space<vmem>>, %arg12: memref<128xi32, #tpu.memory_space<vmem>>, %arg13: memref<128xi32, #tpu.memory_space<vmem>>, %arg14: memref<128xi32, #tpu.memory_space<vmem>>, %arg15: memref<128xi32, #tpu.memory_space<vmem>>, %arg16: memref<128xi32, #tpu.memory_space<vmem>>, %arg17: memref<128xi32, #tpu.memory_space<vmem>>, %arg18: memref<128xi32, #tpu.memory_space<vmem>>, %arg19: memref<5120xf32, #tpu.memory_space<vmem>>, %arg20: memref<5120xf32, #tpu.memory_space<vmem>>, %arg21: memref<320xf32, #tpu.memory_space<vmem>>, %arg22: memref<5120x128xf32, #tpu.memory_space<vmem_shared>>, %arg23: memref<81920xf32, #tpu.memory_space<vmem_shared>>, %arg24: memref<!tpu.dma_semaphore, #tpu.memory_space<semaphore_mem>>, %arg25: memref<!tpu.dma_semaphore, #tpu.memory_space<semaphore_mem>>, %arg26: memref<!tpu.dma_semaphore, #tpu.memory_space<semaphore_mem>>, %arg27: memref<!tpu.dma_semaphore, #tpu.memory_space<semaphore_mem>>, %arg28: memref<!tpu.dma_semaphore, #tpu.memory_space<semaphore_mem>>, %arg29: memref<!tpu.dma_semaphore, #tpu.memory_space<semaphore_mem>>, %arg30: memref<!tpu.dma_semaphore, #tpu.memory_space<semaphore_mem>>, %arg31: memref<!tpu.dma_semaphore, #tpu.memory_space<semaphore_mem>>, %arg32: memref<!tpu.dma_semaphore, #tpu.memory_space<semaphore_mem>>, %arg33: memref<!tpu.dma_semaphore, #tpu.memory_space<semaphore_mem>>, %arg34: memref<!tpu.dma_semaphore, #tpu.memory_space<semaphore_mem>>, %arg35: memref<!tpu.dma_semaphore, #tpu.memory_space<semaphore_mem>>) attributes {dimension_semantics = [#tpu.dimension_semantics<core_parallel>, #tpu.dimension_semantics<subcore_parallel>], iteration_bounds = array<i64: 2, 16>, scalar_prefetch = 0 : i64, scratch_operands = 30 : i64, tpu.core_type = #tpu.core_type<sc_vector_subcore>, window_params = [{transform_indices = #map}, {transform_indices = #map1}, {transform_indices = #map1}, {transform_indices = #map}]} {
    %iota3A = tpu.iota {dimensions = array<i32: 0>} : vector<16xi32>
    %broadcast_in_dim3A = arith.constant 0.000000e+00 : f32
    %broadcast_in_dim3A_0 = vector.broadcast %broadcast_in_dim3A : f32 to vector<16xf32>
    %broadcast_in_dim3A_1 = arith.constant 1.000000e+00 : f32
    %broadcast_in_dim3A_2 = vector.broadcast %broadcast_in_dim3A_1 : f32 to vector<16xf32>
    "tpu.region"() ({
      %run_scoped3A = tpu.sem_alloc : memref<!tpu.dma_semaphore, #tpu.memory_space<semaphore_mem>>
      tpu.enqueue_dma source(%arg4 : memref<16xi32, #tpu.memory_space<hbm>>) target(%arg6 : memref<16xi32, #tpu.memory_space<vmem>>) target_semaphore(%run_scoped3A : memref<!tpu.dma_semaphore, #tpu.memory_space<semaphore_mem>>)
      tpu.wait_dma2 semaphore(%run_scoped3A : memref<!tpu.dma_semaphore, #tpu.memory_space<semaphore_mem>>) src(%arg4 : memref<16xi32, #tpu.memory_space<hbm>>) dst(%arg6 : memref<16xi32, #tpu.memory_space<vmem>>)
      tpu.yield
    }) : () -> ()
    %gather3A = tpu.vector_load_idx %arg6[%iota3A] : memref<16xi32, #tpu.memory_space<vmem>>[vector<16xi32>], vector<16xi32>,
    %eq3A = arith.constant 0 : i32
    %eq3A_3 = vector.broadcast %eq3A : i32 to vector<16xi32>
    %eq3A_4 = arith.cmpi eq, %iota3A, %eq3A_3 : vector<16xi32>
    %jit3A = arith.constant 0 : i32
    %broadcast_in_dim3A_5 = vector.broadcast %jit3A : i32 to vector<16xi32>
    %select_n3A = arith.select %eq3A_4, %gather3A, %broadcast_in_dim3A_5 : vector<16xi1>, vector<16xi32>
    %reduce_sum3A = arith.constant true
    %reduce_sum3A_6 = vector.broadcast %reduce_sum3A : i1 to vector<16xi1>
    %reduce_sum3A_7 = tpu.scan <sum>, %select_n3A masked %reduce_sum3A_6 : vector<16xi32>, vector<16xi1> -> vector<16xi32>
    %reduce_sum3A_8 = vector.extract %reduce_sum3A_7[15] : i32 from vector<16xi32>
    %eq3A_9 = arith.constant 0 : i32
    %eq3A_10 = arith.cmpi eq, %arg0, %eq3A_9 : i32
    %jit3A_11 = arith.constant 0 : i32
    %select_n3A_12 = arith.select %eq3A_10, %jit3A_11, %reduce_sum3A_8 : i32
    %eq3A_13 = arith.constant 0 : i32
    %eq3A_14 = arith.cmpi eq, %arg0, %eq3A_13 : i32
    %jit3A_15 = arith.constant 320000 : i32
    %select_n3A_16 = arith.select %eq3A_14, %reduce_sum3A_8, %jit3A_15 : i32
    %mul3A = arith.constant 5000 : i32
    %mul3A_17 = arith.muli %arg0, %mul3A : i32
    %jit3A_18 = arith.constant 128 : i32
    %div3A = arith.divsi %select_n3A_12, %jit3A_18 : i32
    %sign3A = arith.constant 0 : i32
    %sign3A_19 = arith.cmpi sgt, %select_n3A_12, %sign3A : i32
    %sign3A_20 = arith.extui %sign3A_19 : i1 to i32
    %sign3A_21 = arith.constant 0 : i32
    %sign3A_22 = arith.cmpi slt, %select_n3A_12, %sign3A_21 : i32
    %sign3A_23 = arith.extui %sign3A_22 : i1 to i32
    %sign3A_24 = arith.subi %sign3A_20, %sign3A_23 : i32
    %sign3A_25 = arith.constant 0 : i32
    %sign3A_26 = arith.cmpi sgt, %jit3A_18, %sign3A_25 : i32
    %sign3A_27 = arith.extui %sign3A_26 : i1 to i32
    %sign3A_28 = arith.constant 0 : i32
    %sign3A_29 = arith.cmpi slt, %jit3A_18, %sign3A_28 : i32
    %sign3A_30 = arith.extui %sign3A_29 : i1 to i32
    %sign3A_31 = arith.subi %sign3A_27, %sign3A_30 : i32
    %ne3A = arith.cmpi ne, %sign3A_24, %sign3A_31 : i32
    %rem3A = arith.remsi %select_n3A_12, %jit3A_18 : i32
    %ne3A_32 = arith.constant 0 : i32
    %ne3A_33 = arith.cmpi ne, %rem3A, %ne3A_32 : i32
    %and3A = arith.andi %ne3A, %ne3A_33 : i1
    %sub3A = arith.constant 1 : i32
    %sub3A_34 = arith.subi %div3A, %sub3A : i32
    %select_n3A_35 = arith.select %and3A, %sub3A_34, %div3A : i32
    %mul3A_36 = arith.constant 128 : i32
    %mul3A_37 = arith.muli %select_n3A_35, %mul3A_36 : i32
    %sub3A_38 = arith.subi %select_n3A_16, %mul3A_37 : i32
    %add3A = arith.constant 8192 : i32
    %add3A_39 = arith.addi %sub3A_38, %add3A : i32
    %sub3A_40 = arith.constant 1 : i32
    %sub3A_41 = arith.subi %add3A_39, %sub3A_40 : i32
    %jit3A_42 = arith.constant 8192 : i32
    %div3A_43 = arith.divsi %sub3A_41, %jit3A_42 : i32
    %sign3A_44 = arith.constant 0 : i32
    %sign3A_45 = arith.cmpi sgt, %sub3A_41, %sign3A_44 : i32
    %sign3A_46 = arith.extui %sign3A_45 : i1 to i32
    %sign3A_47 = arith.constant 0 : i32
    %sign3A_48 = arith.cmpi slt, %sub3A_41, %sign3A_47 : i32
    %sign3A_49 = arith.extui %sign3A_48 : i1 to i32
    %sign3A_50 = arith.subi %sign3A_46, %sign3A_49 : i32
    %sign3A_51 = arith.constant 0 : i32
    %sign3A_52 = arith.cmpi sgt, %jit3A_42, %sign3A_51 : i32
    %sign3A_53 = arith.extui %sign3A_52 : i1 to i32
    %sign3A_54 = arith.constant 0 : i32
    %sign3A_55 = arith.cmpi slt, %jit3A_42, %sign3A_54 : i32
    %sign3A_56 = arith.extui %sign3A_55 : i1 to i32
    %sign3A_57 = arith.subi %sign3A_53, %sign3A_56 : i32
    %ne3A_58 = arith.cmpi ne, %sign3A_50, %sign3A_57 : i32
    %rem3A_59 = arith.remsi %sub3A_41, %jit3A_42 : i32
    %ne3A_60 = arith.constant 0 : i32
    %ne3A_61 = arith.cmpi ne, %rem3A_59, %ne3A_60 : i32
    %and3A_62 = arith.andi %ne3A_58, %ne3A_61 : i1
    %sub3A_63 = arith.constant 1 : i32
    %sub3A_64 = arith.subi %div3A_43, %sub3A_63 : i32
    %select_n3A_65 = arith.select %and3A_62, %sub3A_64, %div3A_43 : i32
    %mul3A_66 = arith.constant 4 : i32
    %mul3A_67 = arith.muli %select_n3A_65, %mul3A_66 : i32
    %mul3A_68 = arith.muli %arg1, %mul3A_67 : i32
    %mul3A_69 = arith.constant 128 : i32
    %mul3A_70 = arith.muli %mul3A_68, %mul3A_69 : i32
    %add3A_71 = arith.addi %mul3A_37, %mul3A_70 : i32
    %scan3A = arith.constant 0 : i32
    %scan3A_72 = arith.constant 0 : i32
    %scan3A_73 = arith.constant 320 : i32
    %scan3A_74 = arith.addi %scan3A_72, %scan3A_73 : i32
    %scan3A_75 = arith.constant 1 : i32
    %scan3A_76 = scf.for %scan3A_272 = %scan3A_72 to %scan3A_74 step %scan3A_75 iter_args(%scan3A_273 = %scan3A) -> (i32)  : i32 {
      %mul3A_274 = arith.constant 16 : i32
      %mul3A_275 = arith.muli %scan3A_272, %mul3A_274 : i32
      %add3A_276 = vector.broadcast %mul3A_275 : i32 to vector<16xi32>
      %add3A_277 = arith.addi %add3A_276, %iota3A : vector<16xi32>
      tpu.vector_store_idx %arg19[%add3A_277], %broadcast_in_dim3A_0 : memref<5120xf32, #tpu.memory_space<vmem>>[vector<16xi32>], vector<16xf32>,
      %scan3A_278 = arith.constant 0 : i32
      scf.yield %scan3A_278 : i32
    }
    %scan3A_77 = arith.constant 320 : i32
    %scan3A_78 = arith.constant 0 : i32
    %scan3A_79 = arith.constant 0 : i32
    %scan3A_80 = arith.constant 1024 : i32
    %scan3A_81 = arith.addi %scan3A_79, %scan3A_80 : i32
    %scan3A_82 = arith.constant 1 : i32
    %scan3A_83 = scf.for %scan3A_272 = %scan3A_79 to %scan3A_81 step %scan3A_82 iter_args(%scan3A_273 = %scan3A_78) -> (i32)  : i32 {
      %mul3A_274 = arith.constant 16 : i32
      %mul3A_275 = arith.muli %scan3A_272, %mul3A_274 : i32
      %add3A_276 = vector.broadcast %mul3A_275 : i32 to vector<16xi32>
      %add3A_277 = arith.addi %add3A_276, %iota3A : vector<16xi32>
      %shift_right_arithmetic3A = arith.constant 7 : i32
      %shift_right_arithmetic3A_278 = vector.broadcast %shift_right_arithmetic3A : i32 to vector<16xi32>
      %shift_right_arithmetic3A_279 = arith.shrsi %add3A_277, %shift_right_arithmetic3A_278 : vector<16xi32>
      %and3A_280 = arith.constant 127 : i32
      %and3A_281 = vector.broadcast %and3A_280 : i32 to vector<16xi32>
      %and3A_282 = arith.andi %add3A_277, %and3A_281 : vector<16xi32>
      tpu.vector_store_idx %arg7[%shift_right_arithmetic3A_279, %and3A_282], %broadcast_in_dim3A_0 : memref<128x128xf32, #tpu.memory_space<vmem>>[vector<16xi32>, vector<16xi32>], vector<16xf32>,
      %scan3A_283 = arith.constant 0 : i32
      scf.yield %scan3A_283 : i32
    }
    %scan3A_84 = arith.constant 1024 : i32
    %mul3A_85 = arith.constant 320 : i32
    %mul3A_86 = arith.muli %arg1, %mul3A_85 : i32
    %add3A_87 = arith.constant 0 : i32
    %add3A_88 = arith.addi %mul3A_86, %add3A_87 : i32
    %multiple_of3A = tpu.assume_multiple %add3A_88, 8 : i32
    "tpu.region"() ({
      %run_scoped3A = tpu.sem_alloc : memref<!tpu.dma_semaphore, #tpu.memory_space<semaphore_mem>>
      %dma_start3A = arith.constant 0 : i32
      %dma_start3A_272 = arith.constant 0 : i32
      %dma_start3A_273 = tpu.memref_slice %arg7[%dma_start3A, %dma_start3A_272] : memref<128x128xf32, #tpu.memory_space<vmem>> -> memref<128x128xf32, #tpu.memory_space<vmem>>
      %dma_start3A_274 = arith.constant 0 : i32
      %dma_start3A_275 = tpu.memref_slice %arg22[%multiple_of3A, %dma_start3A_274] : memref<5120x128xf32, #tpu.memory_space<vmem_shared>> -> memref<128x128xf32, #tpu.memory_space<vmem_shared>>
      %dma_start3A_276 = arith.constant 0 : i32
      %dma_start3A_277 = tpu.memref_slice %arg22[%multiple_of3A, %dma_start3A_276] : memref<5120x128xf32, #tpu.memory_space<vmem_shared>> -> memref<128x128xf32, #tpu.memory_space<vmem_shared>>
      %dma_start3A_278 = arith.constant 0 : i32
      %dma_start3A_279 = arith.constant 0 : i32
      %dma_start3A_280 = tpu.memref_slice %arg7[%dma_start3A_278, %dma_start3A_279] : memref<128x128xf32, #tpu.memory_space<vmem>> -> memref<128x128xf32, #tpu.memory_space<vmem>>
      tpu.enqueue_dma source(%dma_start3A_280 : memref<128x128xf32, #tpu.memory_space<vmem>>) target(%dma_start3A_277 : memref<128x128xf32, #tpu.memory_space<vmem_shared>>) target_semaphore(%run_scoped3A : memref<!tpu.dma_semaphore, #tpu.memory_space<semaphore_mem>>)
      %dma_wait3A = arith.constant 0 : i32
      %dma_wait3A_281 = arith.constant 0 : i32
      %dma_wait3A_282 = tpu.memref_slice %arg7[%dma_wait3A, %dma_wait3A_281] : memref<128x128xf32, #tpu.memory_space<vmem>> -> memref<128x128xf32, #tpu.memory_space<vmem>>
      %dma_wait3A_283 = arith.constant 0 : i32
      %dma_wait3A_284 = tpu.memref_slice %arg22[%multiple_of3A, %dma_wait3A_283] : memref<5120x128xf32, #tpu.memory_space<vmem_shared>> -> memref<128x128xf32, #tpu.memory_space<vmem_shared>>
      %dma_wait3A_285 = arith.constant 0 : i32
      %dma_wait3A_286 = tpu.memref_slice %arg22[%multiple_of3A, %dma_wait3A_285] : memref<5120x128xf32, #tpu.memory_space<vmem_shared>> -> memref<128x128xf32, #tpu.memory_space<vmem_shared>>
      %dma_wait3A_287 = arith.constant 0 : i32
      %dma_wait3A_288 = arith.constant 0 : i32
      %dma_wait3A_289 = tpu.memref_slice %arg7[%dma_wait3A_287, %dma_wait3A_288] : memref<128x128xf32, #tpu.memory_space<vmem>> -> memref<128x128xf32, #tpu.memory_space<vmem>>
      tpu.wait_dma2 semaphore(%run_scoped3A : memref<!tpu.dma_semaphore, #tpu.memory_space<semaphore_mem>>) src(%dma_wait3A_289 : memref<128x128xf32, #tpu.memory_space<vmem>>) dst(%dma_wait3A_286 : memref<128x128xf32, #tpu.memory_space<vmem_shared>>)
      tpu.yield
    }) : () -> ()
    %mul3A_89 = arith.constant 320 : i32
    %mul3A_90 = arith.muli %arg1, %mul3A_89 : i32
    %add3A_91 = arith.constant 128 : i32
    %add3A_92 = arith.addi %mul3A_90, %add3A_91 : i32
    %multiple_of3A_93 = tpu.assume_multiple %add3A_92, 8 : i32
    "tpu.region"() ({
      %run_scoped3A = tpu.sem_alloc : memref<!tpu.dma_semaphore, #tpu.memory_space<semaphore_mem>>
      %dma_start3A = arith.constant 0 : i32
      %dma_start3A_272 = arith.constant 0 : i32
      %dma_start3A_273 = tpu.memref_slice %arg7[%dma_start3A, %dma_start3A_272] : memref<128x128xf32, #tpu.memory_space<vmem>> -> memref<128x128xf32, #tpu.memory_space<vmem>>
      %dma_start3A_274 = arith.constant 0 : i32
      %dma_start3A_275 = tpu.memref_slice %arg22[%multiple_of3A_93, %dma_start3A_274] : memref<5120x128xf32, #tpu.memory_space<vmem_shared>> -> memref<128x128xf32, #tpu.memory_space<vmem_shared>>
      %dma_start3A_276 = arith.constant 0 : i32
      %dma_start3A_277 = tpu.memref_slice %arg22[%multiple_of3A_93, %dma_start3A_276] : memref<5120x128xf32, #tpu.memory_space<vmem_shared>> -> memref<128x128xf32, #tpu.memory_space<vmem_shared>>
      %dma_start3A_278 = arith.constant 0 : i32
      %dma_start3A_279 = arith.constant 0 : i32
      %dma_start3A_280 = tpu.memref_slice %arg7[%dma_start3A_278, %dma_start3A_279] : memref<128x128xf32, #tpu.memory_space<vmem>> -> memref<128x128xf32, #tpu.memory_space<vmem>>
      tpu.enqueue_dma source(%dma_start3A_280 : memref<128x128xf32, #tpu.memory_space<vmem>>) target(%dma_start3A_277 : memref<128x128xf32, #tpu.memory_space<vmem_shared>>) target_semaphore(%run_scoped3A : memref<!tpu.dma_semaphore, #tpu.memory_space<semaphore_mem>>)
      %dma_wait3A = arith.constant 0 : i32
      %dma_wait3A_281 = arith.constant 0 : i32
      %dma_wait3A_282 = tpu.memref_slice %arg7[%dma_wait3A, %dma_wait3A_281] : memref<128x128xf32, #tpu.memory_space<vmem>> -> memref<128x128xf32, #tpu.memory_space<vmem>>
      %dma_wait3A_283 = arith.constant 0 : i32
      %dma_wait3A_284 = tpu.memref_slice %arg22[%multiple_of3A_93, %dma_wait3A_283] : memref<5120x128xf32, #tpu.memory_space<vmem_shared>> -> memref<128x128xf32, #tpu.memory_space<vmem_shared>>
      %dma_wait3A_285 = arith.constant 0 : i32
      %dma_wait3A_286 = tpu.memref_slice %arg22[%multiple_of3A_93, %dma_wait3A_285] : memref<5120x128xf32, #tpu.memory_space<vmem_shared>> -> memref<128x128xf32, #tpu.memory_space<vmem_shared>>
      %dma_wait3A_287 = arith.constant 0 : i32
      %dma_wait3A_288 = arith.constant 0 : i32
      %dma_wait3A_289 = tpu.memref_slice %arg7[%dma_wait3A_287, %dma_wait3A_288] : memref<128x128xf32, #tpu.memory_space<vmem>> -> memref<128x128xf32, #tpu.memory_space<vmem>>
      tpu.wait_dma2 semaphore(%run_scoped3A : memref<!tpu.dma_semaphore, #tpu.memory_space<semaphore_mem>>) src(%dma_wait3A_289 : memref<128x128xf32, #tpu.memory_space<vmem>>) dst(%dma_wait3A_286 : memref<128x128xf32, #tpu.memory_space<vmem_shared>>)
      tpu.yield
    }) : () -> ()
    %mul3A_94 = arith.constant 320 : i32
    %mul3A_95 = arith.muli %arg1, %mul3A_94 : i32
    %add3A_96 = arith.constant 256 : i32
    %add3A_97 = arith.addi %mul3A_95, %add3A_96 : i32
    %multiple_of3A_98 = tpu.assume_multiple %add3A_97, 8 : i32
    "tpu.region"() ({
      %run_scoped3A = tpu.sem_alloc : memref<!tpu.dma_semaphore, #tpu.memory_space<semaphore_mem>>
      %dma_start3A = arith.constant 0 : i32
      %dma_start3A_272 = arith.constant 0 : i32
      %dma_start3A_273 = tpu.memref_slice %arg7[%dma_start3A, %dma_start3A_272] : memref<128x128xf32, #tpu.memory_space<vmem>> -> memref<64x128xf32, #tpu.memory_space<vmem>>
      %dma_start3A_274 = arith.constant 0 : i32
      %dma_start3A_275 = tpu.memref_slice %arg22[%multiple_of3A_98, %dma_start3A_274] : memref<5120x128xf32, #tpu.memory_space<vmem_shared>> -> memref<64x128xf32, #tpu.memory_space<vmem_shared>>
      %dma_start3A_276 = arith.constant 0 : i32
      %dma_start3A_277 = tpu.memref_slice %arg22[%multiple_of3A_98, %dma_start3A_276] : memref<5120x128xf32, #tpu.memory_space<vmem_shared>> -> memref<64x128xf32, #tpu.memory_space<vmem_shared>>
      %dma_start3A_278 = arith.constant 0 : i32
      %dma_start3A_279 = arith.constant 0 : i32
      %dma_start3A_280 = tpu.memref_slice %arg7[%dma_start3A_278, %dma_start3A_279] : memref<128x128xf32, #tpu.memory_space<vmem>> -> memref<64x128xf32, #tpu.memory_space<vmem>>
      tpu.enqueue_dma source(%dma_start3A_280 : memref<64x128xf32, #tpu.memory_space<vmem>>) target(%dma_start3A_277 : memref<64x128xf32, #tpu.memory_space<vmem_shared>>) target_semaphore(%run_scoped3A : memref<!tpu.dma_semaphore, #tpu.memory_space<semaphore_mem>>)
      %dma_wait3A = arith.constant 0 : i32
      %dma_wait3A_281 = arith.constant 0 : i32
      %dma_wait3A_282 = tpu.memref_slice %arg7[%dma_wait3A, %dma_wait3A_281] : memref<128x128xf32, #tpu.memory_space<vmem>> -> memref<64x128xf32, #tpu.memory_space<vmem>>
      %dma_wait3A_283 = arith.constant 0 : i32
      %dma_wait3A_284 = tpu.memref_slice %arg22[%multiple_of3A_98, %dma_wait3A_283] : memref<5120x128xf32, #tpu.memory_space<vmem_shared>> -> memref<64x128xf32, #tpu.memory_space<vmem_shared>>
      %dma_wait3A_285 = arith.constant 0 : i32
      %dma_wait3A_286 = tpu.memref_slice %arg22[%multiple_of3A_98, %dma_wait3A_285] : memref<5120x128xf32, #tpu.memory_space<vmem_shared>> -> memref<64x128xf32, #tpu.memory_space<vmem_shared>>
      %dma_wait3A_287 = arith.constant 0 : i32
      %dma_wait3A_288 = arith.constant 0 : i32
      %dma_wait3A_289 = tpu.memref_slice %arg7[%dma_wait3A_287, %dma_wait3A_288] : memref<128x128xf32, #tpu.memory_space<vmem>> -> memref<64x128xf32, #tpu.memory_space<vmem>>
      tpu.wait_dma2 semaphore(%run_scoped3A : memref<!tpu.dma_semaphore, #tpu.memory_space<semaphore_mem>>) src(%dma_wait3A_289 : memref<64x128xf32, #tpu.memory_space<vmem>>) dst(%dma_wait3A_286 : memref<64x128xf32, #tpu.memory_space<vmem_shared>>)
      tpu.yield
    }) : () -> ()
    %barrier3A = arith.constant 0 : index
    tpu.barrier barrier_id(%barrier3A)
    %gt3A = arith.constant 0 : i32
    %gt3A_99 = arith.cmpi sgt, %mul3A_67, %gt3A : i32
    %convert_element_type3A = arith.extui %gt3A_99 : i1 to i32
    %cond3A = arith.constant 0 : i32
    %cond3A_100 = arith.cmpi ne, %convert_element_type3A, %cond3A : i32
    scf.if %cond3A_100 {
      %add3A_272 = arith.constant 0 : i32
      %add3A_273 = arith.addi %add3A_71, %add3A_272 : i32
      %min3A = arith.constant 319872 : i32
      %min3A_274 = arith.minsi %add3A_273, %min3A : i32
      %multiple_of3A_275 = tpu.assume_multiple %min3A_274, 128 : i32
      %dma_start3A = arith.constant 0 : i32
      %dma_start3A_276 = tpu.memref_slice %arg2[%multiple_of3A_275, %dma_start3A] : memref<320000x128xf32, #tpu.memory_space<hbm>> -> memref<128x128xf32, #tpu.memory_space<hbm>>
      %dma_start3A_277 = arith.constant 0 : i32
      %dma_start3A_278 = tpu.memref_slice %arg2[%multiple_of3A_275, %dma_start3A_277] : memref<320000x128xf32, #tpu.memory_space<hbm>> -> memref<128x128xf32, #tpu.memory_space<hbm>>
      tpu.enqueue_dma source(%dma_start3A_278 : memref<128x128xf32, #tpu.memory_space<hbm>>) target(%arg7 : memref<128x128xf32, #tpu.memory_space<vmem>>) target_semaphore(%arg24 : memref<!tpu.dma_semaphore, #tpu.memory_space<semaphore_mem>>)
      %dma_start3A_279 = tpu.memref_slice %arg3[%multiple_of3A_275] : memref<320000xi32, #tpu.memory_space<hbm>> -> memref<128xi32, #tpu.memory_space<hbm>>
      %dma_start3A_280 = tpu.memref_slice %arg3[%multiple_of3A_275] : memref<320000xi32, #tpu.memory_space<hbm>> -> memref<128xi32, #tpu.memory_space<hbm>>
      tpu.enqueue_dma source(%dma_start3A_280 : memref<128xi32, #tpu.memory_space<hbm>>) target(%arg11 : memref<128xi32, #tpu.memory_space<vmem>>) target_semaphore(%arg28 : memref<!tpu.dma_semaphore, #tpu.memory_space<semaphore_mem>>)
      %add3A_281 = arith.constant 128 : i32
      %add3A_282 = arith.addi %add3A_71, %add3A_281 : i32
      %min3A_283 = arith.constant 319872 : i32
      %min3A_284 = arith.minsi %add3A_282, %min3A_283 : i32
      %multiple_of3A_285 = tpu.assume_multiple %min3A_284, 128 : i32
      %dma_start3A_286 = arith.constant 0 : i32
      %dma_start3A_287 = tpu.memref_slice %arg2[%multiple_of3A_285, %dma_start3A_286] : memref<320000x128xf32, #tpu.memory_space<hbm>> -> memref<128x128xf32, #tpu.memory_space<hbm>>
      %dma_start3A_288 = arith.constant 0 : i32
      %dma_start3A_289 = tpu.memref_slice %arg2[%multiple_of3A_285, %dma_start3A_288] : memref<320000x128xf32, #tpu.memory_space<hbm>> -> memref<128x128xf32, #tpu.memory_space<hbm>>
      tpu.enqueue_dma source(%dma_start3A_289 : memref<128x128xf32, #tpu.memory_space<hbm>>) target(%arg8 : memref<128x128xf32, #tpu.memory_space<vmem>>) target_semaphore(%arg25 : memref<!tpu.dma_semaphore, #tpu.memory_space<semaphore_mem>>)
      %dma_start3A_290 = tpu.memref_slice %arg3[%multiple_of3A_285] : memref<320000xi32, #tpu.memory_space<hbm>> -> memref<128xi32, #tpu.memory_space<hbm>>
      %dma_start3A_291 = tpu.memref_slice %arg3[%multiple_of3A_285] : memref<320000xi32, #tpu.memory_space<hbm>> -> memref<128xi32, #tpu.memory_space<hbm>>
      tpu.enqueue_dma source(%dma_start3A_291 : memref<128xi32, #tpu.memory_space<hbm>>) target(%arg12 : memref<128xi32, #tpu.memory_space<vmem>>) target_semaphore(%arg29 : memref<!tpu.dma_semaphore, #tpu.memory_space<semaphore_mem>>)
      %add3A_292 = arith.constant 256 : i32
      %add3A_293 = arith.addi %add3A_71, %add3A_292 : i32
      %min3A_294 = arith.constant 319872 : i32
      %min3A_295 = arith.minsi %add3A_293, %min3A_294 : i32
      %multiple_of3A_296 = tpu.assume_multiple %min3A_295, 128 : i32
      %dma_start3A_297 = arith.constant 0 : i32
      %dma_start3A_298 = tpu.memref_slice %arg2[%multiple_of3A_296, %dma_start3A_297] : memref<320000x128xf32, #tpu.memory_space<hbm>> -> memref<128x128xf32, #tpu.memory_space<hbm>>
      %dma_start3A_299 = arith.constant 0 : i32
      %dma_start3A_300 = tpu.memref_slice %arg2[%multiple_of3A_296, %dma_start3A_299] : memref<320000x128xf32, #tpu.memory_space<hbm>> -> memref<128x128xf32, #tpu.memory_space<hbm>>
      tpu.enqueue_dma source(%dma_start3A_300 : memref<128x128xf32, #tpu.memory_space<hbm>>) target(%arg9 : memref<128x128xf32, #tpu.memory_space<vmem>>) target_semaphore(%arg26 : memref<!tpu.dma_semaphore, #tpu.memory_space<semaphore_mem>>)
      %dma_start3A_301 = tpu.memref_slice %arg3[%multiple_of3A_296] : memref<320000xi32, #tpu.memory_space<hbm>> -> memref<128xi32, #tpu.memory_space<hbm>>
      %dma_start3A_302 = tpu.memref_slice %arg3[%multiple_of3A_296] : memref<320000xi32, #tpu.memory_space<hbm>> -> memref<128xi32, #tpu.memory_space<hbm>>
      tpu.enqueue_dma source(%dma_start3A_302 : memref<128xi32, #tpu.memory_space<hbm>>) target(%arg13 : memref<128xi32, #tpu.memory_space<vmem>>) target_semaphore(%arg30 : memref<!tpu.dma_semaphore, #tpu.memory_space<semaphore_mem>>)
    } else {
    }
    %jit3A_101 = arith.constant 4 : i32
    %div3A_102 = arith.divsi %mul3A_67, %jit3A_101 : i32
    %sign3A_103 = arith.constant 0 : i32
    %sign3A_104 = arith.cmpi sgt, %mul3A_67, %sign3A_103 : i32
    %sign3A_105 = arith.extui %sign3A_104 : i1 to i32
    %sign3A_106 = arith.constant 0 : i32
    %sign3A_107 = arith.cmpi slt, %mul3A_67, %sign3A_106 : i32
    %sign3A_108 = arith.extui %sign3A_107 : i1 to i32
    %sign3A_109 = arith.subi %sign3A_105, %sign3A_108 : i32
    %sign3A_110 = arith.constant 0 : i32
    %sign3A_111 = arith.cmpi sgt, %jit3A_101, %sign3A_110 : i32
    %sign3A_112 = arith.extui %sign3A_111 : i1 to i32
    %sign3A_113 = arith.constant 0 : i32
    %sign3A_114 = arith.cmpi slt, %jit3A_101, %sign3A_113 : i32
    %sign3A_115 = arith.extui %sign3A_114 : i1 to i32
    %sign3A_116 = arith.subi %sign3A_112, %sign3A_115 : i32
    %ne3A_117 = arith.cmpi ne, %sign3A_109, %sign3A_116 : i32
    %rem3A_118 = arith.remsi %mul3A_67, %jit3A_101 : i32
    %ne3A_119 = arith.constant 0 : i32
    %ne3A_120 = arith.cmpi ne, %rem3A_118, %ne3A_119 : i32
    %and3A_121 = arith.andi %ne3A_117, %ne3A_120 : i1
    %sub3A_122 = arith.constant 1 : i32
    %sub3A_123 = arith.subi %div3A_102, %sub3A_122 : i32
    %select_n3A_124 = arith.select %and3A_121, %sub3A_123, %div3A_102 : i32
    %while3A = arith.constant 0 : i32
    %while3A_125 = arith.constant 0 : i32
    %while3A_126 = arith.subi %select_n3A_124, %while3A : i32
    %while3A_127 = arith.addi %while3A, %while3A_126 : i32
    %while3A_128 = arith.constant 1 : i32
    %while3A_129 = arith.divsi %while3A_126, %while3A_128 : i32
    %while3A_130 = arith.muli %while3A_129, %while3A_128 : i32
    %while3A_131 = arith.addi %while3A, %while3A_130 : i32
    %while3A_132 = arith.constant 1 : i32
    %while3A_133 = scf.for %while3A_272 = %while3A to %while3A_131 step %while3A_132 iter_args(%while3A_273 = %while3A_125) -> (i32)  : i32 {
      %mul3A_274 = arith.constant 4 : i32
      %mul3A_275 = arith.muli %while3A_272, %mul3A_274 : i32
      %add3A_276 = arith.constant 0 : i32
      %add3A_277 = arith.addi %mul3A_275, %add3A_276 : i32
      %mul3A_278 = arith.constant 128 : i32
      %mul3A_279 = arith.muli %add3A_277, %mul3A_278 : i32
      %add3A_280 = arith.addi %add3A_71, %mul3A_279 : i32
      %mul3A_281 = arith.constant 128 : i32
      %mul3A_282 = arith.muli %add3A_277, %mul3A_281 : i32
      %add3A_283 = arith.addi %add3A_71, %mul3A_282 : i32
      %min3A = arith.constant 319872 : i32
      %min3A_284 = arith.minsi %add3A_283, %min3A : i32
      %multiple_of3A_285 = tpu.assume_multiple %min3A_284, 128 : i32
      %max3A = arith.maxsi %add3A_280, %select_n3A_12 : i32
      %add3A_286 = arith.constant 128 : i32
      %add3A_287 = arith.addi %add3A_280, %add3A_286 : i32
      %min3A_288 = arith.minsi %add3A_287, %select_n3A_16 : i32
      %dma_wait3A = tpu.memref_slice %arg3[%multiple_of3A_285] : memref<320000xi32, #tpu.memory_space<hbm>> -> memref<128xi32, #tpu.memory_space<hbm>>
      %dma_wait3A_289 = tpu.memref_slice %arg3[%multiple_of3A_285] : memref<320000xi32, #tpu.memory_space<hbm>> -> memref<128xi32, #tpu.memory_space<hbm>>
      tpu.wait_dma2 semaphore(%arg28 : memref<!tpu.dma_semaphore, #tpu.memory_space<semaphore_mem>>) src(%dma_wait3A_289 : memref<128xi32, #tpu.memory_space<hbm>>) dst(%arg11 : memref<128xi32, #tpu.memory_space<vmem>>)
      %scan3A_290 = arith.constant 0 : i32
      %scan3A_291 = arith.constant 0 : i32
      %scan3A_292 = arith.constant 8 : i32
      %scan3A_293 = arith.addi %scan3A_291, %scan3A_292 : i32
      %scan3A_294 = arith.constant 1 : i32
      %scan3A_295 = scf.for %scan3A_450 = %scan3A_291 to %scan3A_293 step %scan3A_294 iter_args(%scan3A_451 = %scan3A_290) -> (i32)  : i32 {
        %mul3A_452 = arith.constant 16 : i32
        %mul3A_453 = arith.muli %scan3A_450, %mul3A_452 : i32
        %add3A_454 = vector.broadcast %mul3A_453 : i32 to vector<16xi32>
        %add3A_455 = arith.addi %add3A_454, %iota3A : vector<16xi32>
        %gather3A_456 = tpu.vector_load_idx %arg11[%add3A_455] : memref<128xi32, #tpu.memory_space<vmem>>[vector<16xi32>], vector<16xi32>,
        %add3A_457 = vector.broadcast %multiple_of3A_285 : i32 to vector<16xi32>
        %add3A_458 = arith.addi %add3A_457, %add3A_455 : vector<16xi32>
        %ge3A = vector.broadcast %max3A : i32 to vector<16xi32>
        %ge3A_459 = arith.cmpi sge, %add3A_458, %ge3A : vector<16xi32>
        %lt3A_460 = vector.broadcast %min3A_288 : i32 to vector<16xi32>
        %lt3A_461 = arith.cmpi slt, %add3A_458, %lt3A_460 : vector<16xi32>
        %and3A_462 = arith.andi %ge3A_459, %lt3A_461 : vector<16xi1>
        %sub3A_463 = vector.broadcast %mul3A_17 : i32 to vector<16xi32>
        %sub3A_464 = arith.subi %gather3A_456, %sub3A_463 : vector<16xi32>
        %jit3A_465 = arith.constant 5000 : i32
        %broadcast_in_dim3A_466 = vector.broadcast %jit3A_465 : i32 to vector<16xi32>
        %select_n3A_467 = arith.select %and3A_462, %sub3A_464, %broadcast_in_dim3A_466 : vector<16xi1>, vector<16xi32>
        tpu.vector_store_idx %arg15[%add3A_455], %select_n3A_467 : memref<128xi32, #tpu.memory_space<vmem>>[vector<16xi32>], vector<16xi32>,
        tpu.vector_store_idx %arg19[%select_n3A_467], %broadcast_in_dim3A_2 {add = true} : memref<5120xf32, #tpu.memory_space<vmem>>[vector<16xi32>], vector<16xf32>,
        %scan3A_468 = arith.constant 0 : i32
        scf.yield %scan3A_468 : i32
      }
      %scan3A_296 = arith.constant 8 : i32
      %mul3A_297 = arith.constant 128 : i32
      %mul3A_298 = arith.muli %add3A_277, %mul3A_297 : i32
      %add3A_299 = arith.addi %add3A_71, %mul3A_298 : i32
      %min3A_300 = arith.constant 319872 : i32
      %min3A_301 = arith.minsi %add3A_299, %min3A_300 : i32
      %multiple_of3A_302 = tpu.assume_multiple %min3A_301, 128 : i32
      %dma_wait3A_303 = arith.constant 0 : i32
      %dma_wait3A_304 = tpu.memref_slice %arg2[%multiple_of3A_302, %dma_wait3A_303] : memref<320000x128xf32, #tpu.memory_space<hbm>> -> memref<128x128xf32, #tpu.memory_space<hbm>>
      %dma_wait3A_305 = arith.constant 0 : i32
      %dma_wait3A_306 = tpu.memref_slice %arg2[%multiple_of3A_302, %dma_wait3A_305] : memref<320000x128xf32, #tpu.memory_space<hbm>> -> memref<128x128xf32, #tpu.memory_space<hbm>>
      tpu.wait_dma2 semaphore(%arg24 : memref<!tpu.dma_semaphore, #tpu.memory_space<semaphore_mem>>) src(%dma_wait3A_306 : memref<128x128xf32, #tpu.memory_space<hbm>>) dst(%arg7 : memref<128x128xf32, #tpu.memory_space<vmem>>)
      %dma_start3A = arith.constant 0 : i32
      %dma_start3A_307 = arith.constant 0 : i32
      %dma_start3A_308 = tpu.memref_slice %arg22[%dma_start3A, %dma_start3A_307] : memref<5120x128xf32, #tpu.memory_space<vmem_shared>> -> memref<5120x128xf32, #tpu.memory_space<vmem_shared>>
      tpu.enqueue_indirect_dma source(%arg7 : memref<128x128xf32, #tpu.memory_space<vmem>>) target(%dma_start3A_308 : memref<5120x128xf32, #tpu.memory_space<vmem_shared>>) offsets(%arg15 : memref<128xi32, #tpu.memory_space<vmem>>) semaphore(%arg32 : memref<!tpu.dma_semaphore, #tpu.memory_space<semaphore_mem>>) {add = true}
      %add3A_309 = arith.constant 3 : i32
      %add3A_310 = arith.addi %add3A_277, %add3A_309 : i32
      %lt3A = arith.cmpi slt, %add3A_310, %mul3A_67 : i32
      %convert_element_type3A_311 = arith.extui %lt3A : i1 to i32
      %cond3A_312 = arith.constant 0 : i32
      %cond3A_313 = arith.cmpi ne, %convert_element_type3A_311, %cond3A_312 : i32
      scf.if %cond3A_313 {
        %ge3A = arith.constant 1 : i32
        %ge3A_450 = arith.cmpi sge, %add3A_277, %ge3A : i32
        %convert_element_type3A_451 = arith.extui %ge3A_450 : i1 to i32
        %cond3A_452 = arith.constant 0 : i32
        %cond3A_453 = arith.cmpi ne, %convert_element_type3A_451, %cond3A_452 : i32
        scf.if %cond3A_453 {
          %dma_wait3A_468 = arith.constant 0 : i32
          %dma_wait3A_469 = arith.constant 0 : i32
          %dma_wait3A_470 = tpu.memref_slice %arg22[%dma_wait3A_468, %dma_wait3A_469] : memref<5120x128xf32, #tpu.memory_space<vmem_shared>> -> memref<5120x128xf32, #tpu.memory_space<vmem_shared>>
          tpu.wait_indirect_dma semaphore(%arg35 : memref<!tpu.dma_semaphore, #tpu.memory_space<semaphore_mem>>) src(%arg10 : memref<128x128xf32, #tpu.memory_space<vmem>>) dst(%dma_wait3A_470 : memref<5120x128xf32, #tpu.memory_space<vmem_shared>>)
        } else {
        }
        %add3A_454 = arith.constant 3 : i32
        %add3A_455 = arith.addi %add3A_277, %add3A_454 : i32
        %mul3A_456 = arith.constant 128 : i32
        %mul3A_457 = arith.muli %add3A_455, %mul3A_456 : i32
        %add3A_458 = arith.addi %add3A_71, %mul3A_457 : i32
        %min3A_459 = arith.constant 319872 : i32
        %min3A_460 = arith.minsi %add3A_458, %min3A_459 : i32
        %multiple_of3A_461 = tpu.assume_multiple %min3A_460, 128 : i32
        %dma_start3A_462 = arith.constant 0 : i32
        %dma_start3A_463 = tpu.memref_slice %arg2[%multiple_of3A_461, %dma_start3A_462] : memref<320000x128xf32, #tpu.memory_space<hbm>> -> memref<128x128xf32, #tpu.memory_space<hbm>>
        %dma_start3A_464 = arith.constant 0 : i32
        %dma_start3A_465 = tpu.memref_slice %arg2[%multiple_of3A_461, %dma_start3A_464] : memref<320000x128xf32, #tpu.memory_space<hbm>> -> memref<128x128xf32, #tpu.memory_space<hbm>>
        tpu.enqueue_dma source(%dma_start3A_465 : memref<128x128xf32, #tpu.memory_space<hbm>>) target(%arg10 : memref<128x128xf32, #tpu.memory_space<vmem>>) target_semaphore(%arg27 : memref<!tpu.dma_semaphore, #tpu.memory_space<semaphore_mem>>)
        %dma_start3A_466 = tpu.memref_slice %arg3[%multiple_of3A_461] : memref<320000xi32, #tpu.memory_space<hbm>> -> memref<128xi32, #tpu.memory_space<hbm>>
        %dma_start3A_467 = tpu.memref_slice %arg3[%multiple_of3A_461] : memref<320000xi32, #tpu.memory_space<hbm>> -> memref<128xi32, #tpu.memory_space<hbm>>
        tpu.enqueue_dma source(%dma_start3A_467 : memref<128xi32, #tpu.memory_space<hbm>>) target(%arg14 : memref<128xi32, #tpu.memory_space<vmem>>) target_semaphore(%arg31 : memref<!tpu.dma_semaphore, #tpu.memory_space<semaphore_mem>>)
      } else {
      }
      %mul3A_314 = arith.constant 4 : i32
      %mul3A_315 = arith.muli %while3A_272, %mul3A_314 : i32
      %add3A_316 = arith.constant 1 : i32
      %add3A_317 = arith.addi %mul3A_315, %add3A_316 : i32
      %mul3A_318 = arith.constant 128 : i32
      %mul3A_319 = arith.muli %add3A_317, %mul3A_318 : i32
      %add3A_320 = arith.addi %add3A_71, %mul3A_319 : i32
      %mul3A_321 = arith.constant 128 : i32
      %mul3A_322 = arith.muli %add3A_317, %mul3A_321 : i32
      %add3A_323 = arith.addi %add3A_71, %mul3A_322 : i32
      %min3A_324 = arith.constant 319872 : i32
      %min3A_325 = arith.minsi %add3A_323, %min3A_324 : i32
      %multiple_of3A_326 = tpu.assume_multiple %min3A_325, 128 : i32
      %max3A_327 = arith.maxsi %add3A_320, %select_n3A_12 : i32
      %add3A_328 = arith.constant 128 : i32
      %add3A_329 = arith.addi %add3A_320, %add3A_328 : i32
      %min3A_330 = arith.minsi %add3A_329, %select_n3A_16 : i32
      %dma_wait3A_331 = tpu.memref_slice %arg3[%multiple_of3A_326] : memref<320000xi32, #tpu.memory_space<hbm>> -> memref<128xi32, #tpu.memory_space<hbm>>
      %dma_wait3A_332 = tpu.memref_slice %arg3[%multiple_of3A_326] : memref<320000xi32, #tpu.memory_space<hbm>> -> memref<128xi32, #tpu.memory_space<hbm>>
      tpu.wait_dma2 semaphore(%arg29 : memref<!tpu.dma_semaphore, #tpu.memory_space<semaphore_mem>>) src(%dma_wait3A_332 : memref<128xi32, #tpu.memory_space<hbm>>) dst(%arg12 : memref<128xi32, #tpu.memory_space<vmem>>)
      %scan3A_333 = arith.constant 0 : i32
      %scan3A_334 = arith.constant 0 : i32
      %scan3A_335 = arith.constant 8 : i32
      %scan3A_336 = arith.addi %scan3A_334, %scan3A_335 : i32
      %scan3A_337 = arith.constant 1 : i32
      %scan3A_338 = scf.for %scan3A_450 = %scan3A_334 to %scan3A_336 step %scan3A_337 iter_args(%scan3A_451 = %scan3A_333) -> (i32)  : i32 {
        %mul3A_452 = arith.constant 16 : i32
        %mul3A_453 = arith.muli %scan3A_450, %mul3A_452 : i32
        %add3A_454 = vector.broadcast %mul3A_453 : i32 to vector<16xi32>
        %add3A_455 = arith.addi %add3A_454, %iota3A : vector<16xi32>
        %gather3A_456 = tpu.vector_load_idx %arg12[%add3A_455] : memref<128xi32, #tpu.memory_space<vmem>>[vector<16xi32>], vector<16xi32>,
        %add3A_457 = vector.broadcast %multiple_of3A_326 : i32 to vector<16xi32>
        %add3A_458 = arith.addi %add3A_457, %add3A_455 : vector<16xi32>
        %ge3A = vector.broadcast %max3A_327 : i32 to vector<16xi32>
        %ge3A_459 = arith.cmpi sge, %add3A_458, %ge3A : vector<16xi32>
        %lt3A_460 = vector.broadcast %min3A_330 : i32 to vector<16xi32>
        %lt3A_461 = arith.cmpi slt, %add3A_458, %lt3A_460 : vector<16xi32>
        %and3A_462 = arith.andi %ge3A_459, %lt3A_461 : vector<16xi1>
        %sub3A_463 = vector.broadcast %mul3A_17 : i32 to vector<16xi32>
        %sub3A_464 = arith.subi %gather3A_456, %sub3A_463 : vector<16xi32>
        %jit3A_465 = arith.constant 5000 : i32
        %broadcast_in_dim3A_466 = vector.broadcast %jit3A_465 : i32 to vector<16xi32>
        %select_n3A_467 = arith.select %and3A_462, %sub3A_464, %broadcast_in_dim3A_466 : vector<16xi1>, vector<16xi32>
        tpu.vector_store_idx %arg16[%add3A_455], %select_n3A_467 : memref<128xi32, #tpu.memory_space<vmem>>[vector<16xi32>], vector<16xi32>,
        tpu.vector_store_idx %arg19[%select_n3A_467], %broadcast_in_dim3A_2 {add = true} : memref<5120xf32, #tpu.memory_space<vmem>>[vector<16xi32>], vector<16xf32>,
        %scan3A_468 = arith.constant 0 : i32
        scf.yield %scan3A_468 : i32
      }
      %scan3A_339 = arith.constant 8 : i32
      %mul3A_340 = arith.constant 128 : i32
      %mul3A_341 = arith.muli %add3A_317, %mul3A_340 : i32
      %add3A_342 = arith.addi %add3A_71, %mul3A_341 : i32
      %min3A_343 = arith.constant 319872 : i32
      %min3A_344 = arith.minsi %add3A_342, %min3A_343 : i32
      %multiple_of3A_345 = tpu.assume_multiple %min3A_344, 128 : i32
      %dma_wait3A_346 = arith.constant 0 : i32
      %dma_wait3A_347 = tpu.memref_slice %arg2[%multiple_of3A_345, %dma_wait3A_346] : memref<320000x128xf32, #tpu.memory_space<hbm>> -> memref<128x128xf32, #tpu.memory_space<hbm>>
      %dma_wait3A_348 = arith.constant 0 : i32
      %dma_wait3A_349 = tpu.memref_slice %arg2[%multiple_of3A_345, %dma_wait3A_348] : memref<320000x128xf32, #tpu.memory_space<hbm>> -> memref<128x128xf32, #tpu.memory_space<hbm>>
      tpu.wait_dma2 semaphore(%arg25 : memref<!tpu.dma_semaphore, #tpu.memory_space<semaphore_mem>>) src(%dma_wait3A_349 : memref<128x128xf32, #tpu.memory_space<hbm>>) dst(%arg8 : memref<128x128xf32, #tpu.memory_space<vmem>>)
      %dma_start3A_350 = arith.constant 0 : i32
      %dma_start3A_351 = arith.constant 0 : i32
      %dma_start3A_352 = tpu.memref_slice %arg22[%dma_start3A_350, %dma_start3A_351] : memref<5120x128xf32, #tpu.memory_space<vmem_shared>> -> memref<5120x128xf32, #tpu.memory_space<vmem_shared>>
      tpu.enqueue_indirect_dma source(%arg8 : memref<128x128xf32, #tpu.memory_space<vmem>>) target(%dma_start3A_352 : memref<5120x128xf32, #tpu.memory_space<vmem_shared>>) offsets(%arg16 : memref<128xi32, #tpu.memory_space<vmem>>) semaphore(%arg33 : memref<!tpu.dma_semaphore, #tpu.memory_space<semaphore_mem>>) {add = true}
      %add3A_353 = arith.constant 3 : i32
      %add3A_354 = arith.addi %add3A_317, %add3A_353 : i32
      %lt3A_355 = arith.cmpi slt, %add3A_354, %mul3A_67 : i32
      %convert_element_type3A_356 = arith.extui %lt3A_355 : i1 to i32
      %cond3A_357 = arith.constant 0 : i32
      %cond3A_358 = arith.cmpi ne, %convert_element_type3A_356, %cond3A_357 : i32
      scf.if %cond3A_358 {
        %dma_wait3A_450 = arith.constant 0 : i32
        %dma_wait3A_451 = arith.constant 0 : i32
        %dma_wait3A_452 = tpu.memref_slice %arg22[%dma_wait3A_450, %dma_wait3A_451] : memref<5120x128xf32, #tpu.memory_space<vmem_shared>> -> memref<5120x128xf32, #tpu.memory_space<vmem_shared>>
        tpu.wait_indirect_dma semaphore(%arg32 : memref<!tpu.dma_semaphore, #tpu.memory_space<semaphore_mem>>) src(%arg7 : memref<128x128xf32, #tpu.memory_space<vmem>>) dst(%dma_wait3A_452 : memref<5120x128xf32, #tpu.memory_space<vmem_shared>>)
        %add3A_453 = arith.constant 3 : i32
        %add3A_454 = arith.addi %add3A_317, %add3A_453 : i32
        %mul3A_455 = arith.constant 128 : i32
        %mul3A_456 = arith.muli %add3A_454, %mul3A_455 : i32
        %add3A_457 = arith.addi %add3A_71, %mul3A_456 : i32
        %min3A_458 = arith.constant 319872 : i32
        %min3A_459 = arith.minsi %add3A_457, %min3A_458 : i32
        %multiple_of3A_460 = tpu.assume_multiple %min3A_459, 128 : i32
        %dma_start3A_461 = arith.constant 0 : i32
        %dma_start3A_462 = tpu.memref_slice %arg2[%multiple_of3A_460, %dma_start3A_461] : memref<320000x128xf32, #tpu.memory_space<hbm>> -> memref<128x128xf32, #tpu.memory_space<hbm>>
        %dma_start3A_463 = arith.constant 0 : i32
        %dma_start3A_464 = tpu.memref_slice %arg2[%multiple_of3A_460, %dma_start3A_463] : memref<320000x128xf32, #tpu.memory_space<hbm>> -> memref<128x128xf32, #tpu.memory_space<hbm>>
        tpu.enqueue_dma source(%dma_start3A_464 : memref<128x128xf32, #tpu.memory_space<hbm>>) target(%arg7 : memref<128x128xf32, #tpu.memory_space<vmem>>) target_semaphore(%arg24 : memref<!tpu.dma_semaphore, #tpu.memory_space<semaphore_mem>>)
        %dma_start3A_465 = tpu.memref_slice %arg3[%multiple_of3A_460] : memref<320000xi32, #tpu.memory_space<hbm>> -> memref<128xi32, #tpu.memory_space<hbm>>
        %dma_start3A_466 = tpu.memref_slice %arg3[%multiple_of3A_460] : memref<320000xi32, #tpu.memory_space<hbm>> -> memref<128xi32, #tpu.memory_space<hbm>>
        tpu.enqueue_dma source(%dma_start3A_466 : memref<128xi32, #tpu.memory_space<hbm>>) target(%arg11 : memref<128xi32, #tpu.memory_space<vmem>>) target_semaphore(%arg28 : memref<!tpu.dma_semaphore, #tpu.memory_space<semaphore_mem>>)
      } else {
      }
      %mul3A_359 = arith.constant 4 : i32
      %mul3A_360 = arith.muli %while3A_272, %mul3A_359 : i32
      %add3A_361 = arith.constant 2 : i32
      %add3A_362 = arith.addi %mul3A_360, %add3A_361 : i32
      %mul3A_363 = arith.constant 128 : i32
      %mul3A_364 = arith.muli %add3A_362, %mul3A_363 : i32
      %add3A_365 = arith.addi %add3A_71, %mul3A_364 : i32
      %mul3A_366 = arith.constant 128 : i32
      %mul3A_367 = arith.muli %add3A_362, %mul3A_366 : i32
      %add3A_368 = arith.addi %add3A_71, %mul3A_367 : i32
      %min3A_369 = arith.constant 319872 : i32
      %min3A_370 = arith.minsi %add3A_368, %min3A_369 : i32
      %multiple_of3A_371 = tpu.assume_multiple %min3A_370, 128 : i32
      %max3A_372 = arith.maxsi %add3A_365, %select_n3A_12 : i32
      %add3A_373 = arith.constant 128 : i32
      %add3A_374 = arith.addi %add3A_365, %add3A_373 : i32
      %min3A_375 = arith.minsi %add3A_374, %select_n3A_16 : i32
      %dma_wait3A_376 = tpu.memref_slice %arg3[%multiple_of3A_371] : memref<320000xi32, #tpu.memory_space<hbm>> -> memref<128xi32, #tpu.memory_space<hbm>>
      %dma_wait3A_377 = tpu.memref_slice %arg3[%multiple_of3A_371] : memref<320000xi32, #tpu.memory_space<hbm>> -> memref<128xi32, #tpu.memory_space<hbm>>
      tpu.wait_dma2 semaphore(%arg30 : memref<!tpu.dma_semaphore, #tpu.memory_space<semaphore_mem>>) src(%dma_wait3A_377 : memref<128xi32, #tpu.memory_space<hbm>>) dst(%arg13 : memref<128xi32, #tpu.memory_space<vmem>>)
      %scan3A_378 = arith.constant 0 : i32
      %scan3A_379 = arith.constant 0 : i32
      %scan3A_380 = arith.constant 8 : i32
      %scan3A_381 = arith.addi %scan3A_379, %scan3A_380 : i32
      %scan3A_382 = arith.constant 1 : i32
      %scan3A_383 = scf.for %scan3A_450 = %scan3A_379 to %scan3A_381 step %scan3A_382 iter_args(%scan3A_451 = %scan3A_378) -> (i32)  : i32 {
        %mul3A_452 = arith.constant 16 : i32
        %mul3A_453 = arith.muli %scan3A_450, %mul3A_452 : i32
        %add3A_454 = vector.broadcast %mul3A_453 : i32 to vector<16xi32>
        %add3A_455 = arith.addi %add3A_454, %iota3A : vector<16xi32>
        %gather3A_456 = tpu.vector_load_idx %arg13[%add3A_455] : memref<128xi32, #tpu.memory_space<vmem>>[vector<16xi32>], vector<16xi32>,
        %add3A_457 = vector.broadcast %multiple_of3A_371 : i32 to vector<16xi32>
        %add3A_458 = arith.addi %add3A_457, %add3A_455 : vector<16xi32>
        %ge3A = vector.broadcast %max3A_372 : i32 to vector<16xi32>
        %ge3A_459 = arith.cmpi sge, %add3A_458, %ge3A : vector<16xi32>
        %lt3A_460 = vector.broadcast %min3A_375 : i32 to vector<16xi32>
        %lt3A_461 = arith.cmpi slt, %add3A_458, %lt3A_460 : vector<16xi32>
        %and3A_462 = arith.andi %ge3A_459, %lt3A_461 : vector<16xi1>
        %sub3A_463 = vector.broadcast %mul3A_17 : i32 to vector<16xi32>
        %sub3A_464 = arith.subi %gather3A_456, %sub3A_463 : vector<16xi32>
        %jit3A_465 = arith.constant 5000 : i32
        %broadcast_in_dim3A_466 = vector.broadcast %jit3A_465 : i32 to vector<16xi32>
        %select_n3A_467 = arith.select %and3A_462, %sub3A_464, %broadcast_in_dim3A_466 : vector<16xi1>, vector<16xi32>
        tpu.vector_store_idx %arg17[%add3A_455], %select_n3A_467 : memref<128xi32, #tpu.memory_space<vmem>>[vector<16xi32>], vector<16xi32>,
        tpu.vector_store_idx %arg19[%select_n3A_467], %broadcast_in_dim3A_2 {add = true} : memref<5120xf32, #tpu.memory_space<vmem>>[vector<16xi32>], vector<16xf32>,
        %scan3A_468 = arith.constant 0 : i32
        scf.yield %scan3A_468 : i32
      }
      %scan3A_384 = arith.constant 8 : i32
      %mul3A_385 = arith.constant 128 : i32
      %mul3A_386 = arith.muli %add3A_362, %mul3A_385 : i32
      %add3A_387 = arith.addi %add3A_71, %mul3A_386 : i32
      %min3A_388 = arith.constant 319872 : i32
      %min3A_389 = arith.minsi %add3A_387, %min3A_388 : i32
      %multiple_of3A_390 = tpu.assume_multiple %min3A_389, 128 : i32
      %dma_wait3A_391 = arith.constant 0 : i32
      %dma_wait3A_392 = tpu.memref_slice %arg2[%multiple_of3A_390, %dma_wait3A_391] : memref<320000x128xf32, #tpu.memory_space<hbm>> -> memref<128x128xf32, #tpu.memory_space<hbm>>
      %dma_wait3A_393 = arith.constant 0 : i32
      %dma_wait3A_394 = tpu.memref_slice %arg2[%multiple_of3A_390, %dma_wait3A_393] : memref<320000x128xf32, #tpu.memory_space<hbm>> -> memref<128x128xf32, #tpu.memory_space<hbm>>
      tpu.wait_dma2 semaphore(%arg26 : memref<!tpu.dma_semaphore, #tpu.memory_space<semaphore_mem>>) src(%dma_wait3A_394 : memref<128x128xf32, #tpu.memory_space<hbm>>) dst(%arg9 : memref<128x128xf32, #tpu.memory_space<vmem>>)
      %dma_start3A_395 = arith.constant 0 : i32
      %dma_start3A_396 = arith.constant 0 : i32
      %dma_start3A_397 = tpu.memref_slice %arg22[%dma_start3A_395, %dma_start3A_396] : memref<5120x128xf32, #tpu.memory_space<vmem_shared>> -> memref<5120x128xf32, #tpu.memory_space<vmem_shared>>
      tpu.enqueue_indirect_dma source(%arg9 : memref<128x128xf32, #tpu.memory_space<vmem>>) target(%dma_start3A_397 : memref<5120x128xf32, #tpu.memory_space<vmem_shared>>) offsets(%arg17 : memref<128xi32, #tpu.memory_space<vmem>>) semaphore(%arg34 : memref<!tpu.dma_semaphore, #tpu.memory_space<semaphore_mem>>) {add = true}
      %add3A_398 = arith.constant 3 : i32
      %add3A_399 = arith.addi %add3A_362, %add3A_398 : i32
      %lt3A_400 = arith.cmpi slt, %add3A_399, %mul3A_67 : i32
      %convert_element_type3A_401 = arith.extui %lt3A_400 : i1 to i32
      %cond3A_402 = arith.constant 0 : i32
      %cond3A_403 = arith.cmpi ne, %convert_element_type3A_401, %cond3A_402 : i32
      scf.if %cond3A_403 {
        %dma_wait3A_450 = arith.constant 0 : i32
        %dma_wait3A_451 = arith.constant 0 : i32
        %dma_wait3A_452 = tpu.memref_slice %arg22[%dma_wait3A_450, %dma_wait3A_451] : memref<5120x128xf32, #tpu.memory_space<vmem_shared>> -> memref<5120x128xf32, #tpu.memory_space<vmem_shared>>
        tpu.wait_indirect_dma semaphore(%arg33 : memref<!tpu.dma_semaphore, #tpu.memory_space<semaphore_mem>>) src(%arg8 : memref<128x128xf32, #tpu.memory_space<vmem>>) dst(%dma_wait3A_452 : memref<5120x128xf32, #tpu.memory_space<vmem_shared>>)
        %add3A_453 = arith.constant 3 : i32
        %add3A_454 = arith.addi %add3A_362, %add3A_453 : i32
        %mul3A_455 = arith.constant 128 : i32
        %mul3A_456 = arith.muli %add3A_454, %mul3A_455 : i32
        %add3A_457 = arith.addi %add3A_71, %mul3A_456 : i32
        %min3A_458 = arith.constant 319872 : i32
        %min3A_459 = arith.minsi %add3A_457, %min3A_458 : i32
        %multiple_of3A_460 = tpu.assume_multiple %min3A_459, 128 : i32
        %dma_start3A_461 = arith.constant 0 : i32
        %dma_start3A_462 = tpu.memref_slice %arg2[%multiple_of3A_460, %dma_start3A_461] : memref<320000x128xf32, #tpu.memory_space<hbm>> -> memref<128x128xf32, #tpu.memory_space<hbm>>
        %dma_start3A_463 = arith.constant 0 : i32
        %dma_start3A_464 = tpu.memref_slice %arg2[%multiple_of3A_460, %dma_start3A_463] : memref<320000x128xf32, #tpu.memory_space<hbm>> -> memref<128x128xf32, #tpu.memory_space<hbm>>
        tpu.enqueue_dma source(%dma_start3A_464 : memref<128x128xf32, #tpu.memory_space<hbm>>) target(%arg8 : memref<128x128xf32, #tpu.memory_space<vmem>>) target_semaphore(%arg25 : memref<!tpu.dma_semaphore, #tpu.memory_space<semaphore_mem>>)
        %dma_start3A_465 = tpu.memref_slice %arg3[%multiple_of3A_460] : memref<320000xi32, #tpu.memory_space<hbm>> -> memref<128xi32, #tpu.memory_space<hbm>>
        %dma_start3A_466 = tpu.memref_slice %arg3[%multiple_of3A_460] : memref<320000xi32, #tpu.memory_space<hbm>> -> memref<128xi32, #tpu.memory_space<hbm>>
        tpu.enqueue_dma source(%dma_start3A_466 : memref<128xi32, #tpu.memory_space<hbm>>) target(%arg12 : memref<128xi32, #tpu.memory_space<vmem>>) target_semaphore(%arg29 : memref<!tpu.dma_semaphore, #tpu.memory_space<semaphore_mem>>)
      } else {
      }
      %mul3A_404 = arith.constant 4 : i32
      %mul3A_405 = arith.muli %while3A_272, %mul3A_404 : i32
      %add3A_406 = arith.constant 3 : i32
      %add3A_407 = arith.addi %mul3A_405, %add3A_406 : i32
      %mul3A_408 = arith.constant 128 : i32
      %mul3A_409 = arith.muli %add3A_407, %mul3A_408 : i32
      %add3A_410 = arith.addi %add3A_71, %mul3A_409 : i32
      %mul3A_411 = arith.constant 128 : i32
      %mul3A_412 = arith.muli %add3A_407, %mul3A_411 : i32
      %add3A_413 = arith.addi %add3A_71, %mul3A_412 : i32
      %min3A_414 = arith.constant 319872 : i32
      %min3A_415 = arith.minsi %add3A_413, %min3A_414 : i32
      %multiple_of3A_416 = tpu.assume_multiple %min3A_415, 128 : i32
      %max3A_417 = arith.maxsi %add3A_410, %select_n3A_12 : i32
      %add3A_418 = arith.constant 128 : i32
      %add3A_419 = arith.addi %add3A_410, %add3A_418 : i32
      %min3A_420 = arith.minsi %add3A_419, %select_n3A_16 : i32
      %dma_wait3A_421 = tpu.memref_slice %arg3[%multiple_of3A_416] : memref<320000xi32, #tpu.memory_space<hbm>> -> memref<128xi32, #tpu.memory_space<hbm>>
      %dma_wait3A_422 = tpu.memref_slice %arg3[%multiple_of3A_416] : memref<320000xi32, #tpu.memory_space<hbm>> -> memref<128xi32, #tpu.memory_space<hbm>>
      tpu.wait_dma2 semaphore(%arg31 : memref<!tpu.dma_semaphore, #tpu.memory_space<semaphore_mem>>) src(%dma_wait3A_422 : memref<128xi32, #tpu.memory_space<hbm>>) dst(%arg14 : memref<128xi32, #tpu.memory_space<vmem>>)
      %scan3A_423 = arith.constant 0 : i32
      %scan3A_424 = arith.constant 0 : i32
      %scan3A_425 = arith.constant 8 : i32
      %scan3A_426 = arith.addi %scan3A_424, %scan3A_425 : i32
      %scan3A_427 = arith.constant 1 : i32
      %scan3A_428 = scf.for %scan3A_450 = %scan3A_424 to %scan3A_426 step %scan3A_427 iter_args(%scan3A_451 = %scan3A_423) -> (i32)  : i32 {
        %mul3A_452 = arith.constant 16 : i32
        %mul3A_453 = arith.muli %scan3A_450, %mul3A_452 : i32
        %add3A_454 = vector.broadcast %mul3A_453 : i32 to vector<16xi32>
        %add3A_455 = arith.addi %add3A_454, %iota3A : vector<16xi32>
        %gather3A_456 = tpu.vector_load_idx %arg14[%add3A_455] : memref<128xi32, #tpu.memory_space<vmem>>[vector<16xi32>], vector<16xi32>,
        %add3A_457 = vector.broadcast %multiple_of3A_416 : i32 to vector<16xi32>
        %add3A_458 = arith.addi %add3A_457, %add3A_455 : vector<16xi32>
        %ge3A = vector.broadcast %max3A_417 : i32 to vector<16xi32>
        %ge3A_459 = arith.cmpi sge, %add3A_458, %ge3A : vector<16xi32>
        %lt3A_460 = vector.broadcast %min3A_420 : i32 to vector<16xi32>
        %lt3A_461 = arith.cmpi slt, %add3A_458, %lt3A_460 : vector<16xi32>
        %and3A_462 = arith.andi %ge3A_459, %lt3A_461 : vector<16xi1>
        %sub3A_463 = vector.broadcast %mul3A_17 : i32 to vector<16xi32>
        %sub3A_464 = arith.subi %gather3A_456, %sub3A_463 : vector<16xi32>
        %jit3A_465 = arith.constant 5000 : i32
        %broadcast_in_dim3A_466 = vector.broadcast %jit3A_465 : i32 to vector<16xi32>
        %select_n3A_467 = arith.select %and3A_462, %sub3A_464, %broadcast_in_dim3A_466 : vector<16xi1>, vector<16xi32>
        tpu.vector_store_idx %arg18[%add3A_455], %select_n3A_467 : memref<128xi32, #tpu.memory_space<vmem>>[vector<16xi32>], vector<16xi32>,
        tpu.vector_store_idx %arg19[%select_n3A_467], %broadcast_in_dim3A_2 {add = true} : memref<5120xf32, #tpu.memory_space<vmem>>[vector<16xi32>], vector<16xf32>,
        %scan3A_468 = arith.constant 0 : i32
        scf.yield %scan3A_468 : i32
      }
      %scan3A_429 = arith.constant 8 : i32
      %mul3A_430 = arith.constant 128 : i32
      %mul3A_431 = arith.muli %add3A_407, %mul3A_430 : i32
      %add3A_432 = arith.addi %add3A_71, %mul3A_431 : i32
      %min3A_433 = arith.constant 319872 : i32
      %min3A_434 = arith.minsi %add3A_432, %min3A_433 : i32
      %multiple_of3A_435 = tpu.assume_multiple %min3A_434, 128 : i32
      %dma_wait3A_436 = arith.constant 0 : i32
      %dma_wait3A_437 = tpu.memref_slice %arg2[%multiple_of3A_435, %dma_wait3A_436] : memref<320000x128xf32, #tpu.memory_space<hbm>> -> memref<128x128xf32, #tpu.memory_space<hbm>>
      %dma_wait3A_438 = arith.constant 0 : i32
      %dma_wait3A_439 = tpu.memref_slice %arg2[%multiple_of3A_435, %dma_wait3A_438] : memref<320000x128xf32, #tpu.memory_space<hbm>> -> memref<128x128xf32, #tpu.memory_space<hbm>>
      tpu.wait_dma2 semaphore(%arg27 : memref<!tpu.dma_semaphore, #tpu.memory_space<semaphore_mem>>) src(%dma_wait3A_439 : memref<128x128xf32, #tpu.memory_space<hbm>>) dst(%arg10 : memref<128x128xf32, #tpu.memory_space<vmem>>)
      %dma_start3A_440 = arith.constant 0 : i32
      %dma_start3A_441 = arith.constant 0 : i32
      %dma_start3A_442 = tpu.memref_slice %arg22[%dma_start3A_440, %dma_start3A_441] : memref<5120x128xf32, #tpu.memory_space<vmem_shared>> -> memref<5120x128xf32, #tpu.memory_space<vmem_shared>>
      tpu.enqueue_indirect_dma source(%arg10 : memref<128x128xf32, #tpu.memory_space<vmem>>) target(%dma_start3A_442 : memref<5120x128xf32, #tpu.memory_space<vmem_shared>>) offsets(%arg18 : memref<128xi32, #tpu.memory_space<vmem>>) semaphore(%arg35 : memref<!tpu.dma_semaphore, #tpu.memory_space<semaphore_mem>>) {add = true}
      %add3A_443 = arith.constant 3 : i32
      %add3A_444 = arith.addi %add3A_407, %add3A_443 : i32
      %lt3A_445 = arith.cmpi slt, %add3A_444, %mul3A_67 : i32
      %convert_element_type3A_446 = arith.extui %lt3A_445 : i1 to i32
      %cond3A_447 = arith.constant 0 : i32
      %cond3A_448 = arith.cmpi ne, %convert_element_type3A_446, %cond3A_447 : i32
      scf.if %cond3A_448 {
        %dma_wait3A_450 = arith.constant 0 : i32
        %dma_wait3A_451 = arith.constant 0 : i32
        %dma_wait3A_452 = tpu.memref_slice %arg22[%dma_wait3A_450, %dma_wait3A_451] : memref<5120x128xf32, #tpu.memory_space<vmem_shared>> -> memref<5120x128xf32, #tpu.memory_space<vmem_shared>>
        tpu.wait_indirect_dma semaphore(%arg34 : memref<!tpu.dma_semaphore, #tpu.memory_space<semaphore_mem>>) src(%arg9 : memref<128x128xf32, #tpu.memory_space<vmem>>) dst(%dma_wait3A_452 : memref<5120x128xf32, #tpu.memory_space<vmem_shared>>)
        %add3A_453 = arith.constant 3 : i32
        %add3A_454 = arith.addi %add3A_407, %add3A_453 : i32
        %mul3A_455 = arith.constant 128 : i32
        %mul3A_456 = arith.muli %add3A_454, %mul3A_455 : i32
        %add3A_457 = arith.addi %add3A_71, %mul3A_456 : i32
        %min3A_458 = arith.constant 319872 : i32
        %min3A_459 = arith.minsi %add3A_457, %min3A_458 : i32
        %multiple_of3A_460 = tpu.assume_multiple %min3A_459, 128 : i32
        %dma_start3A_461 = arith.constant 0 : i32
        %dma_start3A_462 = tpu.memref_slice %arg2[%multiple_of3A_460, %dma_start3A_461] : memref<320000x128xf32, #tpu.memory_space<hbm>> -> memref<128x128xf32, #tpu.memory_space<hbm>>
        %dma_start3A_463 = arith.constant 0 : i32
        %dma_start3A_464 = tpu.memref_slice %arg2[%multiple_of3A_460, %dma_start3A_463] : memref<320000x128xf32, #tpu.memory_space<hbm>> -> memref<128x128xf32, #tpu.memory_space<hbm>>
        tpu.enqueue_dma source(%dma_start3A_464 : memref<128x128xf32, #tpu.memory_space<hbm>>) target(%arg9 : memref<128x128xf32, #tpu.memory_space<vmem>>) target_semaphore(%arg26 : memref<!tpu.dma_semaphore, #tpu.memory_space<semaphore_mem>>)
        %dma_start3A_465 = tpu.memref_slice %arg3[%multiple_of3A_460] : memref<320000xi32, #tpu.memory_space<hbm>> -> memref<128xi32, #tpu.memory_space<hbm>>
        %dma_start3A_466 = tpu.memref_slice %arg3[%multiple_of3A_460] : memref<320000xi32, #tpu.memory_space<hbm>> -> memref<128xi32, #tpu.memory_space<hbm>>
        tpu.enqueue_dma source(%dma_start3A_466 : memref<128xi32, #tpu.memory_space<hbm>>) target(%arg13 : memref<128xi32, #tpu.memory_space<vmem>>) target_semaphore(%arg30 : memref<!tpu.dma_semaphore, #tpu.memory_space<semaphore_mem>>)
      } else {
      }
      %while3A_449 = arith.constant 0 : i32
      scf.yield %while3A_449 : i32
    }
    %while3A_134 = arith.constant 1 : i32
    %while3A_135 = scf.for %while3A_272 = %while3A_131 to %while3A_127 step %while3A_134 iter_args(%while3A_273 = %while3A_133) -> (i32)  : i32 {
      %mul3A_274 = arith.constant 4 : i32
      %mul3A_275 = arith.muli %while3A_272, %mul3A_274 : i32
      %add3A_276 = arith.constant 0 : i32
      %add3A_277 = arith.addi %mul3A_275, %add3A_276 : i32
      %mul3A_278 = arith.constant 128 : i32
      %mul3A_279 = arith.muli %add3A_277, %mul3A_278 : i32
      %add3A_280 = arith.addi %add3A_71, %mul3A_279 : i32
      %mul3A_281 = arith.constant 128 : i32
      %mul3A_282 = arith.muli %add3A_277, %mul3A_281 : i32
      %add3A_283 = arith.addi %add3A_71, %mul3A_282 : i32
      %min3A = arith.constant 319872 : i32
      %min3A_284 = arith.minsi %add3A_283, %min3A : i32
      %multiple_of3A_285 = tpu.assume_multiple %min3A_284, 128 : i32
      %max3A = arith.maxsi %add3A_280, %select_n3A_12 : i32
      %add3A_286 = arith.constant 128 : i32
      %add3A_287 = arith.addi %add3A_280, %add3A_286 : i32
      %min3A_288 = arith.minsi %add3A_287, %select_n3A_16 : i32
      %dma_wait3A = tpu.memref_slice %arg3[%multiple_of3A_285] : memref<320000xi32, #tpu.memory_space<hbm>> -> memref<128xi32, #tpu.memory_space<hbm>>
      %dma_wait3A_289 = tpu.memref_slice %arg3[%multiple_of3A_285] : memref<320000xi32, #tpu.memory_space<hbm>> -> memref<128xi32, #tpu.memory_space<hbm>>
      tpu.wait_dma2 semaphore(%arg28 : memref<!tpu.dma_semaphore, #tpu.memory_space<semaphore_mem>>) src(%dma_wait3A_289 : memref<128xi32, #tpu.memory_space<hbm>>) dst(%arg11 : memref<128xi32, #tpu.memory_space<vmem>>)
      %scan3A_290 = arith.constant 0 : i32
      %scan3A_291 = arith.constant 0 : i32
      %scan3A_292 = arith.constant 8 : i32
      %scan3A_293 = arith.addi %scan3A_291, %scan3A_292 : i32
      %scan3A_294 = arith.constant 1 : i32
      %scan3A_295 = scf.for %scan3A_450 = %scan3A_291 to %scan3A_293 step %scan3A_294 iter_args(%scan3A_451 = %scan3A_290) -> (i32)  : i32 {
        %mul3A_452 = arith.constant 16 : i32
        %mul3A_453 = arith.muli %scan3A_450, %mul3A_452 : i32
        %add3A_454 = vector.broadcast %mul3A_453 : i32 to vector<16xi32>
        %add3A_455 = arith.addi %add3A_454, %iota3A : vector<16xi32>
        %gather3A_456 = tpu.vector_load_idx %arg11[%add3A_455] : memref<128xi32, #tpu.memory_space<vmem>>[vector<16xi32>], vector<16xi32>,
        %add3A_457 = vector.broadcast %multiple_of3A_285 : i32 to vector<16xi32>
        %add3A_458 = arith.addi %add3A_457, %add3A_455 : vector<16xi32>
        %ge3A = vector.broadcast %max3A : i32 to vector<16xi32>
        %ge3A_459 = arith.cmpi sge, %add3A_458, %ge3A : vector<16xi32>
        %lt3A_460 = vector.broadcast %min3A_288 : i32 to vector<16xi32>
        %lt3A_461 = arith.cmpi slt, %add3A_458, %lt3A_460 : vector<16xi32>
        %and3A_462 = arith.andi %ge3A_459, %lt3A_461 : vector<16xi1>
        %sub3A_463 = vector.broadcast %mul3A_17 : i32 to vector<16xi32>
        %sub3A_464 = arith.subi %gather3A_456, %sub3A_463 : vector<16xi32>
        %jit3A_465 = arith.constant 5000 : i32
        %broadcast_in_dim3A_466 = vector.broadcast %jit3A_465 : i32 to vector<16xi32>
        %select_n3A_467 = arith.select %and3A_462, %sub3A_464, %broadcast_in_dim3A_466 : vector<16xi1>, vector<16xi32>
        tpu.vector_store_idx %arg15[%add3A_455], %select_n3A_467 : memref<128xi32, #tpu.memory_space<vmem>>[vector<16xi32>], vector<16xi32>,
        tpu.vector_store_idx %arg19[%select_n3A_467], %broadcast_in_dim3A_2 {add = true} : memref<5120xf32, #tpu.memory_space<vmem>>[vector<16xi32>], vector<16xf32>,
        %scan3A_468 = arith.constant 0 : i32
        scf.yield %scan3A_468 : i32
      }
      %scan3A_296 = arith.constant 8 : i32
      %mul3A_297 = arith.constant 128 : i32
      %mul3A_298 = arith.muli %add3A_277, %mul3A_297 : i32
      %add3A_299 = arith.addi %add3A_71, %mul3A_298 : i32
      %min3A_300 = arith.constant 319872 : i32
      %min3A_301 = arith.minsi %add3A_299, %min3A_300 : i32
      %multiple_of3A_302 = tpu.assume_multiple %min3A_301, 128 : i32
      %dma_wait3A_303 = arith.constant 0 : i32
      %dma_wait3A_304 = tpu.memref_slice %arg2[%multiple_of3A_302, %dma_wait3A_303] : memref<320000x128xf32, #tpu.memory_space<hbm>> -> memref<128x128xf32, #tpu.memory_space<hbm>>
      %dma_wait3A_305 = arith.constant 0 : i32
      %dma_wait3A_306 = tpu.memref_slice %arg2[%multiple_of3A_302, %dma_wait3A_305] : memref<320000x128xf32, #tpu.memory_space<hbm>> -> memref<128x128xf32, #tpu.memory_space<hbm>>
      tpu.wait_dma2 semaphore(%arg24 : memref<!tpu.dma_semaphore, #tpu.memory_space<semaphore_mem>>) src(%dma_wait3A_306 : memref<128x128xf32, #tpu.memory_space<hbm>>) dst(%arg7 : memref<128x128xf32, #tpu.memory_space<vmem>>)
      %dma_start3A = arith.constant 0 : i32
      %dma_start3A_307 = arith.constant 0 : i32
      %dma_start3A_308 = tpu.memref_slice %arg22[%dma_start3A, %dma_start3A_307] : memref<5120x128xf32, #tpu.memory_space<vmem_shared>> -> memref<5120x128xf32, #tpu.memory_space<vmem_shared>>
      tpu.enqueue_indirect_dma source(%arg7 : memref<128x128xf32, #tpu.memory_space<vmem>>) target(%dma_start3A_308 : memref<5120x128xf32, #tpu.memory_space<vmem_shared>>) offsets(%arg15 : memref<128xi32, #tpu.memory_space<vmem>>) semaphore(%arg32 : memref<!tpu.dma_semaphore, #tpu.memory_space<semaphore_mem>>) {add = true}
      %add3A_309 = arith.constant 3 : i32
      %add3A_310 = arith.addi %add3A_277, %add3A_309 : i32
      %lt3A = arith.cmpi slt, %add3A_310, %mul3A_67 : i32
      %convert_element_type3A_311 = arith.extui %lt3A : i1 to i32
      %cond3A_312 = arith.constant 0 : i32
      %cond3A_313 = arith.cmpi ne, %convert_element_type3A_311, %cond3A_312 : i32
      scf.if %cond3A_313 {
        %ge3A = arith.constant 1 : i32
        %ge3A_450 = arith.cmpi sge, %add3A_277, %ge3A : i32
        %convert_element_type3A_451 = arith.extui %ge3A_450 : i1 to i32
        %cond3A_452 = arith.constant 0 : i32
        %cond3A_453 = arith.cmpi ne, %convert_element_type3A_451, %cond3A_452 : i32
        scf.if %cond3A_453 {
          %dma_wait3A_468 = arith.constant 0 : i32
          %dma_wait3A_469 = arith.constant 0 : i32
          %dma_wait3A_470 = tpu.memref_slice %arg22[%dma_wait3A_468, %dma_wait3A_469] : memref<5120x128xf32, #tpu.memory_space<vmem_shared>> -> memref<5120x128xf32, #tpu.memory_space<vmem_shared>>
          tpu.wait_indirect_dma semaphore(%arg35 : memref<!tpu.dma_semaphore, #tpu.memory_space<semaphore_mem>>) src(%arg10 : memref<128x128xf32, #tpu.memory_space<vmem>>) dst(%dma_wait3A_470 : memref<5120x128xf32, #tpu.memory_space<vmem_shared>>)
        } else {
        }
        %add3A_454 = arith.constant 3 : i32
        %add3A_455 = arith.addi %add3A_277, %add3A_454 : i32
        %mul3A_456 = arith.constant 128 : i32
        %mul3A_457 = arith.muli %add3A_455, %mul3A_456 : i32
        %add3A_458 = arith.addi %add3A_71, %mul3A_457 : i32
        %min3A_459 = arith.constant 319872 : i32
        %min3A_460 = arith.minsi %add3A_458, %min3A_459 : i32
        %multiple_of3A_461 = tpu.assume_multiple %min3A_460, 128 : i32
        %dma_start3A_462 = arith.constant 0 : i32
        %dma_start3A_463 = tpu.memref_slice %arg2[%multiple_of3A_461, %dma_start3A_462] : memref<320000x128xf32, #tpu.memory_space<hbm>> -> memref<128x128xf32, #tpu.memory_space<hbm>>
        %dma_start3A_464 = arith.constant 0 : i32
        %dma_start3A_465 = tpu.memref_slice %arg2[%multiple_of3A_461, %dma_start3A_464] : memref<320000x128xf32, #tpu.memory_space<hbm>> -> memref<128x128xf32, #tpu.memory_space<hbm>>
        tpu.enqueue_dma source(%dma_start3A_465 : memref<128x128xf32, #tpu.memory_space<hbm>>) target(%arg10 : memref<128x128xf32, #tpu.memory_space<vmem>>) target_semaphore(%arg27 : memref<!tpu.dma_semaphore, #tpu.memory_space<semaphore_mem>>)
        %dma_start3A_466 = tpu.memref_slice %arg3[%multiple_of3A_461] : memref<320000xi32, #tpu.memory_space<hbm>> -> memref<128xi32, #tpu.memory_space<hbm>>
        %dma_start3A_467 = tpu.memref_slice %arg3[%multiple_of3A_461] : memref<320000xi32, #tpu.memory_space<hbm>> -> memref<128xi32, #tpu.memory_space<hbm>>
        tpu.enqueue_dma source(%dma_start3A_467 : memref<128xi32, #tpu.memory_space<hbm>>) target(%arg14 : memref<128xi32, #tpu.memory_space<vmem>>) target_semaphore(%arg31 : memref<!tpu.dma_semaphore, #tpu.memory_space<semaphore_mem>>)
      } else {
      }
      %mul3A_314 = arith.constant 4 : i32
      %mul3A_315 = arith.muli %while3A_272, %mul3A_314 : i32
      %add3A_316 = arith.constant 1 : i32
      %add3A_317 = arith.addi %mul3A_315, %add3A_316 : i32
      %mul3A_318 = arith.constant 128 : i32
      %mul3A_319 = arith.muli %add3A_317, %mul3A_318 : i32
      %add3A_320 = arith.addi %add3A_71, %mul3A_319 : i32
      %mul3A_321 = arith.constant 128 : i32
      %mul3A_322 = arith.muli %add3A_317, %mul3A_321 : i32
      %add3A_323 = arith.addi %add3A_71, %mul3A_322 : i32
      %min3A_324 = arith.constant 319872 : i32
      %min3A_325 = arith.minsi %add3A_323, %min3A_324 : i32
      %multiple_of3A_326 = tpu.assume_multiple %min3A_325, 128 : i32
      %max3A_327 = arith.maxsi %add3A_320, %select_n3A_12 : i32
      %add3A_328 = arith.constant 128 : i32
      %add3A_329 = arith.addi %add3A_320, %add3A_328 : i32
      %min3A_330 = arith.minsi %add3A_329, %select_n3A_16 : i32
      %dma_wait3A_331 = tpu.memref_slice %arg3[%multiple_of3A_326] : memref<320000xi32, #tpu.memory_space<hbm>> -> memref<128xi32, #tpu.memory_space<hbm>>
      %dma_wait3A_332 = tpu.memref_slice %arg3[%multiple_of3A_326] : memref<320000xi32, #tpu.memory_space<hbm>> -> memref<128xi32, #tpu.memory_space<hbm>>
      tpu.wait_dma2 semaphore(%arg29 : memref<!tpu.dma_semaphore, #tpu.memory_space<semaphore_mem>>) src(%dma_wait3A_332 : memref<128xi32, #tpu.memory_space<hbm>>) dst(%arg12 : memref<128xi32, #tpu.memory_space<vmem>>)
      %scan3A_333 = arith.constant 0 : i32
      %scan3A_334 = arith.constant 0 : i32
      %scan3A_335 = arith.constant 8 : i32
      %scan3A_336 = arith.addi %scan3A_334, %scan3A_335 : i32
      %scan3A_337 = arith.constant 1 : i32
      %scan3A_338 = scf.for %scan3A_450 = %scan3A_334 to %scan3A_336 step %scan3A_337 iter_args(%scan3A_451 = %scan3A_333) -> (i32)  : i32 {
        %mul3A_452 = arith.constant 16 : i32
        %mul3A_453 = arith.muli %scan3A_450, %mul3A_452 : i32
        %add3A_454 = vector.broadcast %mul3A_453 : i32 to vector<16xi32>
        %add3A_455 = arith.addi %add3A_454, %iota3A : vector<16xi32>
        %gather3A_456 = tpu.vector_load_idx %arg12[%add3A_455] : memref<128xi32, #tpu.memory_space<vmem>>[vector<16xi32>], vector<16xi32>,
        %add3A_457 = vector.broadcast %multiple_of3A_326 : i32 to vector<16xi32>
        %add3A_458 = arith.addi %add3A_457, %add3A_455 : vector<16xi32>
        %ge3A = vector.broadcast %max3A_327 : i32 to vector<16xi32>
        %ge3A_459 = arith.cmpi sge, %add3A_458, %ge3A : vector<16xi32>
        %lt3A_460 = vector.broadcast %min3A_330 : i32 to vector<16xi32>
        %lt3A_461 = arith.cmpi slt, %add3A_458, %lt3A_460 : vector<16xi32>
        %and3A_462 = arith.andi %ge3A_459, %lt3A_461 : vector<16xi1>
        %sub3A_463 = vector.broadcast %mul3A_17 : i32 to vector<16xi32>
        %sub3A_464 = arith.subi %gather3A_456, %sub3A_463 : vector<16xi32>
        %jit3A_465 = arith.constant 5000 : i32
        %broadcast_in_dim3A_466 = vector.broadcast %jit3A_465 : i32 to vector<16xi32>
        %select_n3A_467 = arith.select %and3A_462, %sub3A_464, %broadcast_in_dim3A_466 : vector<16xi1>, vector<16xi32>
        tpu.vector_store_idx %arg16[%add3A_455], %select_n3A_467 : memref<128xi32, #tpu.memory_space<vmem>>[vector<16xi32>], vector<16xi32>,
        tpu.vector_store_idx %arg19[%select_n3A_467], %broadcast_in_dim3A_2 {add = true} : memref<5120xf32, #tpu.memory_space<vmem>>[vector<16xi32>], vector<16xf32>,
        %scan3A_468 = arith.constant 0 : i32
        scf.yield %scan3A_468 : i32
      }
      %scan3A_339 = arith.constant 8 : i32
      %mul3A_340 = arith.constant 128 : i32
      %mul3A_341 = arith.muli %add3A_317, %mul3A_340 : i32
      %add3A_342 = arith.addi %add3A_71, %mul3A_341 : i32
      %min3A_343 = arith.constant 319872 : i32
      %min3A_344 = arith.minsi %add3A_342, %min3A_343 : i32
      %multiple_of3A_345 = tpu.assume_multiple %min3A_344, 128 : i32
      %dma_wait3A_346 = arith.constant 0 : i32
      %dma_wait3A_347 = tpu.memref_slice %arg2[%multiple_of3A_345, %dma_wait3A_346] : memref<320000x128xf32, #tpu.memory_space<hbm>> -> memref<128x128xf32, #tpu.memory_space<hbm>>
      %dma_wait3A_348 = arith.constant 0 : i32
      %dma_wait3A_349 = tpu.memref_slice %arg2[%multiple_of3A_345, %dma_wait3A_348] : memref<320000x128xf32, #tpu.memory_space<hbm>> -> memref<128x128xf32, #tpu.memory_space<hbm>>
      tpu.wait_dma2 semaphore(%arg25 : memref<!tpu.dma_semaphore, #tpu.memory_space<semaphore_mem>>) src(%dma_wait3A_349 : memref<128x128xf32, #tpu.memory_space<hbm>>) dst(%arg8 : memref<128x128xf32, #tpu.memory_space<vmem>>)
      %dma_start3A_350 = arith.constant 0 : i32
      %dma_start3A_351 = arith.constant 0 : i32
      %dma_start3A_352 = tpu.memref_slice %arg22[%dma_start3A_350, %dma_start3A_351] : memref<5120x128xf32, #tpu.memory_space<vmem_shared>> -> memref<5120x128xf32, #tpu.memory_space<vmem_shared>>
      tpu.enqueue_indirect_dma source(%arg8 : memref<128x128xf32, #tpu.memory_space<vmem>>) target(%dma_start3A_352 : memref<5120x128xf32, #tpu.memory_space<vmem_shared>>) offsets(%arg16 : memref<128xi32, #tpu.memory_space<vmem>>) semaphore(%arg33 : memref<!tpu.dma_semaphore, #tpu.memory_space<semaphore_mem>>) {add = true}
      %add3A_353 = arith.constant 3 : i32
      %add3A_354 = arith.addi %add3A_317, %add3A_353 : i32
      %lt3A_355 = arith.cmpi slt, %add3A_354, %mul3A_67 : i32
      %convert_element_type3A_356 = arith.extui %lt3A_355 : i1 to i32
      %cond3A_357 = arith.constant 0 : i32
      %cond3A_358 = arith.cmpi ne, %convert_element_type3A_356, %cond3A_357 : i32
      scf.if %cond3A_358 {
        %dma_wait3A_450 = arith.constant 0 : i32
        %dma_wait3A_451 = arith.constant 0 : i32
        %dma_wait3A_452 = tpu.memref_slice %arg22[%dma_wait3A_450, %dma_wait3A_451] : memref<5120x128xf32, #tpu.memory_space<vmem_shared>> -> memref<5120x128xf32, #tpu.memory_space<vmem_shared>>
        tpu.wait_indirect_dma semaphore(%arg32 : memref<!tpu.dma_semaphore, #tpu.memory_space<semaphore_mem>>) src(%arg7 : memref<128x128xf32, #tpu.memory_space<vmem>>) dst(%dma_wait3A_452 : memref<5120x128xf32, #tpu.memory_space<vmem_shared>>)
        %add3A_453 = arith.constant 3 : i32
        %add3A_454 = arith.addi %add3A_317, %add3A_453 : i32
        %mul3A_455 = arith.constant 128 : i32
        %mul3A_456 = arith.muli %add3A_454, %mul3A_455 : i32
        %add3A_457 = arith.addi %add3A_71, %mul3A_456 : i32
        %min3A_458 = arith.constant 319872 : i32
        %min3A_459 = arith.minsi %add3A_457, %min3A_458 : i32
        %multiple_of3A_460 = tpu.assume_multiple %min3A_459, 128 : i32
        %dma_start3A_461 = arith.constant 0 : i32
        %dma_start3A_462 = tpu.memref_slice %arg2[%multiple_of3A_460, %dma_start3A_461] : memref<320000x128xf32, #tpu.memory_space<hbm>> -> memref<128x128xf32, #tpu.memory_space<hbm>>
        %dma_start3A_463 = arith.constant 0 : i32
        %dma_start3A_464 = tpu.memref_slice %arg2[%multiple_of3A_460, %dma_start3A_463] : memref<320000x128xf32, #tpu.memory_space<hbm>> -> memref<128x128xf32, #tpu.memory_space<hbm>>
        tpu.enqueue_dma source(%dma_start3A_464 : memref<128x128xf32, #tpu.memory_space<hbm>>) target(%arg7 : memref<128x128xf32, #tpu.memory_space<vmem>>) target_semaphore(%arg24 : memref<!tpu.dma_semaphore, #tpu.memory_space<semaphore_mem>>)
        %dma_start3A_465 = tpu.memref_slice %arg3[%multiple_of3A_460] : memref<320000xi32, #tpu.memory_space<hbm>> -> memref<128xi32, #tpu.memory_space<hbm>>
        %dma_start3A_466 = tpu.memref_slice %arg3[%multiple_of3A_460] : memref<320000xi32, #tpu.memory_space<hbm>> -> memref<128xi32, #tpu.memory_space<hbm>>
        tpu.enqueue_dma source(%dma_start3A_466 : memref<128xi32, #tpu.memory_space<hbm>>) target(%arg11 : memref<128xi32, #tpu.memory_space<vmem>>) target_semaphore(%arg28 : memref<!tpu.dma_semaphore, #tpu.memory_space<semaphore_mem>>)
      } else {
      }
      %mul3A_359 = arith.constant 4 : i32
      %mul3A_360 = arith.muli %while3A_272, %mul3A_359 : i32
      %add3A_361 = arith.constant 2 : i32
      %add3A_362 = arith.addi %mul3A_360, %add3A_361 : i32
      %mul3A_363 = arith.constant 128 : i32
      %mul3A_364 = arith.muli %add3A_362, %mul3A_363 : i32
      %add3A_365 = arith.addi %add3A_71, %mul3A_364 : i32
      %mul3A_366 = arith.constant 128 : i32
      %mul3A_367 = arith.muli %add3A_362, %mul3A_366 : i32
      %add3A_368 = arith.addi %add3A_71, %mul3A_367 : i32
      %min3A_369 = arith.constant 319872 : i32
      %min3A_370 = arith.minsi %add3A_368, %min3A_369 : i32
      %multiple_of3A_371 = tpu.assume_multiple %min3A_370, 128 : i32
      %max3A_372 = arith.maxsi %add3A_365, %select_n3A_12 : i32
      %add3A_373 = arith.constant 128 : i32
      %add3A_374 = arith.addi %add3A_365, %add3A_373 : i32
      %min3A_375 = arith.minsi %add3A_374, %select_n3A_16 : i32
      %dma_wait3A_376 = tpu.memref_slice %arg3[%multiple_of3A_371] : memref<320000xi32, #tpu.memory_space<hbm>> -> memref<128xi32, #tpu.memory_space<hbm>>
      %dma_wait3A_377 = tpu.memref_slice %arg3[%multiple_of3A_371] : memref<320000xi32, #tpu.memory_space<hbm>> -> memref<128xi32, #tpu.memory_space<hbm>>
      tpu.wait_dma2 semaphore(%arg30 : memref<!tpu.dma_semaphore, #tpu.memory_space<semaphore_mem>>) src(%dma_wait3A_377 : memref<128xi32, #tpu.memory_space<hbm>>) dst(%arg13 : memref<128xi32, #tpu.memory_space<vmem>>)
      %scan3A_378 = arith.constant 0 : i32
      %scan3A_379 = arith.constant 0 : i32
      %scan3A_380 = arith.constant 8 : i32
      %scan3A_381 = arith.addi %scan3A_379, %scan3A_380 : i32
      %scan3A_382 = arith.constant 1 : i32
      %scan3A_383 = scf.for %scan3A_450 = %scan3A_379 to %scan3A_381 step %scan3A_382 iter_args(%scan3A_451 = %scan3A_378) -> (i32)  : i32 {
        %mul3A_452 = arith.constant 16 : i32
        %mul3A_453 = arith.muli %scan3A_450, %mul3A_452 : i32
        %add3A_454 = vector.broadcast %mul3A_453 : i32 to vector<16xi32>
        %add3A_455 = arith.addi %add3A_454, %iota3A : vector<16xi32>
        %gather3A_456 = tpu.vector_load_idx %arg13[%add3A_455] : memref<128xi32, #tpu.memory_space<vmem>>[vector<16xi32>], vector<16xi32>,
        %add3A_457 = vector.broadcast %multiple_of3A_371 : i32 to vector<16xi32>
        %add3A_458 = arith.addi %add3A_457, %add3A_455 : vector<16xi32>
        %ge3A = vector.broadcast %max3A_372 : i32 to vector<16xi32>
        %ge3A_459 = arith.cmpi sge, %add3A_458, %ge3A : vector<16xi32>
        %lt3A_460 = vector.broadcast %min3A_375 : i32 to vector<16xi32>
        %lt3A_461 = arith.cmpi slt, %add3A_458, %lt3A_460 : vector<16xi32>
        %and3A_462 = arith.andi %ge3A_459, %lt3A_461 : vector<16xi1>
        %sub3A_463 = vector.broadcast %mul3A_17 : i32 to vector<16xi32>
        %sub3A_464 = arith.subi %gather3A_456, %sub3A_463 : vector<16xi32>
        %jit3A_465 = arith.constant 5000 : i32
        %broadcast_in_dim3A_466 = vector.broadcast %jit3A_465 : i32 to vector<16xi32>
        %select_n3A_467 = arith.select %and3A_462, %sub3A_464, %broadcast_in_dim3A_466 : vector<16xi1>, vector<16xi32>
        tpu.vector_store_idx %arg17[%add3A_455], %select_n3A_467 : memref<128xi32, #tpu.memory_space<vmem>>[vector<16xi32>], vector<16xi32>,
        tpu.vector_store_idx %arg19[%select_n3A_467], %broadcast_in_dim3A_2 {add = true} : memref<5120xf32, #tpu.memory_space<vmem>>[vector<16xi32>], vector<16xf32>,
        %scan3A_468 = arith.constant 0 : i32
        scf.yield %scan3A_468 : i32
      }
      %scan3A_384 = arith.constant 8 : i32
      %mul3A_385 = arith.constant 128 : i32
      %mul3A_386 = arith.muli %add3A_362, %mul3A_385 : i32
      %add3A_387 = arith.addi %add3A_71, %mul3A_386 : i32
      %min3A_388 = arith.constant 319872 : i32
      %min3A_389 = arith.minsi %add3A_387, %min3A_388 : i32
      %multiple_of3A_390 = tpu.assume_multiple %min3A_389, 128 : i32
      %dma_wait3A_391 = arith.constant 0 : i32
      %dma_wait3A_392 = tpu.memref_slice %arg2[%multiple_of3A_390, %dma_wait3A_391] : memref<320000x128xf32, #tpu.memory_space<hbm>> -> memref<128x128xf32, #tpu.memory_space<hbm>>
      %dma_wait3A_393 = arith.constant 0 : i32
      %dma_wait3A_394 = tpu.memref_slice %arg2[%multiple_of3A_390, %dma_wait3A_393] : memref<320000x128xf32, #tpu.memory_space<hbm>> -> memref<128x128xf32, #tpu.memory_space<hbm>>
      tpu.wait_dma2 semaphore(%arg26 : memref<!tpu.dma_semaphore, #tpu.memory_space<semaphore_mem>>) src(%dma_wait3A_394 : memref<128x128xf32, #tpu.memory_space<hbm>>) dst(%arg9 : memref<128x128xf32, #tpu.memory_space<vmem>>)
      %dma_start3A_395 = arith.constant 0 : i32
      %dma_start3A_396 = arith.constant 0 : i32
      %dma_start3A_397 = tpu.memref_slice %arg22[%dma_start3A_395, %dma_start3A_396] : memref<5120x128xf32, #tpu.memory_space<vmem_shared>> -> memref<5120x128xf32, #tpu.memory_space<vmem_shared>>
      tpu.enqueue_indirect_dma source(%arg9 : memref<128x128xf32, #tpu.memory_space<vmem>>) target(%dma_start3A_397 : memref<5120x128xf32, #tpu.memory_space<vmem_shared>>) offsets(%arg17 : memref<128xi32, #tpu.memory_space<vmem>>) semaphore(%arg34 : memref<!tpu.dma_semaphore, #tpu.memory_space<semaphore_mem>>) {add = true}
      %add3A_398 = arith.constant 3 : i32
      %add3A_399 = arith.addi %add3A_362, %add3A_398 : i32
      %lt3A_400 = arith.cmpi slt, %add3A_399, %mul3A_67 : i32
      %convert_element_type3A_401 = arith.extui %lt3A_400 : i1 to i32
      %cond3A_402 = arith.constant 0 : i32
      %cond3A_403 = arith.cmpi ne, %convert_element_type3A_401, %cond3A_402 : i32
      scf.if %cond3A_403 {
        %dma_wait3A_450 = arith.constant 0 : i32
        %dma_wait3A_451 = arith.constant 0 : i32
        %dma_wait3A_452 = tpu.memref_slice %arg22[%dma_wait3A_450, %dma_wait3A_451] : memref<5120x128xf32, #tpu.memory_space<vmem_shared>> -> memref<5120x128xf32, #tpu.memory_space<vmem_shared>>
        tpu.wait_indirect_dma semaphore(%arg33 : memref<!tpu.dma_semaphore, #tpu.memory_space<semaphore_mem>>) src(%arg8 : memref<128x128xf32, #tpu.memory_space<vmem>>) dst(%dma_wait3A_452 : memref<5120x128xf32, #tpu.memory_space<vmem_shared>>)
        %add3A_453 = arith.constant 3 : i32
        %add3A_454 = arith.addi %add3A_362, %add3A_453 : i32
        %mul3A_455 = arith.constant 128 : i32
        %mul3A_456 = arith.muli %add3A_454, %mul3A_455 : i32
        %add3A_457 = arith.addi %add3A_71, %mul3A_456 : i32
        %min3A_458 = arith.constant 319872 : i32
        %min3A_459 = arith.minsi %add3A_457, %min3A_458 : i32
        %multiple_of3A_460 = tpu.assume_multiple %min3A_459, 128 : i32
        %dma_start3A_461 = arith.constant 0 : i32
        %dma_start3A_462 = tpu.memref_slice %arg2[%multiple_of3A_460, %dma_start3A_461] : memref<320000x128xf32, #tpu.memory_space<hbm>> -> memref<128x128xf32, #tpu.memory_space<hbm>>
        %dma_start3A_463 = arith.constant 0 : i32
        %dma_start3A_464 = tpu.memref_slice %arg2[%multiple_of3A_460, %dma_start3A_463] : memref<320000x128xf32, #tpu.memory_space<hbm>> -> memref<128x128xf32, #tpu.memory_space<hbm>>
        tpu.enqueue_dma source(%dma_start3A_464 : memref<128x128xf32, #tpu.memory_space<hbm>>) target(%arg8 : memref<128x128xf32, #tpu.memory_space<vmem>>) target_semaphore(%arg25 : memref<!tpu.dma_semaphore, #tpu.memory_space<semaphore_mem>>)
        %dma_start3A_465 = tpu.memref_slice %arg3[%multiple_of3A_460] : memref<320000xi32, #tpu.memory_space<hbm>> -> memref<128xi32, #tpu.memory_space<hbm>>
        %dma_start3A_466 = tpu.memref_slice %arg3[%multiple_of3A_460] : memref<320000xi32, #tpu.memory_space<hbm>> -> memref<128xi32, #tpu.memory_space<hbm>>
        tpu.enqueue_dma source(%dma_start3A_466 : memref<128xi32, #tpu.memory_space<hbm>>) target(%arg12 : memref<128xi32, #tpu.memory_space<vmem>>) target_semaphore(%arg29 : memref<!tpu.dma_semaphore, #tpu.memory_space<semaphore_mem>>)
      } else {
      }
      %mul3A_404 = arith.constant 4 : i32
      %mul3A_405 = arith.muli %while3A_272, %mul3A_404 : i32
      %add3A_406 = arith.constant 3 : i32
      %add3A_407 = arith.addi %mul3A_405, %add3A_406 : i32
      %mul3A_408 = arith.constant 128 : i32
      %mul3A_409 = arith.muli %add3A_407, %mul3A_408 : i32
      %add3A_410 = arith.addi %add3A_71, %mul3A_409 : i32
      %mul3A_411 = arith.constant 128 : i32
      %mul3A_412 = arith.muli %add3A_407, %mul3A_411 : i32
      %add3A_413 = arith.addi %add3A_71, %mul3A_412 : i32
      %min3A_414 = arith.constant 319872 : i32
      %min3A_415 = arith.minsi %add3A_413, %min3A_414 : i32
      %multiple_of3A_416 = tpu.assume_multiple %min3A_415, 128 : i32
      %max3A_417 = arith.maxsi %add3A_410, %select_n3A_12 : i32
      %add3A_418 = arith.constant 128 : i32
      %add3A_419 = arith.addi %add3A_410, %add3A_418 : i32
      %min3A_420 = arith.minsi %add3A_419, %select_n3A_16 : i32
      %dma_wait3A_421 = tpu.memref_slice %arg3[%multiple_of3A_416] : memref<320000xi32, #tpu.memory_space<hbm>> -> memref<128xi32, #tpu.memory_space<hbm>>
      %dma_wait3A_422 = tpu.memref_slice %arg3[%multiple_of3A_416] : memref<320000xi32, #tpu.memory_space<hbm>> -> memref<128xi32, #tpu.memory_space<hbm>>
      tpu.wait_dma2 semaphore(%arg31 : memref<!tpu.dma_semaphore, #tpu.memory_space<semaphore_mem>>) src(%dma_wait3A_422 : memref<128xi32, #tpu.memory_space<hbm>>) dst(%arg14 : memref<128xi32, #tpu.memory_space<vmem>>)
      %scan3A_423 = arith.constant 0 : i32
      %scan3A_424 = arith.constant 0 : i32
      %scan3A_425 = arith.constant 8 : i32
      %scan3A_426 = arith.addi %scan3A_424, %scan3A_425 : i32
      %scan3A_427 = arith.constant 1 : i32
      %scan3A_428 = scf.for %scan3A_450 = %scan3A_424 to %scan3A_426 step %scan3A_427 iter_args(%scan3A_451 = %scan3A_423) -> (i32)  : i32 {
        %mul3A_452 = arith.constant 16 : i32
        %mul3A_453 = arith.muli %scan3A_450, %mul3A_452 : i32
        %add3A_454 = vector.broadcast %mul3A_453 : i32 to vector<16xi32>
        %add3A_455 = arith.addi %add3A_454, %iota3A : vector<16xi32>
        %gather3A_456 = tpu.vector_load_idx %arg14[%add3A_455] : memref<128xi32, #tpu.memory_space<vmem>>[vector<16xi32>], vector<16xi32>,
        %add3A_457 = vector.broadcast %multiple_of3A_416 : i32 to vector<16xi32>
        %add3A_458 = arith.addi %add3A_457, %add3A_455 : vector<16xi32>
        %ge3A = vector.broadcast %max3A_417 : i32 to vector<16xi32>
        %ge3A_459 = arith.cmpi sge, %add3A_458, %ge3A : vector<16xi32>
        %lt3A_460 = vector.broadcast %min3A_420 : i32 to vector<16xi32>
        %lt3A_461 = arith.cmpi slt, %add3A_458, %lt3A_460 : vector<16xi32>
        %and3A_462 = arith.andi %ge3A_459, %lt3A_461 : vector<16xi1>
        %sub3A_463 = vector.broadcast %mul3A_17 : i32 to vector<16xi32>
        %sub3A_464 = arith.subi %gather3A_456, %sub3A_463 : vector<16xi32>
        %jit3A_465 = arith.constant 5000 : i32
        %broadcast_in_dim3A_466 = vector.broadcast %jit3A_465 : i32 to vector<16xi32>
        %select_n3A_467 = arith.select %and3A_462, %sub3A_464, %broadcast_in_dim3A_466 : vector<16xi1>, vector<16xi32>
        tpu.vector_store_idx %arg18[%add3A_455], %select_n3A_467 : memref<128xi32, #tpu.memory_space<vmem>>[vector<16xi32>], vector<16xi32>,
        tpu.vector_store_idx %arg19[%select_n3A_467], %broadcast_in_dim3A_2 {add = true} : memref<5120xf32, #tpu.memory_space<vmem>>[vector<16xi32>], vector<16xf32>,
        %scan3A_468 = arith.constant 0 : i32
        scf.yield %scan3A_468 : i32
      }
      %scan3A_429 = arith.constant 8 : i32
      %mul3A_430 = arith.constant 128 : i32
      %mul3A_431 = arith.muli %add3A_407, %mul3A_430 : i32
      %add3A_432 = arith.addi %add3A_71, %mul3A_431 : i32
      %min3A_433 = arith.constant 319872 : i32
      %min3A_434 = arith.minsi %add3A_432, %min3A_433 : i32
      %multiple_of3A_435 = tpu.assume_multiple %min3A_434, 128 : i32
      %dma_wait3A_436 = arith.constant 0 : i32
      %dma_wait3A_437 = tpu.memref_slice %arg2[%multiple_of3A_435, %dma_wait3A_436] : memref<320000x128xf32, #tpu.memory_space<hbm>> -> memref<128x128xf32, #tpu.memory_space<hbm>>
      %dma_wait3A_438 = arith.constant 0 : i32
      %dma_wait3A_439 = tpu.memref_slice %arg2[%multiple_of3A_435, %dma_wait3A_438] : memref<320000x128xf32, #tpu.memory_space<hbm>> -> memref<128x128xf32, #tpu.memory_space<hbm>>
      tpu.wait_dma2 semaphore(%arg27 : memref<!tpu.dma_semaphore, #tpu.memory_space<semaphore_mem>>) src(%dma_wait3A_439 : memref<128x128xf32, #tpu.memory_space<hbm>>) dst(%arg10 : memref<128x128xf32, #tpu.memory_space<vmem>>)
      %dma_start3A_440 = arith.constant 0 : i32
      %dma_start3A_441 = arith.constant 0 : i32
      %dma_start3A_442 = tpu.memref_slice %arg22[%dma_start3A_440, %dma_start3A_441] : memref<5120x128xf32, #tpu.memory_space<vmem_shared>> -> memref<5120x128xf32, #tpu.memory_space<vmem_shared>>
      tpu.enqueue_indirect_dma source(%arg10 : memref<128x128xf32, #tpu.memory_space<vmem>>) target(%dma_start3A_442 : memref<5120x128xf32, #tpu.memory_space<vmem_shared>>) offsets(%arg18 : memref<128xi32, #tpu.memory_space<vmem>>) semaphore(%arg35 : memref<!tpu.dma_semaphore, #tpu.memory_space<semaphore_mem>>) {add = true}
      %add3A_443 = arith.constant 3 : i32
      %add3A_444 = arith.addi %add3A_407, %add3A_443 : i32
      %lt3A_445 = arith.cmpi slt, %add3A_444, %mul3A_67 : i32
      %convert_element_type3A_446 = arith.extui %lt3A_445 : i1 to i32
      %cond3A_447 = arith.constant 0 : i32
      %cond3A_448 = arith.cmpi ne, %convert_element_type3A_446, %cond3A_447 : i32
      scf.if %cond3A_448 {
        %dma_wait3A_450 = arith.constant 0 : i32
        %dma_wait3A_451 = arith.constant 0 : i32
        %dma_wait3A_452 = tpu.memref_slice %arg22[%dma_wait3A_450, %dma_wait3A_451] : memref<5120x128xf32, #tpu.memory_space<vmem_shared>> -> memref<5120x128xf32, #tpu.memory_space<vmem_shared>>
        tpu.wait_indirect_dma semaphore(%arg34 : memref<!tpu.dma_semaphore, #tpu.memory_space<semaphore_mem>>) src(%arg9 : memref<128x128xf32, #tpu.memory_space<vmem>>) dst(%dma_wait3A_452 : memref<5120x128xf32, #tpu.memory_space<vmem_shared>>)
        %add3A_453 = arith.constant 3 : i32
        %add3A_454 = arith.addi %add3A_407, %add3A_453 : i32
        %mul3A_455 = arith.constant 128 : i32
        %mul3A_456 = arith.muli %add3A_454, %mul3A_455 : i32
        %add3A_457 = arith.addi %add3A_71, %mul3A_456 : i32
        %min3A_458 = arith.constant 319872 : i32
        %min3A_459 = arith.minsi %add3A_457, %min3A_458 : i32
        %multiple_of3A_460 = tpu.assume_multiple %min3A_459, 128 : i32
        %dma_start3A_461 = arith.constant 0 : i32
        %dma_start3A_462 = tpu.memref_slice %arg2[%multiple_of3A_460, %dma_start3A_461] : memref<320000x128xf32, #tpu.memory_space<hbm>> -> memref<128x128xf32, #tpu.memory_space<hbm>>
        %dma_start3A_463 = arith.constant 0 : i32
        %dma_start3A_464 = tpu.memref_slice %arg2[%multiple_of3A_460, %dma_start3A_463] : memref<320000x128xf32, #tpu.memory_space<hbm>> -> memref<128x128xf32, #tpu.memory_space<hbm>>
        tpu.enqueue_dma source(%dma_start3A_464 : memref<128x128xf32, #tpu.memory_space<hbm>>) target(%arg9 : memref<128x128xf32, #tpu.memory_space<vmem>>) target_semaphore(%arg26 : memref<!tpu.dma_semaphore, #tpu.memory_space<semaphore_mem>>)
        %dma_start3A_465 = tpu.memref_slice %arg3[%multiple_of3A_460] : memref<320000xi32, #tpu.memory_space<hbm>> -> memref<128xi32, #tpu.memory_space<hbm>>
        %dma_start3A_466 = tpu.memref_slice %arg3[%multiple_of3A_460] : memref<320000xi32, #tpu.memory_space<hbm>> -> memref<128xi32, #tpu.memory_space<hbm>>
        tpu.enqueue_dma source(%dma_start3A_466 : memref<128xi32, #tpu.memory_space<hbm>>) target(%arg13 : memref<128xi32, #tpu.memory_space<vmem>>) target_semaphore(%arg30 : memref<!tpu.dma_semaphore, #tpu.memory_space<semaphore_mem>>)
      } else {
      }
      %while3A_449 = arith.constant 0 : i32
      scf.yield %while3A_449 : i32
    }
    %gt3A_136 = arith.constant 0 : i32
    %gt3A_137 = arith.cmpi sgt, %mul3A_67, %gt3A_136 : i32
    %convert_element_type3A_138 = arith.extui %gt3A_137 : i1 to i32
    %cond3A_139 = arith.constant 0 : i32
    %cond3A_140 = arith.cmpi ne, %convert_element_type3A_138, %cond3A_139 : i32
    scf.if %cond3A_140 {
      %dma_wait3A = arith.constant 0 : i32
      %dma_wait3A_272 = arith.constant 0 : i32
      %dma_wait3A_273 = tpu.memref_slice %arg22[%dma_wait3A, %dma_wait3A_272] : memref<5120x128xf32, #tpu.memory_space<vmem_shared>> -> memref<5120x128xf32, #tpu.memory_space<vmem_shared>>
      tpu.wait_indirect_dma semaphore(%arg32 : memref<!tpu.dma_semaphore, #tpu.memory_space<semaphore_mem>>) src(%arg7 : memref<128x128xf32, #tpu.memory_space<vmem>>) dst(%dma_wait3A_273 : memref<5120x128xf32, #tpu.memory_space<vmem_shared>>)
      %dma_wait3A_274 = arith.constant 0 : i32
      %dma_wait3A_275 = arith.constant 0 : i32
      %dma_wait3A_276 = tpu.memref_slice %arg22[%dma_wait3A_274, %dma_wait3A_275] : memref<5120x128xf32, #tpu.memory_space<vmem_shared>> -> memref<5120x128xf32, #tpu.memory_space<vmem_shared>>
      tpu.wait_indirect_dma semaphore(%arg33 : memref<!tpu.dma_semaphore, #tpu.memory_space<semaphore_mem>>) src(%arg8 : memref<128x128xf32, #tpu.memory_space<vmem>>) dst(%dma_wait3A_276 : memref<5120x128xf32, #tpu.memory_space<vmem_shared>>)
      %dma_wait3A_277 = arith.constant 0 : i32
      %dma_wait3A_278 = arith.constant 0 : i32
      %dma_wait3A_279 = tpu.memref_slice %arg22[%dma_wait3A_277, %dma_wait3A_278] : memref<5120x128xf32, #tpu.memory_space<vmem_shared>> -> memref<5120x128xf32, #tpu.memory_space<vmem_shared>>
      tpu.wait_indirect_dma semaphore(%arg34 : memref<!tpu.dma_semaphore, #tpu.memory_space<semaphore_mem>>) src(%arg9 : memref<128x128xf32, #tpu.memory_space<vmem>>) dst(%dma_wait3A_279 : memref<5120x128xf32, #tpu.memory_space<vmem_shared>>)
      %dma_wait3A_280 = arith.constant 0 : i32
      %dma_wait3A_281 = arith.constant 0 : i32
      %dma_wait3A_282 = tpu.memref_slice %arg22[%dma_wait3A_280, %dma_wait3A_281] : memref<5120x128xf32, #tpu.memory_space<vmem_shared>> -> memref<5120x128xf32, #tpu.memory_space<vmem_shared>>
      tpu.wait_indirect_dma semaphore(%arg35 : memref<!tpu.dma_semaphore, #tpu.memory_space<semaphore_mem>>) src(%arg10 : memref<128x128xf32, #tpu.memory_space<vmem>>) dst(%dma_wait3A_282 : memref<5120x128xf32, #tpu.memory_space<vmem_shared>>)
    } else {
    }
    %mul3A_141 = arith.constant 5120 : i32
    %mul3A_142 = arith.muli %arg1, %mul3A_141 : i32
    %multiple_of3A_143 = tpu.assume_multiple %mul3A_142, 8 : i32
    "tpu.region"() ({
      %run_scoped3A = tpu.sem_alloc : memref<!tpu.dma_semaphore, #tpu.memory_space<semaphore_mem>>
      %dma_start3A = tpu.memref_slice %arg23[%multiple_of3A_143] : memref<81920xf32, #tpu.memory_space<vmem_shared>> -> memref<5120xf32, #tpu.memory_space<vmem_shared>>
      %dma_start3A_272 = tpu.memref_slice %arg23[%multiple_of3A_143] : memref<81920xf32, #tpu.memory_space<vmem_shared>> -> memref<5120xf32, #tpu.memory_space<vmem_shared>>
      tpu.enqueue_dma source(%arg19 : memref<5120xf32, #tpu.memory_space<vmem>>) target(%dma_start3A_272 : memref<5120xf32, #tpu.memory_space<vmem_shared>>) target_semaphore(%run_scoped3A : memref<!tpu.dma_semaphore, #tpu.memory_space<semaphore_mem>>)
      %dma_wait3A = tpu.memref_slice %arg23[%multiple_of3A_143] : memref<81920xf32, #tpu.memory_space<vmem_shared>> -> memref<5120xf32, #tpu.memory_space<vmem_shared>>
      %dma_wait3A_273 = tpu.memref_slice %arg23[%multiple_of3A_143] : memref<81920xf32, #tpu.memory_space<vmem_shared>> -> memref<5120xf32, #tpu.memory_space<vmem_shared>>
      tpu.wait_dma2 semaphore(%run_scoped3A : memref<!tpu.dma_semaphore, #tpu.memory_space<semaphore_mem>>) src(%arg19 : memref<5120xf32, #tpu.memory_space<vmem>>) dst(%dma_wait3A_273 : memref<5120xf32, #tpu.memory_space<vmem_shared>>)
      tpu.yield
    }) : () -> ()
    %barrier3A_144 = arith.constant 0 : index
    tpu.barrier barrier_id(%barrier3A_144)
    %mul3A_145 = arith.constant 320 : i32
    %mul3A_146 = arith.muli %arg1, %mul3A_145 : i32
    %add3A_147 = arith.constant 0 : i32
    %add3A_148 = arith.addi %add3A_147, %mul3A_146 : i32
    %multiple_of3A_149 = tpu.assume_multiple %add3A_148, 8 : i32
    "tpu.region"() ({
      %run_scoped3A = tpu.sem_alloc : memref<!tpu.dma_semaphore, #tpu.memory_space<semaphore_mem>>
      %dma_start3A = arith.constant 0 : i32
      %dma_start3A_272 = tpu.memref_slice %arg20[%dma_start3A] : memref<5120xf32, #tpu.memory_space<vmem>> -> memref<320xf32, #tpu.memory_space<vmem>>
      %dma_start3A_273 = tpu.memref_slice %arg23[%multiple_of3A_149] : memref<81920xf32, #tpu.memory_space<vmem_shared>> -> memref<320xf32, #tpu.memory_space<vmem_shared>>
      %dma_start3A_274 = arith.constant 0 : i32
      %dma_start3A_275 = tpu.memref_slice %arg20[%dma_start3A_274] : memref<5120xf32, #tpu.memory_space<vmem>> -> memref<320xf32, #tpu.memory_space<vmem>>
      %dma_start3A_276 = tpu.memref_slice %arg23[%multiple_of3A_149] : memref<81920xf32, #tpu.memory_space<vmem_shared>> -> memref<320xf32, #tpu.memory_space<vmem_shared>>
      tpu.enqueue_dma source(%dma_start3A_276 : memref<320xf32, #tpu.memory_space<vmem_shared>>) target(%dma_start3A_275 : memref<320xf32, #tpu.memory_space<vmem>>) target_semaphore(%run_scoped3A : memref<!tpu.dma_semaphore, #tpu.memory_space<semaphore_mem>>)
      %dma_wait3A = arith.constant 0 : i32
      %dma_wait3A_277 = tpu.memref_slice %arg20[%dma_wait3A] : memref<5120xf32, #tpu.memory_space<vmem>> -> memref<320xf32, #tpu.memory_space<vmem>>
      %dma_wait3A_278 = tpu.memref_slice %arg23[%multiple_of3A_149] : memref<81920xf32, #tpu.memory_space<vmem_shared>> -> memref<320xf32, #tpu.memory_space<vmem_shared>>
      %dma_wait3A_279 = arith.constant 0 : i32
      %dma_wait3A_280 = tpu.memref_slice %arg20[%dma_wait3A_279] : memref<5120xf32, #tpu.memory_space<vmem>> -> memref<320xf32, #tpu.memory_space<vmem>>
      %dma_wait3A_281 = tpu.memref_slice %arg23[%multiple_of3A_149] : memref<81920xf32, #tpu.memory_space<vmem_shared>> -> memref<320xf32, #tpu.memory_space<vmem_shared>>
      tpu.wait_dma2 semaphore(%run_scoped3A : memref<!tpu.dma_semaphore, #tpu.memory_space<semaphore_mem>>) src(%dma_wait3A_281 : memref<320xf32, #tpu.memory_space<vmem_shared>>) dst(%dma_wait3A_280 : memref<320xf32, #tpu.memory_space<vmem>>)
      tpu.yield
    }) : () -> ()
    %add3A_150 = arith.constant 5120 : i32
    %add3A_151 = arith.addi %add3A_150, %mul3A_146 : i32
    %multiple_of3A_152 = tpu.assume_multiple %add3A_151, 8 : i32
    "tpu.region"() ({
      %run_scoped3A = tpu.sem_alloc : memref<!tpu.dma_semaphore, #tpu.memory_space<semaphore_mem>>
      %dma_start3A = arith.constant 320 : i32
      %dma_start3A_272 = tpu.memref_slice %arg20[%dma_start3A] : memref<5120xf32, #tpu.memory_space<vmem>> -> memref<320xf32, #tpu.memory_space<vmem>>
      %dma_start3A_273 = tpu.memref_slice %arg23[%multiple_of3A_152] : memref<81920xf32, #tpu.memory_space<vmem_shared>> -> memref<320xf32, #tpu.memory_space<vmem_shared>>
      %dma_start3A_274 = arith.constant 320 : i32
      %dma_start3A_275 = tpu.memref_slice %arg20[%dma_start3A_274] : memref<5120xf32, #tpu.memory_space<vmem>> -> memref<320xf32, #tpu.memory_space<vmem>>
      %dma_start3A_276 = tpu.memref_slice %arg23[%multiple_of3A_152] : memref<81920xf32, #tpu.memory_space<vmem_shared>> -> memref<320xf32, #tpu.memory_space<vmem_shared>>
      tpu.enqueue_dma source(%dma_start3A_276 : memref<320xf32, #tpu.memory_space<vmem_shared>>) target(%dma_start3A_275 : memref<320xf32, #tpu.memory_space<vmem>>) target_semaphore(%run_scoped3A : memref<!tpu.dma_semaphore, #tpu.memory_space<semaphore_mem>>)
      %dma_wait3A = arith.constant 320 : i32
      %dma_wait3A_277 = tpu.memref_slice %arg20[%dma_wait3A] : memref<5120xf32, #tpu.memory_space<vmem>> -> memref<320xf32, #tpu.memory_space<vmem>>
      %dma_wait3A_278 = tpu.memref_slice %arg23[%multiple_of3A_152] : memref<81920xf32, #tpu.memory_space<vmem_shared>> -> memref<320xf32, #tpu.memory_space<vmem_shared>>
      %dma_wait3A_279 = arith.constant 320 : i32
      %dma_wait3A_280 = tpu.memref_slice %arg20[%dma_wait3A_279] : memref<5120xf32, #tpu.memory_space<vmem>> -> memref<320xf32, #tpu.memory_space<vmem>>
      %dma_wait3A_281 = tpu.memref_slice %arg23[%multiple_of3A_152] : memref<81920xf32, #tpu.memory_space<vmem_shared>> -> memref<320xf32, #tpu.memory_space<vmem_shared>>
      tpu.wait_dma2 semaphore(%run_scoped3A : memref<!tpu.dma_semaphore, #tpu.memory_space<semaphore_mem>>) src(%dma_wait3A_281 : memref<320xf32, #tpu.memory_space<vmem_shared>>) dst(%dma_wait3A_280 : memref<320xf32, #tpu.memory_space<vmem>>)
      tpu.yield
    }) : () -> ()
    %add3A_153 = arith.constant 10240 : i32
    %add3A_154 = arith.addi %add3A_153, %mul3A_146 : i32
    %multiple_of3A_155 = tpu.assume_multiple %add3A_154, 8 : i32
    "tpu.region"() ({
      %run_scoped3A = tpu.sem_alloc : memref<!tpu.dma_semaphore, #tpu.memory_space<semaphore_mem>>
      %dma_start3A = arith.constant 640 : i32
      %dma_start3A_272 = tpu.memref_slice %arg20[%dma_start3A] : memref<5120xf32, #tpu.memory_space<vmem>> -> memref<320xf32, #tpu.memory_space<vmem>>
      %dma_start3A_273 = tpu.memref_slice %arg23[%multiple_of3A_155] : memref<81920xf32, #tpu.memory_space<vmem_shared>> -> memref<320xf32, #tpu.memory_space<vmem_shared>>
      %dma_start3A_274 = arith.constant 640 : i32
      %dma_start3A_275 = tpu.memref_slice %arg20[%dma_start3A_274] : memref<5120xf32, #tpu.memory_space<vmem>> -> memref<320xf32, #tpu.memory_space<vmem>>
      %dma_start3A_276 = tpu.memref_slice %arg23[%multiple_of3A_155] : memref<81920xf32, #tpu.memory_space<vmem_shared>> -> memref<320xf32, #tpu.memory_space<vmem_shared>>
      tpu.enqueue_dma source(%dma_start3A_276 : memref<320xf32, #tpu.memory_space<vmem_shared>>) target(%dma_start3A_275 : memref<320xf32, #tpu.memory_space<vmem>>) target_semaphore(%run_scoped3A : memref<!tpu.dma_semaphore, #tpu.memory_space<semaphore_mem>>)
      %dma_wait3A = arith.constant 640 : i32
      %dma_wait3A_277 = tpu.memref_slice %arg20[%dma_wait3A] : memref<5120xf32, #tpu.memory_space<vmem>> -> memref<320xf32, #tpu.memory_space<vmem>>
      %dma_wait3A_278 = tpu.memref_slice %arg23[%multiple_of3A_155] : memref<81920xf32, #tpu.memory_space<vmem_shared>> -> memref<320xf32, #tpu.memory_space<vmem_shared>>
      %dma_wait3A_279 = arith.constant 640 : i32
      %dma_wait3A_280 = tpu.memref_slice %arg20[%dma_wait3A_279] : memref<5120xf32, #tpu.memory_space<vmem>> -> memref<320xf32, #tpu.memory_space<vmem>>
      %dma_wait3A_281 = tpu.memref_slice %arg23[%multiple_of3A_155] : memref<81920xf32, #tpu.memory_space<vmem_shared>> -> memref<320xf32, #tpu.memory_space<vmem_shared>>
      tpu.wait_dma2 semaphore(%run_scoped3A : memref<!tpu.dma_semaphore, #tpu.memory_space<semaphore_mem>>) src(%dma_wait3A_281 : memref<320xf32, #tpu.memory_space<vmem_shared>>) dst(%dma_wait3A_280 : memref<320xf32, #tpu.memory_space<vmem>>)
      tpu.yield
    }) : () -> ()
    %add3A_156 = arith.constant 15360 : i32
    %add3A_157 = arith.addi %add3A_156, %mul3A_146 : i32
    %multiple_of3A_158 = tpu.assume_multiple %add3A_157, 8 : i32
    "tpu.region"() ({
      %run_scoped3A = tpu.sem_alloc : memref<!tpu.dma_semaphore, #tpu.memory_space<semaphore_mem>>
      %dma_start3A = arith.constant 960 : i32
      %dma_start3A_272 = tpu.memref_slice %arg20[%dma_start3A] : memref<5120xf32, #tpu.memory_space<vmem>> -> memref<320xf32, #tpu.memory_space<vmem>>
      %dma_start3A_273 = tpu.memref_slice %arg23[%multiple_of3A_158] : memref<81920xf32, #tpu.memory_space<vmem_shared>> -> memref<320xf32, #tpu.memory_space<vmem_shared>>
      %dma_start3A_274 = arith.constant 960 : i32
      %dma_start3A_275 = tpu.memref_slice %arg20[%dma_start3A_274] : memref<5120xf32, #tpu.memory_space<vmem>> -> memref<320xf32, #tpu.memory_space<vmem>>
      %dma_start3A_276 = tpu.memref_slice %arg23[%multiple_of3A_158] : memref<81920xf32, #tpu.memory_space<vmem_shared>> -> memref<320xf32, #tpu.memory_space<vmem_shared>>
      tpu.enqueue_dma source(%dma_start3A_276 : memref<320xf32, #tpu.memory_space<vmem_shared>>) target(%dma_start3A_275 : memref<320xf32, #tpu.memory_space<vmem>>) target_semaphore(%run_scoped3A : memref<!tpu.dma_semaphore, #tpu.memory_space<semaphore_mem>>)
      %dma_wait3A = arith.constant 960 : i32
      %dma_wait3A_277 = tpu.memref_slice %arg20[%dma_wait3A] : memref<5120xf32, #tpu.memory_space<vmem>> -> memref<320xf32, #tpu.memory_space<vmem>>
      %dma_wait3A_278 = tpu.memref_slice %arg23[%multiple_of3A_158] : memref<81920xf32, #tpu.memory_space<vmem_shared>> -> memref<320xf32, #tpu.memory_space<vmem_shared>>
      %dma_wait3A_279 = arith.constant 960 : i32
      %dma_wait3A_280 = tpu.memref_slice %arg20[%dma_wait3A_279] : memref<5120xf32, #tpu.memory_space<vmem>> -> memref<320xf32, #tpu.memory_space<vmem>>
      %dma_wait3A_281 = tpu.memref_slice %arg23[%multiple_of3A_158] : memref<81920xf32, #tpu.memory_space<vmem_shared>> -> memref<320xf32, #tpu.memory_space<vmem_shared>>
      tpu.wait_dma2 semaphore(%run_scoped3A : memref<!tpu.dma_semaphore, #tpu.memory_space<semaphore_mem>>) src(%dma_wait3A_281 : memref<320xf32, #tpu.memory_space<vmem_shared>>) dst(%dma_wait3A_280 : memref<320xf32, #tpu.memory_space<vmem>>)
      tpu.yield
    }) : () -> ()
    %add3A_159 = arith.constant 20480 : i32
    %add3A_160 = arith.addi %add3A_159, %mul3A_146 : i32
    %multiple_of3A_161 = tpu.assume_multiple %add3A_160, 8 : i32
    "tpu.region"() ({
      %run_scoped3A = tpu.sem_alloc : memref<!tpu.dma_semaphore, #tpu.memory_space<semaphore_mem>>
      %dma_start3A = arith.constant 1280 : i32
      %dma_start3A_272 = tpu.memref_slice %arg20[%dma_start3A] : memref<5120xf32, #tpu.memory_space<vmem>> -> memref<320xf32, #tpu.memory_space<vmem>>
      %dma_start3A_273 = tpu.memref_slice %arg23[%multiple_of3A_161] : memref<81920xf32, #tpu.memory_space<vmem_shared>> -> memref<320xf32, #tpu.memory_space<vmem_shared>>
      %dma_start3A_274 = arith.constant 1280 : i32
      %dma_start3A_275 = tpu.memref_slice %arg20[%dma_start3A_274] : memref<5120xf32, #tpu.memory_space<vmem>> -> memref<320xf32, #tpu.memory_space<vmem>>
      %dma_start3A_276 = tpu.memref_slice %arg23[%multiple_of3A_161] : memref<81920xf32, #tpu.memory_space<vmem_shared>> -> memref<320xf32, #tpu.memory_space<vmem_shared>>
      tpu.enqueue_dma source(%dma_start3A_276 : memref<320xf32, #tpu.memory_space<vmem_shared>>) target(%dma_start3A_275 : memref<320xf32, #tpu.memory_space<vmem>>) target_semaphore(%run_scoped3A : memref<!tpu.dma_semaphore, #tpu.memory_space<semaphore_mem>>)
      %dma_wait3A = arith.constant 1280 : i32
      %dma_wait3A_277 = tpu.memref_slice %arg20[%dma_wait3A] : memref<5120xf32, #tpu.memory_space<vmem>> -> memref<320xf32, #tpu.memory_space<vmem>>
      %dma_wait3A_278 = tpu.memref_slice %arg23[%multiple_of3A_161] : memref<81920xf32, #tpu.memory_space<vmem_shared>> -> memref<320xf32, #tpu.memory_space<vmem_shared>>
      %dma_wait3A_279 = arith.constant 1280 : i32
      %dma_wait3A_280 = tpu.memref_slice %arg20[%dma_wait3A_279] : memref<5120xf32, #tpu.memory_space<vmem>> -> memref<320xf32, #tpu.memory_space<vmem>>
      %dma_wait3A_281 = tpu.memref_slice %arg23[%multiple_of3A_161] : memref<81920xf32, #tpu.memory_space<vmem_shared>> -> memref<320xf32, #tpu.memory_space<vmem_shared>>
      tpu.wait_dma2 semaphore(%run_scoped3A : memref<!tpu.dma_semaphore, #tpu.memory_space<semaphore_mem>>) src(%dma_wait3A_281 : memref<320xf32, #tpu.memory_space<vmem_shared>>) dst(%dma_wait3A_280 : memref<320xf32, #tpu.memory_space<vmem>>)
      tpu.yield
    }) : () -> ()
    %add3A_162 = arith.constant 25600 : i32
    %add3A_163 = arith.addi %add3A_162, %mul3A_146 : i32
    %multiple_of3A_164 = tpu.assume_multiple %add3A_163, 8 : i32
    "tpu.region"() ({
      %run_scoped3A = tpu.sem_alloc : memref<!tpu.dma_semaphore, #tpu.memory_space<semaphore_mem>>
      %dma_start3A = arith.constant 1600 : i32
      %dma_start3A_272 = tpu.memref_slice %arg20[%dma_start3A] : memref<5120xf32, #tpu.memory_space<vmem>> -> memref<320xf32, #tpu.memory_space<vmem>>
      %dma_start3A_273 = tpu.memref_slice %arg23[%multiple_of3A_164] : memref<81920xf32, #tpu.memory_space<vmem_shared>> -> memref<320xf32, #tpu.memory_space<vmem_shared>>
      %dma_start3A_274 = arith.constant 1600 : i32
      %dma_start3A_275 = tpu.memref_slice %arg20[%dma_start3A_274] : memref<5120xf32, #tpu.memory_space<vmem>> -> memref<320xf32, #tpu.memory_space<vmem>>
      %dma_start3A_276 = tpu.memref_slice %arg23[%multiple_of3A_164] : memref<81920xf32, #tpu.memory_space<vmem_shared>> -> memref<320xf32, #tpu.memory_space<vmem_shared>>
      tpu.enqueue_dma source(%dma_start3A_276 : memref<320xf32, #tpu.memory_space<vmem_shared>>) target(%dma_start3A_275 : memref<320xf32, #tpu.memory_space<vmem>>) target_semaphore(%run_scoped3A : memref<!tpu.dma_semaphore, #tpu.memory_space<semaphore_mem>>)
      %dma_wait3A = arith.constant 1600 : i32
      %dma_wait3A_277 = tpu.memref_slice %arg20[%dma_wait3A] : memref<5120xf32, #tpu.memory_space<vmem>> -> memref<320xf32, #tpu.memory_space<vmem>>
      %dma_wait3A_278 = tpu.memref_slice %arg23[%multiple_of3A_164] : memref<81920xf32, #tpu.memory_space<vmem_shared>> -> memref<320xf32, #tpu.memory_space<vmem_shared>>
      %dma_wait3A_279 = arith.constant 1600 : i32
      %dma_wait3A_280 = tpu.memref_slice %arg20[%dma_wait3A_279] : memref<5120xf32, #tpu.memory_space<vmem>> -> memref<320xf32, #tpu.memory_space<vmem>>
      %dma_wait3A_281 = tpu.memref_slice %arg23[%multiple_of3A_164] : memref<81920xf32, #tpu.memory_space<vmem_shared>> -> memref<320xf32, #tpu.memory_space<vmem_shared>>
      tpu.wait_dma2 semaphore(%run_scoped3A : memref<!tpu.dma_semaphore, #tpu.memory_space<semaphore_mem>>) src(%dma_wait3A_281 : memref<320xf32, #tpu.memory_space<vmem_shared>>) dst(%dma_wait3A_280 : memref<320xf32, #tpu.memory_space<vmem>>)
      tpu.yield
    }) : () -> ()
    %add3A_165 = arith.constant 30720 : i32
    %add3A_166 = arith.addi %add3A_165, %mul3A_146 : i32
    %multiple_of3A_167 = tpu.assume_multiple %add3A_166, 8 : i32
    "tpu.region"() ({
      %run_scoped3A = tpu.sem_alloc : memref<!tpu.dma_semaphore, #tpu.memory_space<semaphore_mem>>
      %dma_start3A = arith.constant 1920 : i32
      %dma_start3A_272 = tpu.memref_slice %arg20[%dma_start3A] : memref<5120xf32, #tpu.memory_space<vmem>> -> memref<320xf32, #tpu.memory_space<vmem>>
      %dma_start3A_273 = tpu.memref_slice %arg23[%multiple_of3A_167] : memref<81920xf32, #tpu.memory_space<vmem_shared>> -> memref<320xf32, #tpu.memory_space<vmem_shared>>
      %dma_start3A_274 = arith.constant 1920 : i32
      %dma_start3A_275 = tpu.memref_slice %arg20[%dma_start3A_274] : memref<5120xf32, #tpu.memory_space<vmem>> -> memref<320xf32, #tpu.memory_space<vmem>>
      %dma_start3A_276 = tpu.memref_slice %arg23[%multiple_of3A_167] : memref<81920xf32, #tpu.memory_space<vmem_shared>> -> memref<320xf32, #tpu.memory_space<vmem_shared>>
      tpu.enqueue_dma source(%dma_start3A_276 : memref<320xf32, #tpu.memory_space<vmem_shared>>) target(%dma_start3A_275 : memref<320xf32, #tpu.memory_space<vmem>>) target_semaphore(%run_scoped3A : memref<!tpu.dma_semaphore, #tpu.memory_space<semaphore_mem>>)
      %dma_wait3A = arith.constant 1920 : i32
      %dma_wait3A_277 = tpu.memref_slice %arg20[%dma_wait3A] : memref<5120xf32, #tpu.memory_space<vmem>> -> memref<320xf32, #tpu.memory_space<vmem>>
      %dma_wait3A_278 = tpu.memref_slice %arg23[%multiple_of3A_167] : memref<81920xf32, #tpu.memory_space<vmem_shared>> -> memref<320xf32, #tpu.memory_space<vmem_shared>>
      %dma_wait3A_279 = arith.constant 1920 : i32
      %dma_wait3A_280 = tpu.memref_slice %arg20[%dma_wait3A_279] : memref<5120xf32, #tpu.memory_space<vmem>> -> memref<320xf32, #tpu.memory_space<vmem>>
      %dma_wait3A_281 = tpu.memref_slice %arg23[%multiple_of3A_167] : memref<81920xf32, #tpu.memory_space<vmem_shared>> -> memref<320xf32, #tpu.memory_space<vmem_shared>>
      tpu.wait_dma2 semaphore(%run_scoped3A : memref<!tpu.dma_semaphore, #tpu.memory_space<semaphore_mem>>) src(%dma_wait3A_281 : memref<320xf32, #tpu.memory_space<vmem_shared>>) dst(%dma_wait3A_280 : memref<320xf32, #tpu.memory_space<vmem>>)
      tpu.yield
    }) : () -> ()
    %add3A_168 = arith.constant 35840 : i32
    %add3A_169 = arith.addi %add3A_168, %mul3A_146 : i32
    %multiple_of3A_170 = tpu.assume_multiple %add3A_169, 8 : i32
    "tpu.region"() ({
      %run_scoped3A = tpu.sem_alloc : memref<!tpu.dma_semaphore, #tpu.memory_space<semaphore_mem>>
      %dma_start3A = arith.constant 2240 : i32
      %dma_start3A_272 = tpu.memref_slice %arg20[%dma_start3A] : memref<5120xf32, #tpu.memory_space<vmem>> -> memref<320xf32, #tpu.memory_space<vmem>>
      %dma_start3A_273 = tpu.memref_slice %arg23[%multiple_of3A_170] : memref<81920xf32, #tpu.memory_space<vmem_shared>> -> memref<320xf32, #tpu.memory_space<vmem_shared>>
      %dma_start3A_274 = arith.constant 2240 : i32
      %dma_start3A_275 = tpu.memref_slice %arg20[%dma_start3A_274] : memref<5120xf32, #tpu.memory_space<vmem>> -> memref<320xf32, #tpu.memory_space<vmem>>
      %dma_start3A_276 = tpu.memref_slice %arg23[%multiple_of3A_170] : memref<81920xf32, #tpu.memory_space<vmem_shared>> -> memref<320xf32, #tpu.memory_space<vmem_shared>>
      tpu.enqueue_dma source(%dma_start3A_276 : memref<320xf32, #tpu.memory_space<vmem_shared>>) target(%dma_start3A_275 : memref<320xf32, #tpu.memory_space<vmem>>) target_semaphore(%run_scoped3A : memref<!tpu.dma_semaphore, #tpu.memory_space<semaphore_mem>>)
      %dma_wait3A = arith.constant 2240 : i32
      %dma_wait3A_277 = tpu.memref_slice %arg20[%dma_wait3A] : memref<5120xf32, #tpu.memory_space<vmem>> -> memref<320xf32, #tpu.memory_space<vmem>>
      %dma_wait3A_278 = tpu.memref_slice %arg23[%multiple_of3A_170] : memref<81920xf32, #tpu.memory_space<vmem_shared>> -> memref<320xf32, #tpu.memory_space<vmem_shared>>
      %dma_wait3A_279 = arith.constant 2240 : i32
      %dma_wait3A_280 = tpu.memref_slice %arg20[%dma_wait3A_279] : memref<5120xf32, #tpu.memory_space<vmem>> -> memref<320xf32, #tpu.memory_space<vmem>>
      %dma_wait3A_281 = tpu.memref_slice %arg23[%multiple_of3A_170] : memref<81920xf32, #tpu.memory_space<vmem_shared>> -> memref<320xf32, #tpu.memory_space<vmem_shared>>
      tpu.wait_dma2 semaphore(%run_scoped3A : memref<!tpu.dma_semaphore, #tpu.memory_space<semaphore_mem>>) src(%dma_wait3A_281 : memref<320xf32, #tpu.memory_space<vmem_shared>>) dst(%dma_wait3A_280 : memref<320xf32, #tpu.memory_space<vmem>>)
      tpu.yield
    }) : () -> ()
    %add3A_171 = arith.constant 40960 : i32
    %add3A_172 = arith.addi %add3A_171, %mul3A_146 : i32
    %multiple_of3A_173 = tpu.assume_multiple %add3A_172, 8 : i32
    "tpu.region"() ({
      %run_scoped3A = tpu.sem_alloc : memref<!tpu.dma_semaphore, #tpu.memory_space<semaphore_mem>>
      %dma_start3A = arith.constant 2560 : i32
      %dma_start3A_272 = tpu.memref_slice %arg20[%dma_start3A] : memref<5120xf32, #tpu.memory_space<vmem>> -> memref<320xf32, #tpu.memory_space<vmem>>
      %dma_start3A_273 = tpu.memref_slice %arg23[%multiple_of3A_173] : memref<81920xf32, #tpu.memory_space<vmem_shared>> -> memref<320xf32, #tpu.memory_space<vmem_shared>>
      %dma_start3A_274 = arith.constant 2560 : i32
      %dma_start3A_275 = tpu.memref_slice %arg20[%dma_start3A_274] : memref<5120xf32, #tpu.memory_space<vmem>> -> memref<320xf32, #tpu.memory_space<vmem>>
      %dma_start3A_276 = tpu.memref_slice %arg23[%multiple_of3A_173] : memref<81920xf32, #tpu.memory_space<vmem_shared>> -> memref<320xf32, #tpu.memory_space<vmem_shared>>
      tpu.enqueue_dma source(%dma_start3A_276 : memref<320xf32, #tpu.memory_space<vmem_shared>>) target(%dma_start3A_275 : memref<320xf32, #tpu.memory_space<vmem>>) target_semaphore(%run_scoped3A : memref<!tpu.dma_semaphore, #tpu.memory_space<semaphore_mem>>)
      %dma_wait3A = arith.constant 2560 : i32
      %dma_wait3A_277 = tpu.memref_slice %arg20[%dma_wait3A] : memref<5120xf32, #tpu.memory_space<vmem>> -> memref<320xf32, #tpu.memory_space<vmem>>
      %dma_wait3A_278 = tpu.memref_slice %arg23[%multiple_of3A_173] : memref<81920xf32, #tpu.memory_space<vmem_shared>> -> memref<320xf32, #tpu.memory_space<vmem_shared>>
      %dma_wait3A_279 = arith.constant 2560 : i32
      %dma_wait3A_280 = tpu.memref_slice %arg20[%dma_wait3A_279] : memref<5120xf32, #tpu.memory_space<vmem>> -> memref<320xf32, #tpu.memory_space<vmem>>
      %dma_wait3A_281 = tpu.memref_slice %arg23[%multiple_of3A_173] : memref<81920xf32, #tpu.memory_space<vmem_shared>> -> memref<320xf32, #tpu.memory_space<vmem_shared>>
      tpu.wait_dma2 semaphore(%run_scoped3A : memref<!tpu.dma_semaphore, #tpu.memory_space<semaphore_mem>>) src(%dma_wait3A_281 : memref<320xf32, #tpu.memory_space<vmem_shared>>) dst(%dma_wait3A_280 : memref<320xf32, #tpu.memory_space<vmem>>)
      tpu.yield
    }) : () -> ()
    %add3A_174 = arith.constant 46080 : i32
    %add3A_175 = arith.addi %add3A_174, %mul3A_146 : i32
    %multiple_of3A_176 = tpu.assume_multiple %add3A_175, 8 : i32
    "tpu.region"() ({
      %run_scoped3A = tpu.sem_alloc : memref<!tpu.dma_semaphore, #tpu.memory_space<semaphore_mem>>
      %dma_start3A = arith.constant 2880 : i32
      %dma_start3A_272 = tpu.memref_slice %arg20[%dma_start3A] : memref<5120xf32, #tpu.memory_space<vmem>> -> memref<320xf32, #tpu.memory_space<vmem>>
      %dma_start3A_273 = tpu.memref_slice %arg23[%multiple_of3A_176] : memref<81920xf32, #tpu.memory_space<vmem_shared>> -> memref<320xf32, #tpu.memory_space<vmem_shared>>
      %dma_start3A_274 = arith.constant 2880 : i32
      %dma_start3A_275 = tpu.memref_slice %arg20[%dma_start3A_274] : memref<5120xf32, #tpu.memory_space<vmem>> -> memref<320xf32, #tpu.memory_space<vmem>>
      %dma_start3A_276 = tpu.memref_slice %arg23[%multiple_of3A_176] : memref<81920xf32, #tpu.memory_space<vmem_shared>> -> memref<320xf32, #tpu.memory_space<vmem_shared>>
      tpu.enqueue_dma source(%dma_start3A_276 : memref<320xf32, #tpu.memory_space<vmem_shared>>) target(%dma_start3A_275 : memref<320xf32, #tpu.memory_space<vmem>>) target_semaphore(%run_scoped3A : memref<!tpu.dma_semaphore, #tpu.memory_space<semaphore_mem>>)
      %dma_wait3A = arith.constant 2880 : i32
      %dma_wait3A_277 = tpu.memref_slice %arg20[%dma_wait3A] : memref<5120xf32, #tpu.memory_space<vmem>> -> memref<320xf32, #tpu.memory_space<vmem>>
      %dma_wait3A_278 = tpu.memref_slice %arg23[%multiple_of3A_176] : memref<81920xf32, #tpu.memory_space<vmem_shared>> -> memref<320xf32, #tpu.memory_space<vmem_shared>>
      %dma_wait3A_279 = arith.constant 2880 : i32
      %dma_wait3A_280 = tpu.memref_slice %arg20[%dma_wait3A_279] : memref<5120xf32, #tpu.memory_space<vmem>> -> memref<320xf32, #tpu.memory_space<vmem>>
      %dma_wait3A_281 = tpu.memref_slice %arg23[%multiple_of3A_176] : memref<81920xf32, #tpu.memory_space<vmem_shared>> -> memref<320xf32, #tpu.memory_space<vmem_shared>>
      tpu.wait_dma2 semaphore(%run_scoped3A : memref<!tpu.dma_semaphore, #tpu.memory_space<semaphore_mem>>) src(%dma_wait3A_281 : memref<320xf32, #tpu.memory_space<vmem_shared>>) dst(%dma_wait3A_280 : memref<320xf32, #tpu.memory_space<vmem>>)
      tpu.yield
    }) : () -> ()
    %add3A_177 = arith.constant 51200 : i32
    %add3A_178 = arith.addi %add3A_177, %mul3A_146 : i32
    %multiple_of3A_179 = tpu.assume_multiple %add3A_178, 8 : i32
    "tpu.region"() ({
      %run_scoped3A = tpu.sem_alloc : memref<!tpu.dma_semaphore, #tpu.memory_space<semaphore_mem>>
      %dma_start3A = arith.constant 3200 : i32
      %dma_start3A_272 = tpu.memref_slice %arg20[%dma_start3A] : memref<5120xf32, #tpu.memory_space<vmem>> -> memref<320xf32, #tpu.memory_space<vmem>>
      %dma_start3A_273 = tpu.memref_slice %arg23[%multiple_of3A_179] : memref<81920xf32, #tpu.memory_space<vmem_shared>> -> memref<320xf32, #tpu.memory_space<vmem_shared>>
      %dma_start3A_274 = arith.constant 3200 : i32
      %dma_start3A_275 = tpu.memref_slice %arg20[%dma_start3A_274] : memref<5120xf32, #tpu.memory_space<vmem>> -> memref<320xf32, #tpu.memory_space<vmem>>
      %dma_start3A_276 = tpu.memref_slice %arg23[%multiple_of3A_179] : memref<81920xf32, #tpu.memory_space<vmem_shared>> -> memref<320xf32, #tpu.memory_space<vmem_shared>>
      tpu.enqueue_dma source(%dma_start3A_276 : memref<320xf32, #tpu.memory_space<vmem_shared>>) target(%dma_start3A_275 : memref<320xf32, #tpu.memory_space<vmem>>) target_semaphore(%run_scoped3A : memref<!tpu.dma_semaphore, #tpu.memory_space<semaphore_mem>>)
      %dma_wait3A = arith.constant 3200 : i32
      %dma_wait3A_277 = tpu.memref_slice %arg20[%dma_wait3A] : memref<5120xf32, #tpu.memory_space<vmem>> -> memref<320xf32, #tpu.memory_space<vmem>>
      %dma_wait3A_278 = tpu.memref_slice %arg23[%multiple_of3A_179] : memref<81920xf32, #tpu.memory_space<vmem_shared>> -> memref<320xf32, #tpu.memory_space<vmem_shared>>
      %dma_wait3A_279 = arith.constant 3200 : i32
      %dma_wait3A_280 = tpu.memref_slice %arg20[%dma_wait3A_279] : memref<5120xf32, #tpu.memory_space<vmem>> -> memref<320xf32, #tpu.memory_space<vmem>>
      %dma_wait3A_281 = tpu.memref_slice %arg23[%multiple_of3A_179] : memref<81920xf32, #tpu.memory_space<vmem_shared>> -> memref<320xf32, #tpu.memory_space<vmem_shared>>
      tpu.wait_dma2 semaphore(%run_scoped3A : memref<!tpu.dma_semaphore, #tpu.memory_space<semaphore_mem>>) src(%dma_wait3A_281 : memref<320xf32, #tpu.memory_space<vmem_shared>>) dst(%dma_wait3A_280 : memref<320xf32, #tpu.memory_space<vmem>>)
      tpu.yield
    }) : () -> ()
    %add3A_180 = arith.constant 56320 : i32
    %add3A_181 = arith.addi %add3A_180, %mul3A_146 : i32
    %multiple_of3A_182 = tpu.assume_multiple %add3A_181, 8 : i32
    "tpu.region"() ({
      %run_scoped3A = tpu.sem_alloc : memref<!tpu.dma_semaphore, #tpu.memory_space<semaphore_mem>>
      %dma_start3A = arith.constant 3520 : i32
      %dma_start3A_272 = tpu.memref_slice %arg20[%dma_start3A] : memref<5120xf32, #tpu.memory_space<vmem>> -> memref<320xf32, #tpu.memory_space<vmem>>
      %dma_start3A_273 = tpu.memref_slice %arg23[%multiple_of3A_182] : memref<81920xf32, #tpu.memory_space<vmem_shared>> -> memref<320xf32, #tpu.memory_space<vmem_shared>>
      %dma_start3A_274 = arith.constant 3520 : i32
      %dma_start3A_275 = tpu.memref_slice %arg20[%dma_start3A_274] : memref<5120xf32, #tpu.memory_space<vmem>> -> memref<320xf32, #tpu.memory_space<vmem>>
      %dma_start3A_276 = tpu.memref_slice %arg23[%multiple_of3A_182] : memref<81920xf32, #tpu.memory_space<vmem_shared>> -> memref<320xf32, #tpu.memory_space<vmem_shared>>
      tpu.enqueue_dma source(%dma_start3A_276 : memref<320xf32, #tpu.memory_space<vmem_shared>>) target(%dma_start3A_275 : memref<320xf32, #tpu.memory_space<vmem>>) target_semaphore(%run_scoped3A : memref<!tpu.dma_semaphore, #tpu.memory_space<semaphore_mem>>)
      %dma_wait3A = arith.constant 3520 : i32
      %dma_wait3A_277 = tpu.memref_slice %arg20[%dma_wait3A] : memref<5120xf32, #tpu.memory_space<vmem>> -> memref<320xf32, #tpu.memory_space<vmem>>
      %dma_wait3A_278 = tpu.memref_slice %arg23[%multiple_of3A_182] : memref<81920xf32, #tpu.memory_space<vmem_shared>> -> memref<320xf32, #tpu.memory_space<vmem_shared>>
      %dma_wait3A_279 = arith.constant 3520 : i32
      %dma_wait3A_280 = tpu.memref_slice %arg20[%dma_wait3A_279] : memref<5120xf32, #tpu.memory_space<vmem>> -> memref<320xf32, #tpu.memory_space<vmem>>
      %dma_wait3A_281 = tpu.memref_slice %arg23[%multiple_of3A_182] : memref<81920xf32, #tpu.memory_space<vmem_shared>> -> memref<320xf32, #tpu.memory_space<vmem_shared>>
      tpu.wait_dma2 semaphore(%run_scoped3A : memref<!tpu.dma_semaphore, #tpu.memory_space<semaphore_mem>>) src(%dma_wait3A_281 : memref<320xf32, #tpu.memory_space<vmem_shared>>) dst(%dma_wait3A_280 : memref<320xf32, #tpu.memory_space<vmem>>)
      tpu.yield
    }) : () -> ()
    %add3A_183 = arith.constant 61440 : i32
    %add3A_184 = arith.addi %add3A_183, %mul3A_146 : i32
    %multiple_of3A_185 = tpu.assume_multiple %add3A_184, 8 : i32
    "tpu.region"() ({
      %run_scoped3A = tpu.sem_alloc : memref<!tpu.dma_semaphore, #tpu.memory_space<semaphore_mem>>
      %dma_start3A = arith.constant 3840 : i32
      %dma_start3A_272 = tpu.memref_slice %arg20[%dma_start3A] : memref<5120xf32, #tpu.memory_space<vmem>> -> memref<320xf32, #tpu.memory_space<vmem>>
      %dma_start3A_273 = tpu.memref_slice %arg23[%multiple_of3A_185] : memref<81920xf32, #tpu.memory_space<vmem_shared>> -> memref<320xf32, #tpu.memory_space<vmem_shared>>
      %dma_start3A_274 = arith.constant 3840 : i32
      %dma_start3A_275 = tpu.memref_slice %arg20[%dma_start3A_274] : memref<5120xf32, #tpu.memory_space<vmem>> -> memref<320xf32, #tpu.memory_space<vmem>>
      %dma_start3A_276 = tpu.memref_slice %arg23[%multiple_of3A_185] : memref<81920xf32, #tpu.memory_space<vmem_shared>> -> memref<320xf32, #tpu.memory_space<vmem_shared>>
      tpu.enqueue_dma source(%dma_start3A_276 : memref<320xf32, #tpu.memory_space<vmem_shared>>) target(%dma_start3A_275 : memref<320xf32, #tpu.memory_space<vmem>>) target_semaphore(%run_scoped3A : memref<!tpu.dma_semaphore, #tpu.memory_space<semaphore_mem>>)
      %dma_wait3A = arith.constant 3840 : i32
      %dma_wait3A_277 = tpu.memref_slice %arg20[%dma_wait3A] : memref<5120xf32, #tpu.memory_space<vmem>> -> memref<320xf32, #tpu.memory_space<vmem>>
      %dma_wait3A_278 = tpu.memref_slice %arg23[%multiple_of3A_185] : memref<81920xf32, #tpu.memory_space<vmem_shared>> -> memref<320xf32, #tpu.memory_space<vmem_shared>>
      %dma_wait3A_279 = arith.constant 3840 : i32
      %dma_wait3A_280 = tpu.memref_slice %arg20[%dma_wait3A_279] : memref<5120xf32, #tpu.memory_space<vmem>> -> memref<320xf32, #tpu.memory_space<vmem>>
      %dma_wait3A_281 = tpu.memref_slice %arg23[%multiple_of3A_185] : memref<81920xf32, #tpu.memory_space<vmem_shared>> -> memref<320xf32, #tpu.memory_space<vmem_shared>>
      tpu.wait_dma2 semaphore(%run_scoped3A : memref<!tpu.dma_semaphore, #tpu.memory_space<semaphore_mem>>) src(%dma_wait3A_281 : memref<320xf32, #tpu.memory_space<vmem_shared>>) dst(%dma_wait3A_280 : memref<320xf32, #tpu.memory_space<vmem>>)
      tpu.yield
    }) : () -> ()
    %add3A_186 = arith.constant 66560 : i32
    %add3A_187 = arith.addi %add3A_186, %mul3A_146 : i32
    %multiple_of3A_188 = tpu.assume_multiple %add3A_187, 8 : i32
    "tpu.region"() ({
      %run_scoped3A = tpu.sem_alloc : memref<!tpu.dma_semaphore, #tpu.memory_space<semaphore_mem>>
      %dma_start3A = arith.constant 4160 : i32
      %dma_start3A_272 = tpu.memref_slice %arg20[%dma_start3A] : memref<5120xf32, #tpu.memory_space<vmem>> -> memref<320xf32, #tpu.memory_space<vmem>>
      %dma_start3A_273 = tpu.memref_slice %arg23[%multiple_of3A_188] : memref<81920xf32, #tpu.memory_space<vmem_shared>> -> memref<320xf32, #tpu.memory_space<vmem_shared>>
      %dma_start3A_274 = arith.constant 4160 : i32
      %dma_start3A_275 = tpu.memref_slice %arg20[%dma_start3A_274] : memref<5120xf32, #tpu.memory_space<vmem>> -> memref<320xf32, #tpu.memory_space<vmem>>
      %dma_start3A_276 = tpu.memref_slice %arg23[%multiple_of3A_188] : memref<81920xf32, #tpu.memory_space<vmem_shared>> -> memref<320xf32, #tpu.memory_space<vmem_shared>>
      tpu.enqueue_dma source(%dma_start3A_276 : memref<320xf32, #tpu.memory_space<vmem_shared>>) target(%dma_start3A_275 : memref<320xf32, #tpu.memory_space<vmem>>) target_semaphore(%run_scoped3A : memref<!tpu.dma_semaphore, #tpu.memory_space<semaphore_mem>>)
      %dma_wait3A = arith.constant 4160 : i32
      %dma_wait3A_277 = tpu.memref_slice %arg20[%dma_wait3A] : memref<5120xf32, #tpu.memory_space<vmem>> -> memref<320xf32, #tpu.memory_space<vmem>>
      %dma_wait3A_278 = tpu.memref_slice %arg23[%multiple_of3A_188] : memref<81920xf32, #tpu.memory_space<vmem_shared>> -> memref<320xf32, #tpu.memory_space<vmem_shared>>
      %dma_wait3A_279 = arith.constant 4160 : i32
      %dma_wait3A_280 = tpu.memref_slice %arg20[%dma_wait3A_279] : memref<5120xf32, #tpu.memory_space<vmem>> -> memref<320xf32, #tpu.memory_space<vmem>>
      %dma_wait3A_281 = tpu.memref_slice %arg23[%multiple_of3A_188] : memref<81920xf32, #tpu.memory_space<vmem_shared>> -> memref<320xf32, #tpu.memory_space<vmem_shared>>
      tpu.wait_dma2 semaphore(%run_scoped3A : memref<!tpu.dma_semaphore, #tpu.memory_space<semaphore_mem>>) src(%dma_wait3A_281 : memref<320xf32, #tpu.memory_space<vmem_shared>>) dst(%dma_wait3A_280 : memref<320xf32, #tpu.memory_space<vmem>>)
      tpu.yield
    }) : () -> ()
    %add3A_189 = arith.constant 71680 : i32
    %add3A_190 = arith.addi %add3A_189, %mul3A_146 : i32
    %multiple_of3A_191 = tpu.assume_multiple %add3A_190, 8 : i32
    "tpu.region"() ({
      %run_scoped3A = tpu.sem_alloc : memref<!tpu.dma_semaphore, #tpu.memory_space<semaphore_mem>>
      %dma_start3A = arith.constant 4480 : i32
      %dma_start3A_272 = tpu.memref_slice %arg20[%dma_start3A] : memref<5120xf32, #tpu.memory_space<vmem>> -> memref<320xf32, #tpu.memory_space<vmem>>
      %dma_start3A_273 = tpu.memref_slice %arg23[%multiple_of3A_191] : memref<81920xf32, #tpu.memory_space<vmem_shared>> -> memref<320xf32, #tpu.memory_space<vmem_shared>>
      %dma_start3A_274 = arith.constant 4480 : i32
      %dma_start3A_275 = tpu.memref_slice %arg20[%dma_start3A_274] : memref<5120xf32, #tpu.memory_space<vmem>> -> memref<320xf32, #tpu.memory_space<vmem>>
      %dma_start3A_276 = tpu.memref_slice %arg23[%multiple_of3A_191] : memref<81920xf32, #tpu.memory_space<vmem_shared>> -> memref<320xf32, #tpu.memory_space<vmem_shared>>
      tpu.enqueue_dma source(%dma_start3A_276 : memref<320xf32, #tpu.memory_space<vmem_shared>>) target(%dma_start3A_275 : memref<320xf32, #tpu.memory_space<vmem>>) target_semaphore(%run_scoped3A : memref<!tpu.dma_semaphore, #tpu.memory_space<semaphore_mem>>)
      %dma_wait3A = arith.constant 4480 : i32
      %dma_wait3A_277 = tpu.memref_slice %arg20[%dma_wait3A] : memref<5120xf32, #tpu.memory_space<vmem>> -> memref<320xf32, #tpu.memory_space<vmem>>
      %dma_wait3A_278 = tpu.memref_slice %arg23[%multiple_of3A_191] : memref<81920xf32, #tpu.memory_space<vmem_shared>> -> memref<320xf32, #tpu.memory_space<vmem_shared>>
      %dma_wait3A_279 = arith.constant 4480 : i32
      %dma_wait3A_280 = tpu.memref_slice %arg20[%dma_wait3A_279] : memref<5120xf32, #tpu.memory_space<vmem>> -> memref<320xf32, #tpu.memory_space<vmem>>
      %dma_wait3A_281 = tpu.memref_slice %arg23[%multiple_of3A_191] : memref<81920xf32, #tpu.memory_space<vmem_shared>> -> memref<320xf32, #tpu.memory_space<vmem_shared>>
      tpu.wait_dma2 semaphore(%run_scoped3A : memref<!tpu.dma_semaphore, #tpu.memory_space<semaphore_mem>>) src(%dma_wait3A_281 : memref<320xf32, #tpu.memory_space<vmem_shared>>) dst(%dma_wait3A_280 : memref<320xf32, #tpu.memory_space<vmem>>)
      tpu.yield
    }) : () -> ()
    %add3A_192 = arith.constant 76800 : i32
    %add3A_193 = arith.addi %add3A_192, %mul3A_146 : i32
    %multiple_of3A_194 = tpu.assume_multiple %add3A_193, 8 : i32
    "tpu.region"() ({
      %run_scoped3A = tpu.sem_alloc : memref<!tpu.dma_semaphore, #tpu.memory_space<semaphore_mem>>
      %dma_start3A = arith.constant 4800 : i32
      %dma_start3A_272 = tpu.memref_slice %arg20[%dma_start3A] : memref<5120xf32, #tpu.memory_space<vmem>> -> memref<320xf32, #tpu.memory_space<vmem>>
      %dma_start3A_273 = tpu.memref_slice %arg23[%multiple_of3A_194] : memref<81920xf32, #tpu.memory_space<vmem_shared>> -> memref<320xf32, #tpu.memory_space<vmem_shared>>
      %dma_start3A_274 = arith.constant 4800 : i32
      %dma_start3A_275 = tpu.memref_slice %arg20[%dma_start3A_274] : memref<5120xf32, #tpu.memory_space<vmem>> -> memref<320xf32, #tpu.memory_space<vmem>>
      %dma_start3A_276 = tpu.memref_slice %arg23[%multiple_of3A_194] : memref<81920xf32, #tpu.memory_space<vmem_shared>> -> memref<320xf32, #tpu.memory_space<vmem_shared>>
      tpu.enqueue_dma source(%dma_start3A_276 : memref<320xf32, #tpu.memory_space<vmem_shared>>) target(%dma_start3A_275 : memref<320xf32, #tpu.memory_space<vmem>>) target_semaphore(%run_scoped3A : memref<!tpu.dma_semaphore, #tpu.memory_space<semaphore_mem>>)
      %dma_wait3A = arith.constant 4800 : i32
      %dma_wait3A_277 = tpu.memref_slice %arg20[%dma_wait3A] : memref<5120xf32, #tpu.memory_space<vmem>> -> memref<320xf32, #tpu.memory_space<vmem>>
      %dma_wait3A_278 = tpu.memref_slice %arg23[%multiple_of3A_194] : memref<81920xf32, #tpu.memory_space<vmem_shared>> -> memref<320xf32, #tpu.memory_space<vmem_shared>>
      %dma_wait3A_279 = arith.constant 4800 : i32
      %dma_wait3A_280 = tpu.memref_slice %arg20[%dma_wait3A_279] : memref<5120xf32, #tpu.memory_space<vmem>> -> memref<320xf32, #tpu.memory_space<vmem>>
      %dma_wait3A_281 = tpu.memref_slice %arg23[%multiple_of3A_194] : memref<81920xf32, #tpu.memory_space<vmem_shared>> -> memref<320xf32, #tpu.memory_space<vmem_shared>>
      tpu.wait_dma2 semaphore(%run_scoped3A : memref<!tpu.dma_semaphore, #tpu.memory_space<semaphore_mem>>) src(%dma_wait3A_281 : memref<320xf32, #tpu.memory_space<vmem_shared>>) dst(%dma_wait3A_280 : memref<320xf32, #tpu.memory_space<vmem>>)
      tpu.yield
    }) : () -> ()
    %scan3A_195 = arith.constant 0 : i32
    %scan3A_196 = arith.constant 0 : i32
    %scan3A_197 = arith.constant 20 : i32
    %scan3A_198 = arith.addi %scan3A_196, %scan3A_197 : i32
    %scan3A_199 = arith.constant 1 : i32
    %scan3A_200 = scf.for %scan3A_272 = %scan3A_196 to %scan3A_198 step %scan3A_199 iter_args(%scan3A_273 = %scan3A_195) -> (i32)  : i32 {
      %mul3A_274 = arith.constant 16 : i32
      %mul3A_275 = arith.muli %scan3A_272, %mul3A_274 : i32
      %add3A_276 = vector.broadcast %mul3A_275 : i32 to vector<16xi32>
      %add3A_277 = arith.addi %add3A_276, %iota3A : vector<16xi32>
      %add3A_278 = arith.constant 0 : i32
      %add3A_279 = vector.broadcast %add3A_278 : i32 to vector<16xi32>
      %add3A_280 = arith.addi %add3A_279, %add3A_277 : vector<16xi32>
      %gather3A_281 = tpu.vector_load_idx %arg20[%add3A_280] : memref<5120xf32, #tpu.memory_space<vmem>>[vector<16xi32>], vector<16xf32>,
      %add3A_282 = arith.addf %broadcast_in_dim3A_0, %gather3A_281 : vector<16xf32>
      %add3A_283 = arith.constant 320 : i32
      %add3A_284 = vector.broadcast %add3A_283 : i32 to vector<16xi32>
      %add3A_285 = arith.addi %add3A_284, %add3A_277 : vector<16xi32>
      %gather3A_286 = tpu.vector_load_idx %arg20[%add3A_285] : memref<5120xf32, #tpu.memory_space<vmem>>[vector<16xi32>], vector<16xf32>,
      %add3A_287 = arith.addf %add3A_282, %gather3A_286 : vector<16xf32>
      %add3A_288 = arith.constant 640 : i32
      %add3A_289 = vector.broadcast %add3A_288 : i32 to vector<16xi32>
      %add3A_290 = arith.addi %add3A_289, %add3A_277 : vector<16xi32>
      %gather3A_291 = tpu.vector_load_idx %arg20[%add3A_290] : memref<5120xf32, #tpu.memory_space<vmem>>[vector<16xi32>], vector<16xf32>,
      %add3A_292 = arith.addf %add3A_287, %gather3A_291 : vector<16xf32>
      %add3A_293 = arith.constant 960 : i32
      %add3A_294 = vector.broadcast %add3A_293 : i32 to vector<16xi32>
      %add3A_295 = arith.addi %add3A_294, %add3A_277 : vector<16xi32>
      %gather3A_296 = tpu.vector_load_idx %arg20[%add3A_295] : memref<5120xf32, #tpu.memory_space<vmem>>[vector<16xi32>], vector<16xf32>,
      %add3A_297 = arith.addf %add3A_292, %gather3A_296 : vector<16xf32>
      %add3A_298 = arith.constant 1280 : i32
      %add3A_299 = vector.broadcast %add3A_298 : i32 to vector<16xi32>
      %add3A_300 = arith.addi %add3A_299, %add3A_277 : vector<16xi32>
      %gather3A_301 = tpu.vector_load_idx %arg20[%add3A_300] : memref<5120xf32, #tpu.memory_space<vmem>>[vector<16xi32>], vector<16xf32>,
      %add3A_302 = arith.addf %add3A_297, %gather3A_301 : vector<16xf32>
      %add3A_303 = arith.constant 1600 : i32
      %add3A_304 = vector.broadcast %add3A_303 : i32 to vector<16xi32>
      %add3A_305 = arith.addi %add3A_304, %add3A_277 : vector<16xi32>
      %gather3A_306 = tpu.vector_load_idx %arg20[%add3A_305] : memref<5120xf32, #tpu.memory_space<vmem>>[vector<16xi32>], vector<16xf32>,
      %add3A_307 = arith.addf %add3A_302, %gather3A_306 : vector<16xf32>
      %add3A_308 = arith.constant 1920 : i32
      %add3A_309 = vector.broadcast %add3A_308 : i32 to vector<16xi32>
      %add3A_310 = arith.addi %add3A_309, %add3A_277 : vector<16xi32>
      %gather3A_311 = tpu.vector_load_idx %arg20[%add3A_310] : memref<5120xf32, #tpu.memory_space<vmem>>[vector<16xi32>], vector<16xf32>,
      %add3A_312 = arith.addf %add3A_307, %gather3A_311 : vector<16xf32>
      %add3A_313 = arith.constant 2240 : i32
      %add3A_314 = vector.broadcast %add3A_313 : i32 to vector<16xi32>
      %add3A_315 = arith.addi %add3A_314, %add3A_277 : vector<16xi32>
      %gather3A_316 = tpu.vector_load_idx %arg20[%add3A_315] : memref<5120xf32, #tpu.memory_space<vmem>>[vector<16xi32>], vector<16xf32>,
      %add3A_317 = arith.addf %add3A_312, %gather3A_316 : vector<16xf32>
      %add3A_318 = arith.constant 2560 : i32
      %add3A_319 = vector.broadcast %add3A_318 : i32 to vector<16xi32>
      %add3A_320 = arith.addi %add3A_319, %add3A_277 : vector<16xi32>
      %gather3A_321 = tpu.vector_load_idx %arg20[%add3A_320] : memref<5120xf32, #tpu.memory_space<vmem>>[vector<16xi32>], vector<16xf32>,
      %add3A_322 = arith.addf %add3A_317, %gather3A_321 : vector<16xf32>
      %add3A_323 = arith.constant 2880 : i32
      %add3A_324 = vector.broadcast %add3A_323 : i32 to vector<16xi32>
      %add3A_325 = arith.addi %add3A_324, %add3A_277 : vector<16xi32>
      %gather3A_326 = tpu.vector_load_idx %arg20[%add3A_325] : memref<5120xf32, #tpu.memory_space<vmem>>[vector<16xi32>], vector<16xf32>,
      %add3A_327 = arith.addf %add3A_322, %gather3A_326 : vector<16xf32>
      %add3A_328 = arith.constant 3200 : i32
      %add3A_329 = vector.broadcast %add3A_328 : i32 to vector<16xi32>
      %add3A_330 = arith.addi %add3A_329, %add3A_277 : vector<16xi32>
      %gather3A_331 = tpu.vector_load_idx %arg20[%add3A_330] : memref<5120xf32, #tpu.memory_space<vmem>>[vector<16xi32>], vector<16xf32>,
      %add3A_332 = arith.addf %add3A_327, %gather3A_331 : vector<16xf32>
      %add3A_333 = arith.constant 3520 : i32
      %add3A_334 = vector.broadcast %add3A_333 : i32 to vector<16xi32>
      %add3A_335 = arith.addi %add3A_334, %add3A_277 : vector<16xi32>
      %gather3A_336 = tpu.vector_load_idx %arg20[%add3A_335] : memref<5120xf32, #tpu.memory_space<vmem>>[vector<16xi32>], vector<16xf32>,
      %add3A_337 = arith.addf %add3A_332, %gather3A_336 : vector<16xf32>
      %add3A_338 = arith.constant 3840 : i32
      %add3A_339 = vector.broadcast %add3A_338 : i32 to vector<16xi32>
      %add3A_340 = arith.addi %add3A_339, %add3A_277 : vector<16xi32>
      %gather3A_341 = tpu.vector_load_idx %arg20[%add3A_340] : memref<5120xf32, #tpu.memory_space<vmem>>[vector<16xi32>], vector<16xf32>,
      %add3A_342 = arith.addf %add3A_337, %gather3A_341 : vector<16xf32>
      %add3A_343 = arith.constant 4160 : i32
      %add3A_344 = vector.broadcast %add3A_343 : i32 to vector<16xi32>
      %add3A_345 = arith.addi %add3A_344, %add3A_277 : vector<16xi32>
      %gather3A_346 = tpu.vector_load_idx %arg20[%add3A_345] : memref<5120xf32, #tpu.memory_space<vmem>>[vector<16xi32>], vector<16xf32>,
      %add3A_347 = arith.addf %add3A_342, %gather3A_346 : vector<16xf32>
      %add3A_348 = arith.constant 4480 : i32
      %add3A_349 = vector.broadcast %add3A_348 : i32 to vector<16xi32>
      %add3A_350 = arith.addi %add3A_349, %add3A_277 : vector<16xi32>
      %gather3A_351 = tpu.vector_load_idx %arg20[%add3A_350] : memref<5120xf32, #tpu.memory_space<vmem>>[vector<16xi32>], vector<16xf32>,
      %add3A_352 = arith.addf %add3A_347, %gather3A_351 : vector<16xf32>
      %add3A_353 = arith.constant 4800 : i32
      %add3A_354 = vector.broadcast %add3A_353 : i32 to vector<16xi32>
      %add3A_355 = arith.addi %add3A_354, %add3A_277 : vector<16xi32>
      %gather3A_356 = tpu.vector_load_idx %arg20[%add3A_355] : memref<5120xf32, #tpu.memory_space<vmem>>[vector<16xi32>], vector<16xf32>,
      %add3A_357 = arith.addf %add3A_352, %gather3A_356 : vector<16xf32>
      %max3A = arith.constant 1.000000e+00 : f32
      %max3A_358 = vector.broadcast %max3A : f32 to vector<16xf32>
      %max3A_359 = arith.maximumf %add3A_357, %max3A_358 : vector<16xf32>
      %div3A_360 = arith.constant 1.000000e+00 : f32
      %div3A_361 = vector.broadcast %div3A_360 : f32 to vector<16xf32>
      %div3A_362 = arith.divf %div3A_361, %max3A_359 : vector<16xf32>
      tpu.vector_store_idx %arg21[%add3A_277], %div3A_362 : memref<320xf32, #tpu.memory_space<vmem>>[vector<16xi32>], vector<16xf32>,
      %scan3A_363 = arith.constant 0 : i32
      scf.yield %scan3A_363 : i32
    }
    %scan3A_201 = arith.constant 20 : i32
    %eq3A_202 = arith.constant 15 : i32
    %eq3A_203 = arith.cmpi eq, %arg1, %eq3A_202 : i32
    %add3A_204 = arith.constant 0 : i32
    %add3A_205 = arith.addi %mul3A_146, %add3A_204 : i32
    %multiple_of3A_206 = tpu.assume_multiple %add3A_205, 8 : i32
    "tpu.region"() ({
      %run_scoped3A = tpu.sem_alloc : memref<!tpu.dma_semaphore, #tpu.memory_space<semaphore_mem>>
      %dma_start3A = arith.constant 0 : i32
      %dma_start3A_272 = arith.constant 0 : i32
      %dma_start3A_273 = tpu.memref_slice %arg7[%dma_start3A, %dma_start3A_272] : memref<128x128xf32, #tpu.memory_space<vmem>> -> memref<128x128xf32, #tpu.memory_space<vmem>>
      %dma_start3A_274 = arith.constant 0 : i32
      %dma_start3A_275 = tpu.memref_slice %arg22[%multiple_of3A_206, %dma_start3A_274] : memref<5120x128xf32, #tpu.memory_space<vmem_shared>> -> memref<128x128xf32, #tpu.memory_space<vmem_shared>>
      %dma_start3A_276 = arith.constant 0 : i32
      %dma_start3A_277 = arith.constant 0 : i32
      %dma_start3A_278 = tpu.memref_slice %arg7[%dma_start3A_276, %dma_start3A_277] : memref<128x128xf32, #tpu.memory_space<vmem>> -> memref<128x128xf32, #tpu.memory_space<vmem>>
      %dma_start3A_279 = arith.constant 0 : i32
      %dma_start3A_280 = tpu.memref_slice %arg22[%multiple_of3A_206, %dma_start3A_279] : memref<5120x128xf32, #tpu.memory_space<vmem_shared>> -> memref<128x128xf32, #tpu.memory_space<vmem_shared>>
      tpu.enqueue_dma source(%dma_start3A_280 : memref<128x128xf32, #tpu.memory_space<vmem_shared>>) target(%dma_start3A_278 : memref<128x128xf32, #tpu.memory_space<vmem>>) target_semaphore(%run_scoped3A : memref<!tpu.dma_semaphore, #tpu.memory_space<semaphore_mem>>)
      %dma_wait3A = arith.constant 0 : i32
      %dma_wait3A_281 = arith.constant 0 : i32
      %dma_wait3A_282 = tpu.memref_slice %arg7[%dma_wait3A, %dma_wait3A_281] : memref<128x128xf32, #tpu.memory_space<vmem>> -> memref<128x128xf32, #tpu.memory_space<vmem>>
      %dma_wait3A_283 = arith.constant 0 : i32
      %dma_wait3A_284 = tpu.memref_slice %arg22[%multiple_of3A_206, %dma_wait3A_283] : memref<5120x128xf32, #tpu.memory_space<vmem_shared>> -> memref<128x128xf32, #tpu.memory_space<vmem_shared>>
      %dma_wait3A_285 = arith.constant 0 : i32
      %dma_wait3A_286 = arith.constant 0 : i32
      %dma_wait3A_287 = tpu.memref_slice %arg7[%dma_wait3A_285, %dma_wait3A_286] : memref<128x128xf32, #tpu.memory_space<vmem>> -> memref<128x128xf32, #tpu.memory_space<vmem>>
      %dma_wait3A_288 = arith.constant 0 : i32
      %dma_wait3A_289 = tpu.memref_slice %arg22[%multiple_of3A_206, %dma_wait3A_288] : memref<5120x128xf32, #tpu.memory_space<vmem_shared>> -> memref<128x128xf32, #tpu.memory_space<vmem_shared>>
      tpu.wait_dma2 semaphore(%run_scoped3A : memref<!tpu.dma_semaphore, #tpu.memory_space<semaphore_mem>>) src(%dma_wait3A_289 : memref<128x128xf32, #tpu.memory_space<vmem_shared>>) dst(%dma_wait3A_287 : memref<128x128xf32, #tpu.memory_space<vmem>>)
      tpu.yield
    }) : () -> ()
    %scan3A_207 = arith.constant 0 : i32
    %scan3A_208 = arith.constant 0 : i32
    %scan3A_209 = arith.constant 128 : i32
    %scan3A_210 = arith.addi %scan3A_208, %scan3A_209 : i32
    %scan3A_211 = arith.constant 1 : i32
    %scan3A_212 = scf.for %scan3A_272 = %scan3A_208 to %scan3A_210 step %scan3A_211 iter_args(%scan3A_273 = %scan3A_207) -> (i32)  : i32 {
      %broadcast_in_dim3A_274 = arith.constant 0 : i32
      %broadcast_in_dim3A_275 = vector.broadcast %broadcast_in_dim3A_274 : i32 to vector<16xi32>
      %add3A_276 = vector.broadcast %scan3A_272 : i32 to vector<16xi32>
      %add3A_277 = arith.addi %broadcast_in_dim3A_275, %add3A_276 : vector<16xi32>
      %add3A_278 = arith.constant 0 : i32
      %add3A_279 = vector.broadcast %add3A_278 : i32 to vector<16xi32>
      %add3A_280 = arith.addi %add3A_279, %add3A_277 : vector<16xi32>
      %gather3A_281 = tpu.vector_load_idx %arg21[%add3A_280] : memref<320xf32, #tpu.memory_space<vmem>>[vector<16xi32>], vector<16xf32>,
      %add3A_282 = arith.constant 0 : i32
      %add3A_283 = vector.broadcast %add3A_282 : i32 to vector<16xi32>
      %add3A_284 = arith.addi %add3A_283, %iota3A : vector<16xi32>
      %gather3A_285 = tpu.vector_load_idx %arg7[%add3A_277, %add3A_284] : memref<128x128xf32, #tpu.memory_space<vmem>>[vector<16xi32>, vector<16xi32>], vector<16xf32>,
      %mul3A_286 = arith.mulf %gather3A_285, %gather3A_281 : vector<16xf32>
      tpu.vector_store_idx %arg7[%add3A_277, %add3A_284], %mul3A_286 : memref<128x128xf32, #tpu.memory_space<vmem>>[vector<16xi32>, vector<16xi32>], vector<16xf32>,
      %add3A_287 = arith.constant 16 : i32
      %add3A_288 = vector.broadcast %add3A_287 : i32 to vector<16xi32>
      %add3A_289 = arith.addi %add3A_288, %iota3A : vector<16xi32>
      %gather3A_290 = tpu.vector_load_idx %arg7[%add3A_277, %add3A_289] : memref<128x128xf32, #tpu.memory_space<vmem>>[vector<16xi32>, vector<16xi32>], vector<16xf32>,
      %mul3A_291 = arith.mulf %gather3A_290, %gather3A_281 : vector<16xf32>
      tpu.vector_store_idx %arg7[%add3A_277, %add3A_289], %mul3A_291 : memref<128x128xf32, #tpu.memory_space<vmem>>[vector<16xi32>, vector<16xi32>], vector<16xf32>,
      %add3A_292 = arith.constant 32 : i32
      %add3A_293 = vector.broadcast %add3A_292 : i32 to vector<16xi32>
      %add3A_294 = arith.addi %add3A_293, %iota3A : vector<16xi32>
      %gather3A_295 = tpu.vector_load_idx %arg7[%add3A_277, %add3A_294] : memref<128x128xf32, #tpu.memory_space<vmem>>[vector<16xi32>, vector<16xi32>], vector<16xf32>,
      %mul3A_296 = arith.mulf %gather3A_295, %gather3A_281 : vector<16xf32>
      tpu.vector_store_idx %arg7[%add3A_277, %add3A_294], %mul3A_296 : memref<128x128xf32, #tpu.memory_space<vmem>>[vector<16xi32>, vector<16xi32>], vector<16xf32>,
      %add3A_297 = arith.constant 48 : i32
      %add3A_298 = vector.broadcast %add3A_297 : i32 to vector<16xi32>
      %add3A_299 = arith.addi %add3A_298, %iota3A : vector<16xi32>
      %gather3A_300 = tpu.vector_load_idx %arg7[%add3A_277, %add3A_299] : memref<128x128xf32, #tpu.memory_space<vmem>>[vector<16xi32>, vector<16xi32>], vector<16xf32>,
      %mul3A_301 = arith.mulf %gather3A_300, %gather3A_281 : vector<16xf32>
      tpu.vector_store_idx %arg7[%add3A_277, %add3A_299], %mul3A_301 : memref<128x128xf32, #tpu.memory_space<vmem>>[vector<16xi32>, vector<16xi32>], vector<16xf32>,
      %add3A_302 = arith.constant 64 : i32
      %add3A_303 = vector.broadcast %add3A_302 : i32 to vector<16xi32>
      %add3A_304 = arith.addi %add3A_303, %iota3A : vector<16xi32>
      %gather3A_305 = tpu.vector_load_idx %arg7[%add3A_277, %add3A_304] : memref<128x128xf32, #tpu.memory_space<vmem>>[vector<16xi32>, vector<16xi32>], vector<16xf32>,
      %mul3A_306 = arith.mulf %gather3A_305, %gather3A_281 : vector<16xf32>
      tpu.vector_store_idx %arg7[%add3A_277, %add3A_304], %mul3A_306 : memref<128x128xf32, #tpu.memory_space<vmem>>[vector<16xi32>, vector<16xi32>], vector<16xf32>,
      %add3A_307 = arith.constant 80 : i32
      %add3A_308 = vector.broadcast %add3A_307 : i32 to vector<16xi32>
      %add3A_309 = arith.addi %add3A_308, %iota3A : vector<16xi32>
      %gather3A_310 = tpu.vector_load_idx %arg7[%add3A_277, %add3A_309] : memref<128x128xf32, #tpu.memory_space<vmem>>[vector<16xi32>, vector<16xi32>], vector<16xf32>,
      %mul3A_311 = arith.mulf %gather3A_310, %gather3A_281 : vector<16xf32>
      tpu.vector_store_idx %arg7[%add3A_277, %add3A_309], %mul3A_311 : memref<128x128xf32, #tpu.memory_space<vmem>>[vector<16xi32>, vector<16xi32>], vector<16xf32>,
      %add3A_312 = arith.constant 96 : i32
      %add3A_313 = vector.broadcast %add3A_312 : i32 to vector<16xi32>
      %add3A_314 = arith.addi %add3A_313, %iota3A : vector<16xi32>
      %gather3A_315 = tpu.vector_load_idx %arg7[%add3A_277, %add3A_314] : memref<128x128xf32, #tpu.memory_space<vmem>>[vector<16xi32>, vector<16xi32>], vector<16xf32>,
      %mul3A_316 = arith.mulf %gather3A_315, %gather3A_281 : vector<16xf32>
      tpu.vector_store_idx %arg7[%add3A_277, %add3A_314], %mul3A_316 : memref<128x128xf32, #tpu.memory_space<vmem>>[vector<16xi32>, vector<16xi32>], vector<16xf32>,
      %add3A_317 = arith.constant 112 : i32
      %add3A_318 = vector.broadcast %add3A_317 : i32 to vector<16xi32>
      %add3A_319 = arith.addi %add3A_318, %iota3A : vector<16xi32>
      %gather3A_320 = tpu.vector_load_idx %arg7[%add3A_277, %add3A_319] : memref<128x128xf32, #tpu.memory_space<vmem>>[vector<16xi32>, vector<16xi32>], vector<16xf32>,
      %mul3A_321 = arith.mulf %gather3A_320, %gather3A_281 : vector<16xf32>
      tpu.vector_store_idx %arg7[%add3A_277, %add3A_319], %mul3A_321 : memref<128x128xf32, #tpu.memory_space<vmem>>[vector<16xi32>, vector<16xi32>], vector<16xf32>,
      %scan3A_322 = arith.constant 0 : i32
      scf.yield %scan3A_322 : i32
    }
    %scan3A_213 = arith.constant 128 : i32
    %mul3A_214 = arith.constant 5000 : i32
    %mul3A_215 = arith.muli %arg0, %mul3A_214 : i32
    %add3A_216 = arith.addi %mul3A_215, %mul3A_146 : i32
    %add3A_217 = arith.constant 0 : i32
    %add3A_218 = arith.addi %add3A_216, %add3A_217 : i32
    %multiple_of3A_219 = tpu.assume_multiple %add3A_218, 8 : i32
    %not3A = arith.constant true
    %not3A_220 = arith.xori %eq3A_203, %not3A : i1
    %convert_element_type3A_221 = arith.extui %not3A_220 : i1 to i32
    %cond3A_222 = arith.constant 0 : i32
    %cond3A_223 = arith.cmpi ne, %convert_element_type3A_221, %cond3A_222 : i32
    scf.if %cond3A_223 {
      "tpu.region"() ({
        %run_scoped3A = tpu.sem_alloc : memref<!tpu.dma_semaphore, #tpu.memory_space<semaphore_mem>>
        %dma_start3A = arith.constant 0 : i32
        %dma_start3A_272 = arith.constant 0 : i32
        %dma_start3A_273 = tpu.memref_slice %arg7[%dma_start3A, %dma_start3A_272] : memref<128x128xf32, #tpu.memory_space<vmem>> -> memref<128x128xf32, #tpu.memory_space<vmem>>
        %dma_start3A_274 = arith.constant 0 : i32
        %dma_start3A_275 = tpu.memref_slice %arg5[%multiple_of3A_219, %dma_start3A_274] : memref<10000x128xf32, #tpu.memory_space<hbm>> -> memref<128x128xf32, #tpu.memory_space<hbm>>
        %dma_start3A_276 = arith.constant 0 : i32
        %dma_start3A_277 = tpu.memref_slice %arg5[%multiple_of3A_219, %dma_start3A_276] : memref<10000x128xf32, #tpu.memory_space<hbm>> -> memref<128x128xf32, #tpu.memory_space<hbm>>
        %dma_start3A_278 = arith.constant 0 : i32
        %dma_start3A_279 = arith.constant 0 : i32
        %dma_start3A_280 = tpu.memref_slice %arg7[%dma_start3A_278, %dma_start3A_279] : memref<128x128xf32, #tpu.memory_space<vmem>> -> memref<128x128xf32, #tpu.memory_space<vmem>>
        tpu.enqueue_dma source(%dma_start3A_280 : memref<128x128xf32, #tpu.memory_space<vmem>>) target(%dma_start3A_277 : memref<128x128xf32, #tpu.memory_space<hbm>>) target_semaphore(%run_scoped3A : memref<!tpu.dma_semaphore, #tpu.memory_space<semaphore_mem>>)
        %dma_wait3A = arith.constant 0 : i32
        %dma_wait3A_281 = arith.constant 0 : i32
        %dma_wait3A_282 = tpu.memref_slice %arg7[%dma_wait3A, %dma_wait3A_281] : memref<128x128xf32, #tpu.memory_space<vmem>> -> memref<128x128xf32, #tpu.memory_space<vmem>>
        %dma_wait3A_283 = arith.constant 0 : i32
        %dma_wait3A_284 = tpu.memref_slice %arg5[%multiple_of3A_219, %dma_wait3A_283] : memref<10000x128xf32, #tpu.memory_space<hbm>> -> memref<128x128xf32, #tpu.memory_space<hbm>>
        %dma_wait3A_285 = arith.constant 0 : i32
        %dma_wait3A_286 = tpu.memref_slice %arg5[%multiple_of3A_219, %dma_wait3A_285] : memref<10000x128xf32, #tpu.memory_space<hbm>> -> memref<128x128xf32, #tpu.memory_space<hbm>>
        %dma_wait3A_287 = arith.constant 0 : i32
        %dma_wait3A_288 = arith.constant 0 : i32
        %dma_wait3A_289 = tpu.memref_slice %arg7[%dma_wait3A_287, %dma_wait3A_288] : memref<128x128xf32, #tpu.memory_space<vmem>> -> memref<128x128xf32, #tpu.memory_space<vmem>>
        tpu.wait_dma2 semaphore(%run_scoped3A : memref<!tpu.dma_semaphore, #tpu.memory_space<semaphore_mem>>) src(%dma_wait3A_289 : memref<128x128xf32, #tpu.memory_space<vmem>>) dst(%dma_wait3A_286 : memref<128x128xf32, #tpu.memory_space<hbm>>)
        tpu.yield
      }) : () -> ()
    } else {
    }
    %convert_element_type3A_224 = arith.extui %eq3A_203 : i1 to i32
    %cond3A_225 = arith.constant 0 : i32
    %cond3A_226 = arith.cmpi ne, %convert_element_type3A_224, %cond3A_225 : i32
    scf.if %cond3A_226 {
      "tpu.region"() ({
        %run_scoped3A = tpu.sem_alloc : memref<!tpu.dma_semaphore, #tpu.memory_space<semaphore_mem>>
        %dma_start3A = arith.constant 0 : i32
        %dma_start3A_272 = arith.constant 0 : i32
        %dma_start3A_273 = tpu.memref_slice %arg7[%dma_start3A, %dma_start3A_272] : memref<128x128xf32, #tpu.memory_space<vmem>> -> memref<128x128xf32, #tpu.memory_space<vmem>>
        %dma_start3A_274 = arith.constant 0 : i32
        %dma_start3A_275 = tpu.memref_slice %arg5[%multiple_of3A_219, %dma_start3A_274] : memref<10000x128xf32, #tpu.memory_space<hbm>> -> memref<128x128xf32, #tpu.memory_space<hbm>>
        %dma_start3A_276 = arith.constant 0 : i32
        %dma_start3A_277 = tpu.memref_slice %arg5[%multiple_of3A_219, %dma_start3A_276] : memref<10000x128xf32, #tpu.memory_space<hbm>> -> memref<128x128xf32, #tpu.memory_space<hbm>>
        %dma_start3A_278 = arith.constant 0 : i32
        %dma_start3A_279 = arith.constant 0 : i32
        %dma_start3A_280 = tpu.memref_slice %arg7[%dma_start3A_278, %dma_start3A_279] : memref<128x128xf32, #tpu.memory_space<vmem>> -> memref<128x128xf32, #tpu.memory_space<vmem>>
        tpu.enqueue_dma source(%dma_start3A_280 : memref<128x128xf32, #tpu.memory_space<vmem>>) target(%dma_start3A_277 : memref<128x128xf32, #tpu.memory_space<hbm>>) target_semaphore(%run_scoped3A : memref<!tpu.dma_semaphore, #tpu.memory_space<semaphore_mem>>)
        %dma_wait3A = arith.constant 0 : i32
        %dma_wait3A_281 = arith.constant 0 : i32
        %dma_wait3A_282 = tpu.memref_slice %arg7[%dma_wait3A, %dma_wait3A_281] : memref<128x128xf32, #tpu.memory_space<vmem>> -> memref<128x128xf32, #tpu.memory_space<vmem>>
        %dma_wait3A_283 = arith.constant 0 : i32
        %dma_wait3A_284 = tpu.memref_slice %arg5[%multiple_of3A_219, %dma_wait3A_283] : memref<10000x128xf32, #tpu.memory_space<hbm>> -> memref<128x128xf32, #tpu.memory_space<hbm>>
        %dma_wait3A_285 = arith.constant 0 : i32
        %dma_wait3A_286 = tpu.memref_slice %arg5[%multiple_of3A_219, %dma_wait3A_285] : memref<10000x128xf32, #tpu.memory_space<hbm>> -> memref<128x128xf32, #tpu.memory_space<hbm>>
        %dma_wait3A_287 = arith.constant 0 : i32
        %dma_wait3A_288 = arith.constant 0 : i32
        %dma_wait3A_289 = tpu.memref_slice %arg7[%dma_wait3A_287, %dma_wait3A_288] : memref<128x128xf32, #tpu.memory_space<vmem>> -> memref<128x128xf32, #tpu.memory_space<vmem>>
        tpu.wait_dma2 semaphore(%run_scoped3A : memref<!tpu.dma_semaphore, #tpu.memory_space<semaphore_mem>>) src(%dma_wait3A_289 : memref<128x128xf32, #tpu.memory_space<vmem>>) dst(%dma_wait3A_286 : memref<128x128xf32, #tpu.memory_space<hbm>>)
        tpu.yield
      }) : () -> ()
    } else {
    }
    %add3A_227 = arith.constant 128 : i32
    %add3A_228 = arith.addi %mul3A_146, %add3A_227 : i32
    %multiple_of3A_229 = tpu.assume_multiple %add3A_228, 8 : i32
    "tpu.region"() ({
      %run_scoped3A = tpu.sem_alloc : memref<!tpu.dma_semaphore, #tpu.memory_space<semaphore_mem>>
      %dma_start3A = arith.constant 0 : i32
      %dma_start3A_272 = arith.constant 0 : i32
      %dma_start3A_273 = tpu.memref_slice %arg8[%dma_start3A, %dma_start3A_272] : memref<128x128xf32, #tpu.memory_space<vmem>> -> memref<128x128xf32, #tpu.memory_space<vmem>>
      %dma_start3A_274 = arith.constant 0 : i32
      %dma_start3A_275 = tpu.memref_slice %arg22[%multiple_of3A_229, %dma_start3A_274] : memref<5120x128xf32, #tpu.memory_space<vmem_shared>> -> memref<128x128xf32, #tpu.memory_space<vmem_shared>>
      %dma_start3A_276 = arith.constant 0 : i32
      %dma_start3A_277 = arith.constant 0 : i32
      %dma_start3A_278 = tpu.memref_slice %arg8[%dma_start3A_276, %dma_start3A_277] : memref<128x128xf32, #tpu.memory_space<vmem>> -> memref<128x128xf32, #tpu.memory_space<vmem>>
      %dma_start3A_279 = arith.constant 0 : i32
      %dma_start3A_280 = tpu.memref_slice %arg22[%multiple_of3A_229, %dma_start3A_279] : memref<5120x128xf32, #tpu.memory_space<vmem_shared>> -> memref<128x128xf32, #tpu.memory_space<vmem_shared>>
      tpu.enqueue_dma source(%dma_start3A_280 : memref<128x128xf32, #tpu.memory_space<vmem_shared>>) target(%dma_start3A_278 : memref<128x128xf32, #tpu.memory_space<vmem>>) target_semaphore(%run_scoped3A : memref<!tpu.dma_semaphore, #tpu.memory_space<semaphore_mem>>)
      %dma_wait3A = arith.constant 0 : i32
      %dma_wait3A_281 = arith.constant 0 : i32
      %dma_wait3A_282 = tpu.memref_slice %arg8[%dma_wait3A, %dma_wait3A_281] : memref<128x128xf32, #tpu.memory_space<vmem>> -> memref<128x128xf32, #tpu.memory_space<vmem>>
      %dma_wait3A_283 = arith.constant 0 : i32
      %dma_wait3A_284 = tpu.memref_slice %arg22[%multiple_of3A_229, %dma_wait3A_283] : memref<5120x128xf32, #tpu.memory_space<vmem_shared>> -> memref<128x128xf32, #tpu.memory_space<vmem_shared>>
      %dma_wait3A_285 = arith.constant 0 : i32
      %dma_wait3A_286 = arith.constant 0 : i32
      %dma_wait3A_287 = tpu.memref_slice %arg8[%dma_wait3A_285, %dma_wait3A_286] : memref<128x128xf32, #tpu.memory_space<vmem>> -> memref<128x128xf32, #tpu.memory_space<vmem>>
      %dma_wait3A_288 = arith.constant 0 : i32
      %dma_wait3A_289 = tpu.memref_slice %arg22[%multiple_of3A_229, %dma_wait3A_288] : memref<5120x128xf32, #tpu.memory_space<vmem_shared>> -> memref<128x128xf32, #tpu.memory_space<vmem_shared>>
      tpu.wait_dma2 semaphore(%run_scoped3A : memref<!tpu.dma_semaphore, #tpu.memory_space<semaphore_mem>>) src(%dma_wait3A_289 : memref<128x128xf32, #tpu.memory_space<vmem_shared>>) dst(%dma_wait3A_287 : memref<128x128xf32, #tpu.memory_space<vmem>>)
      tpu.yield
    }) : () -> ()
    %scan3A_230 = arith.constant 0 : i32
    %scan3A_231 = arith.constant 0 : i32
    %scan3A_232 = arith.constant 128 : i32
    %scan3A_233 = arith.addi %scan3A_231, %scan3A_232 : i32
    %scan3A_234 = arith.constant 1 : i32
    %scan3A_235 = scf.for %scan3A_272 = %scan3A_231 to %scan3A_233 step %scan3A_234 iter_args(%scan3A_273 = %scan3A_230) -> (i32)  : i32 {
      %broadcast_in_dim3A_274 = arith.constant 0 : i32
      %broadcast_in_dim3A_275 = vector.broadcast %broadcast_in_dim3A_274 : i32 to vector<16xi32>
      %add3A_276 = vector.broadcast %scan3A_272 : i32 to vector<16xi32>
      %add3A_277 = arith.addi %broadcast_in_dim3A_275, %add3A_276 : vector<16xi32>
      %add3A_278 = arith.constant 128 : i32
      %add3A_279 = vector.broadcast %add3A_278 : i32 to vector<16xi32>
      %add3A_280 = arith.addi %add3A_279, %add3A_277 : vector<16xi32>
      %gather3A_281 = tpu.vector_load_idx %arg21[%add3A_280] : memref<320xf32, #tpu.memory_space<vmem>>[vector<16xi32>], vector<16xf32>,
      %add3A_282 = arith.constant 0 : i32
      %add3A_283 = vector.broadcast %add3A_282 : i32 to vector<16xi32>
      %add3A_284 = arith.addi %add3A_283, %iota3A : vector<16xi32>
      %gather3A_285 = tpu.vector_load_idx %arg8[%add3A_277, %add3A_284] : memref<128x128xf32, #tpu.memory_space<vmem>>[vector<16xi32>, vector<16xi32>], vector<16xf32>,
      %mul3A_286 = arith.mulf %gather3A_285, %gather3A_281 : vector<16xf32>
      tpu.vector_store_idx %arg8[%add3A_277, %add3A_284], %mul3A_286 : memref<128x128xf32, #tpu.memory_space<vmem>>[vector<16xi32>, vector<16xi32>], vector<16xf32>,
      %add3A_287 = arith.constant 16 : i32
      %add3A_288 = vector.broadcast %add3A_287 : i32 to vector<16xi32>
      %add3A_289 = arith.addi %add3A_288, %iota3A : vector<16xi32>
      %gather3A_290 = tpu.vector_load_idx %arg8[%add3A_277, %add3A_289] : memref<128x128xf32, #tpu.memory_space<vmem>>[vector<16xi32>, vector<16xi32>], vector<16xf32>,
      %mul3A_291 = arith.mulf %gather3A_290, %gather3A_281 : vector<16xf32>
      tpu.vector_store_idx %arg8[%add3A_277, %add3A_289], %mul3A_291 : memref<128x128xf32, #tpu.memory_space<vmem>>[vector<16xi32>, vector<16xi32>], vector<16xf32>,
      %add3A_292 = arith.constant 32 : i32
      %add3A_293 = vector.broadcast %add3A_292 : i32 to vector<16xi32>
      %add3A_294 = arith.addi %add3A_293, %iota3A : vector<16xi32>
      %gather3A_295 = tpu.vector_load_idx %arg8[%add3A_277, %add3A_294] : memref<128x128xf32, #tpu.memory_space<vmem>>[vector<16xi32>, vector<16xi32>], vector<16xf32>,
      %mul3A_296 = arith.mulf %gather3A_295, %gather3A_281 : vector<16xf32>
      tpu.vector_store_idx %arg8[%add3A_277, %add3A_294], %mul3A_296 : memref<128x128xf32, #tpu.memory_space<vmem>>[vector<16xi32>, vector<16xi32>], vector<16xf32>,
      %add3A_297 = arith.constant 48 : i32
      %add3A_298 = vector.broadcast %add3A_297 : i32 to vector<16xi32>
      %add3A_299 = arith.addi %add3A_298, %iota3A : vector<16xi32>
      %gather3A_300 = tpu.vector_load_idx %arg8[%add3A_277, %add3A_299] : memref<128x128xf32, #tpu.memory_space<vmem>>[vector<16xi32>, vector<16xi32>], vector<16xf32>,
      %mul3A_301 = arith.mulf %gather3A_300, %gather3A_281 : vector<16xf32>
      tpu.vector_store_idx %arg8[%add3A_277, %add3A_299], %mul3A_301 : memref<128x128xf32, #tpu.memory_space<vmem>>[vector<16xi32>, vector<16xi32>], vector<16xf32>,
      %add3A_302 = arith.constant 64 : i32
      %add3A_303 = vector.broadcast %add3A_302 : i32 to vector<16xi32>
      %add3A_304 = arith.addi %add3A_303, %iota3A : vector<16xi32>
      %gather3A_305 = tpu.vector_load_idx %arg8[%add3A_277, %add3A_304] : memref<128x128xf32, #tpu.memory_space<vmem>>[vector<16xi32>, vector<16xi32>], vector<16xf32>,
      %mul3A_306 = arith.mulf %gather3A_305, %gather3A_281 : vector<16xf32>
      tpu.vector_store_idx %arg8[%add3A_277, %add3A_304], %mul3A_306 : memref<128x128xf32, #tpu.memory_space<vmem>>[vector<16xi32>, vector<16xi32>], vector<16xf32>,
      %add3A_307 = arith.constant 80 : i32
      %add3A_308 = vector.broadcast %add3A_307 : i32 to vector<16xi32>
      %add3A_309 = arith.addi %add3A_308, %iota3A : vector<16xi32>
      %gather3A_310 = tpu.vector_load_idx %arg8[%add3A_277, %add3A_309] : memref<128x128xf32, #tpu.memory_space<vmem>>[vector<16xi32>, vector<16xi32>], vector<16xf32>,
      %mul3A_311 = arith.mulf %gather3A_310, %gather3A_281 : vector<16xf32>
      tpu.vector_store_idx %arg8[%add3A_277, %add3A_309], %mul3A_311 : memref<128x128xf32, #tpu.memory_space<vmem>>[vector<16xi32>, vector<16xi32>], vector<16xf32>,
      %add3A_312 = arith.constant 96 : i32
      %add3A_313 = vector.broadcast %add3A_312 : i32 to vector<16xi32>
      %add3A_314 = arith.addi %add3A_313, %iota3A : vector<16xi32>
      %gather3A_315 = tpu.vector_load_idx %arg8[%add3A_277, %add3A_314] : memref<128x128xf32, #tpu.memory_space<vmem>>[vector<16xi32>, vector<16xi32>], vector<16xf32>,
      %mul3A_316 = arith.mulf %gather3A_315, %gather3A_281 : vector<16xf32>
      tpu.vector_store_idx %arg8[%add3A_277, %add3A_314], %mul3A_316 : memref<128x128xf32, #tpu.memory_space<vmem>>[vector<16xi32>, vector<16xi32>], vector<16xf32>,
      %add3A_317 = arith.constant 112 : i32
      %add3A_318 = vector.broadcast %add3A_317 : i32 to vector<16xi32>
      %add3A_319 = arith.addi %add3A_318, %iota3A : vector<16xi32>
      %gather3A_320 = tpu.vector_load_idx %arg8[%add3A_277, %add3A_319] : memref<128x128xf32, #tpu.memory_space<vmem>>[vector<16xi32>, vector<16xi32>], vector<16xf32>,
      %mul3A_321 = arith.mulf %gather3A_320, %gather3A_281 : vector<16xf32>
      tpu.vector_store_idx %arg8[%add3A_277, %add3A_319], %mul3A_321 : memref<128x128xf32, #tpu.memory_space<vmem>>[vector<16xi32>, vector<16xi32>], vector<16xf32>,
      %scan3A_322 = arith.constant 0 : i32
      scf.yield %scan3A_322 : i32
    }
    %scan3A_236 = arith.constant 128 : i32
    %mul3A_237 = arith.constant 5000 : i32
    %mul3A_238 = arith.muli %arg0, %mul3A_237 : i32
    %add3A_239 = arith.addi %mul3A_238, %mul3A_146 : i32
    %add3A_240 = arith.constant 128 : i32
    %add3A_241 = arith.addi %add3A_239, %add3A_240 : i32
    %multiple_of3A_242 = tpu.assume_multiple %add3A_241, 8 : i32
    %not3A_243 = arith.constant true
    %not3A_244 = arith.xori %eq3A_203, %not3A_243 : i1
    %convert_element_type3A_245 = arith.extui %not3A_244 : i1 to i32
    %cond3A_246 = arith.constant 0 : i32
    %cond3A_247 = arith.cmpi ne, %convert_element_type3A_245, %cond3A_246 : i32
    scf.if %cond3A_247 {
      "tpu.region"() ({
        %run_scoped3A = tpu.sem_alloc : memref<!tpu.dma_semaphore, #tpu.memory_space<semaphore_mem>>
        %dma_start3A = arith.constant 0 : i32
        %dma_start3A_272 = arith.constant 0 : i32
        %dma_start3A_273 = tpu.memref_slice %arg8[%dma_start3A, %dma_start3A_272] : memref<128x128xf32, #tpu.memory_space<vmem>> -> memref<128x128xf32, #tpu.memory_space<vmem>>
        %dma_start3A_274 = arith.constant 0 : i32
        %dma_start3A_275 = tpu.memref_slice %arg5[%multiple_of3A_242, %dma_start3A_274] : memref<10000x128xf32, #tpu.memory_space<hbm>> -> memref<128x128xf32, #tpu.memory_space<hbm>>
        %dma_start3A_276 = arith.constant 0 : i32
        %dma_start3A_277 = tpu.memref_slice %arg5[%multiple_of3A_242, %dma_start3A_276] : memref<10000x128xf32, #tpu.memory_space<hbm>> -> memref<128x128xf32, #tpu.memory_space<hbm>>
        %dma_start3A_278 = arith.constant 0 : i32
        %dma_start3A_279 = arith.constant 0 : i32
        %dma_start3A_280 = tpu.memref_slice %arg8[%dma_start3A_278, %dma_start3A_279] : memref<128x128xf32, #tpu.memory_space<vmem>> -> memref<128x128xf32, #tpu.memory_space<vmem>>
        tpu.enqueue_dma source(%dma_start3A_280 : memref<128x128xf32, #tpu.memory_space<vmem>>) target(%dma_start3A_277 : memref<128x128xf32, #tpu.memory_space<hbm>>) target_semaphore(%run_scoped3A : memref<!tpu.dma_semaphore, #tpu.memory_space<semaphore_mem>>)
        %dma_wait3A = arith.constant 0 : i32
        %dma_wait3A_281 = arith.constant 0 : i32
        %dma_wait3A_282 = tpu.memref_slice %arg8[%dma_wait3A, %dma_wait3A_281] : memref<128x128xf32, #tpu.memory_space<vmem>> -> memref<128x128xf32, #tpu.memory_space<vmem>>
        %dma_wait3A_283 = arith.constant 0 : i32
        %dma_wait3A_284 = tpu.memref_slice %arg5[%multiple_of3A_242, %dma_wait3A_283] : memref<10000x128xf32, #tpu.memory_space<hbm>> -> memref<128x128xf32, #tpu.memory_space<hbm>>
        %dma_wait3A_285 = arith.constant 0 : i32
        %dma_wait3A_286 = tpu.memref_slice %arg5[%multiple_of3A_242, %dma_wait3A_285] : memref<10000x128xf32, #tpu.memory_space<hbm>> -> memref<128x128xf32, #tpu.memory_space<hbm>>
        %dma_wait3A_287 = arith.constant 0 : i32
        %dma_wait3A_288 = arith.constant 0 : i32
        %dma_wait3A_289 = tpu.memref_slice %arg8[%dma_wait3A_287, %dma_wait3A_288] : memref<128x128xf32, #tpu.memory_space<vmem>> -> memref<128x128xf32, #tpu.memory_space<vmem>>
        tpu.wait_dma2 semaphore(%run_scoped3A : memref<!tpu.dma_semaphore, #tpu.memory_space<semaphore_mem>>) src(%dma_wait3A_289 : memref<128x128xf32, #tpu.memory_space<vmem>>) dst(%dma_wait3A_286 : memref<128x128xf32, #tpu.memory_space<hbm>>)
        tpu.yield
      }) : () -> ()
    } else {
    }
    %convert_element_type3A_248 = arith.extui %eq3A_203 : i1 to i32
    %cond3A_249 = arith.constant 0 : i32
    %cond3A_250 = arith.cmpi ne, %convert_element_type3A_248, %cond3A_249 : i32
    scf.if %cond3A_250 {
      "tpu.region"() ({
        %run_scoped3A = tpu.sem_alloc : memref<!tpu.dma_semaphore, #tpu.memory_space<semaphore_mem>>
        %dma_start3A = arith.constant 0 : i32
        %dma_start3A_272 = arith.constant 0 : i32
        %dma_start3A_273 = tpu.memref_slice %arg8[%dma_start3A, %dma_start3A_272] : memref<128x128xf32, #tpu.memory_space<vmem>> -> memref<72x128xf32, #tpu.memory_space<vmem>>
        %dma_start3A_274 = arith.constant 0 : i32
        %dma_start3A_275 = tpu.memref_slice %arg5[%multiple_of3A_242, %dma_start3A_274] : memref<10000x128xf32, #tpu.memory_space<hbm>> -> memref<72x128xf32, #tpu.memory_space<hbm>>
        %dma_start3A_276 = arith.constant 0 : i32
        %dma_start3A_277 = tpu.memref_slice %arg5[%multiple_of3A_242, %dma_start3A_276] : memref<10000x128xf32, #tpu.memory_space<hbm>> -> memref<72x128xf32, #tpu.memory_space<hbm>>
        %dma_start3A_278 = arith.constant 0 : i32
        %dma_start3A_279 = arith.constant 0 : i32
        %dma_start3A_280 = tpu.memref_slice %arg8[%dma_start3A_278, %dma_start3A_279] : memref<128x128xf32, #tpu.memory_space<vmem>> -> memref<72x128xf32, #tpu.memory_space<vmem>>
        tpu.enqueue_dma source(%dma_start3A_280 : memref<72x128xf32, #tpu.memory_space<vmem>>) target(%dma_start3A_277 : memref<72x128xf32, #tpu.memory_space<hbm>>) target_semaphore(%run_scoped3A : memref<!tpu.dma_semaphore, #tpu.memory_space<semaphore_mem>>)
        %dma_wait3A = arith.constant 0 : i32
        %dma_wait3A_281 = arith.constant 0 : i32
        %dma_wait3A_282 = tpu.memref_slice %arg8[%dma_wait3A, %dma_wait3A_281] : memref<128x128xf32, #tpu.memory_space<vmem>> -> memref<72x128xf32, #tpu.memory_space<vmem>>
        %dma_wait3A_283 = arith.constant 0 : i32
        %dma_wait3A_284 = tpu.memref_slice %arg5[%multiple_of3A_242, %dma_wait3A_283] : memref<10000x128xf32, #tpu.memory_space<hbm>> -> memref<72x128xf32, #tpu.memory_space<hbm>>
        %dma_wait3A_285 = arith.constant 0 : i32
        %dma_wait3A_286 = tpu.memref_slice %arg5[%multiple_of3A_242, %dma_wait3A_285] : memref<10000x128xf32, #tpu.memory_space<hbm>> -> memref<72x128xf32, #tpu.memory_space<hbm>>
        %dma_wait3A_287 = arith.constant 0 : i32
        %dma_wait3A_288 = arith.constant 0 : i32
        %dma_wait3A_289 = tpu.memref_slice %arg8[%dma_wait3A_287, %dma_wait3A_288] : memref<128x128xf32, #tpu.memory_space<vmem>> -> memref<72x128xf32, #tpu.memory_space<vmem>>
        tpu.wait_dma2 semaphore(%run_scoped3A : memref<!tpu.dma_semaphore, #tpu.memory_space<semaphore_mem>>) src(%dma_wait3A_289 : memref<72x128xf32, #tpu.memory_space<vmem>>) dst(%dma_wait3A_286 : memref<72x128xf32, #tpu.memory_space<hbm>>)
        tpu.yield
      }) : () -> ()
    } else {
    }
    %add3A_251 = arith.constant 256 : i32
    %add3A_252 = arith.addi %mul3A_146, %add3A_251 : i32
    %multiple_of3A_253 = tpu.assume_multiple %add3A_252, 8 : i32
    "tpu.region"() ({
      %run_scoped3A = tpu.sem_alloc : memref<!tpu.dma_semaphore, #tpu.memory_space<semaphore_mem>>
      %dma_start3A = arith.constant 0 : i32
      %dma_start3A_272 = arith.constant 0 : i32
      %dma_start3A_273 = tpu.memref_slice %arg9[%dma_start3A, %dma_start3A_272] : memref<128x128xf32, #tpu.memory_space<vmem>> -> memref<64x128xf32, #tpu.memory_space<vmem>>
      %dma_start3A_274 = arith.constant 0 : i32
      %dma_start3A_275 = tpu.memref_slice %arg22[%multiple_of3A_253, %dma_start3A_274] : memref<5120x128xf32, #tpu.memory_space<vmem_shared>> -> memref<64x128xf32, #tpu.memory_space<vmem_shared>>
      %dma_start3A_276 = arith.constant 0 : i32
      %dma_start3A_277 = arith.constant 0 : i32
      %dma_start3A_278 = tpu.memref_slice %arg9[%dma_start3A_276, %dma_start3A_277] : memref<128x128xf32, #tpu.memory_space<vmem>> -> memref<64x128xf32, #tpu.memory_space<vmem>>
      %dma_start3A_279 = arith.constant 0 : i32
      %dma_start3A_280 = tpu.memref_slice %arg22[%multiple_of3A_253, %dma_start3A_279] : memref<5120x128xf32, #tpu.memory_space<vmem_shared>> -> memref<64x128xf32, #tpu.memory_space<vmem_shared>>
      tpu.enqueue_dma source(%dma_start3A_280 : memref<64x128xf32, #tpu.memory_space<vmem_shared>>) target(%dma_start3A_278 : memref<64x128xf32, #tpu.memory_space<vmem>>) target_semaphore(%run_scoped3A : memref<!tpu.dma_semaphore, #tpu.memory_space<semaphore_mem>>)
      %dma_wait3A = arith.constant 0 : i32
      %dma_wait3A_281 = arith.constant 0 : i32
      %dma_wait3A_282 = tpu.memref_slice %arg9[%dma_wait3A, %dma_wait3A_281] : memref<128x128xf32, #tpu.memory_space<vmem>> -> memref<64x128xf32, #tpu.memory_space<vmem>>
      %dma_wait3A_283 = arith.constant 0 : i32
      %dma_wait3A_284 = tpu.memref_slice %arg22[%multiple_of3A_253, %dma_wait3A_283] : memref<5120x128xf32, #tpu.memory_space<vmem_shared>> -> memref<64x128xf32, #tpu.memory_space<vmem_shared>>
      %dma_wait3A_285 = arith.constant 0 : i32
      %dma_wait3A_286 = arith.constant 0 : i32
      %dma_wait3A_287 = tpu.memref_slice %arg9[%dma_wait3A_285, %dma_wait3A_286] : memref<128x128xf32, #tpu.memory_space<vmem>> -> memref<64x128xf32, #tpu.memory_space<vmem>>
      %dma_wait3A_288 = arith.constant 0 : i32
      %dma_wait3A_289 = tpu.memref_slice %arg22[%multiple_of3A_253, %dma_wait3A_288] : memref<5120x128xf32, #tpu.memory_space<vmem_shared>> -> memref<64x128xf32, #tpu.memory_space<vmem_shared>>
      tpu.wait_dma2 semaphore(%run_scoped3A : memref<!tpu.dma_semaphore, #tpu.memory_space<semaphore_mem>>) src(%dma_wait3A_289 : memref<64x128xf32, #tpu.memory_space<vmem_shared>>) dst(%dma_wait3A_287 : memref<64x128xf32, #tpu.memory_space<vmem>>)
      tpu.yield
    }) : () -> ()
    %scan3A_254 = arith.constant 0 : i32
    %scan3A_255 = arith.constant 0 : i32
    %scan3A_256 = arith.constant 64 : i32
    %scan3A_257 = arith.addi %scan3A_255, %scan3A_256 : i32
    %scan3A_258 = arith.constant 1 : i32
    %scan3A_259 = scf.for %scan3A_272 = %scan3A_255 to %scan3A_257 step %scan3A_258 iter_args(%scan3A_273 = %scan3A_254) -> (i32)  : i32 {
      %broadcast_in_dim3A_274 = arith.constant 0 : i32
      %broadcast_in_dim3A_275 = vector.broadcast %broadcast_in_dim3A_274 : i32 to vector<16xi32>
      %add3A_276 = vector.broadcast %scan3A_272 : i32 to vector<16xi32>
      %add3A_277 = arith.addi %broadcast_in_dim3A_275, %add3A_276 : vector<16xi32>
      %add3A_278 = arith.constant 256 : i32
      %add3A_279 = vector.broadcast %add3A_278 : i32 to vector<16xi32>
      %add3A_280 = arith.addi %add3A_279, %add3A_277 : vector<16xi32>
      %gather3A_281 = tpu.vector_load_idx %arg21[%add3A_280] : memref<320xf32, #tpu.memory_space<vmem>>[vector<16xi32>], vector<16xf32>,
      %add3A_282 = arith.constant 0 : i32
      %add3A_283 = vector.broadcast %add3A_282 : i32 to vector<16xi32>
      %add3A_284 = arith.addi %add3A_283, %iota3A : vector<16xi32>
      %gather3A_285 = tpu.vector_load_idx %arg9[%add3A_277, %add3A_284] : memref<128x128xf32, #tpu.memory_space<vmem>>[vector<16xi32>, vector<16xi32>], vector<16xf32>,
      %mul3A_286 = arith.mulf %gather3A_285, %gather3A_281 : vector<16xf32>
      tpu.vector_store_idx %arg9[%add3A_277, %add3A_284], %mul3A_286 : memref<128x128xf32, #tpu.memory_space<vmem>>[vector<16xi32>, vector<16xi32>], vector<16xf32>,
      %add3A_287 = arith.constant 16 : i32
      %add3A_288 = vector.broadcast %add3A_287 : i32 to vector<16xi32>
      %add3A_289 = arith.addi %add3A_288, %iota3A : vector<16xi32>
      %gather3A_290 = tpu.vector_load_idx %arg9[%add3A_277, %add3A_289] : memref<128x128xf32, #tpu.memory_space<vmem>>[vector<16xi32>, vector<16xi32>], vector<16xf32>,
      %mul3A_291 = arith.mulf %gather3A_290, %gather3A_281 : vector<16xf32>
      tpu.vector_store_idx %arg9[%add3A_277, %add3A_289], %mul3A_291 : memref<128x128xf32, #tpu.memory_space<vmem>>[vector<16xi32>, vector<16xi32>], vector<16xf32>,
      %add3A_292 = arith.constant 32 : i32
      %add3A_293 = vector.broadcast %add3A_292 : i32 to vector<16xi32>
      %add3A_294 = arith.addi %add3A_293, %iota3A : vector<16xi32>
      %gather3A_295 = tpu.vector_load_idx %arg9[%add3A_277, %add3A_294] : memref<128x128xf32, #tpu.memory_space<vmem>>[vector<16xi32>, vector<16xi32>], vector<16xf32>,
      %mul3A_296 = arith.mulf %gather3A_295, %gather3A_281 : vector<16xf32>
      tpu.vector_store_idx %arg9[%add3A_277, %add3A_294], %mul3A_296 : memref<128x128xf32, #tpu.memory_space<vmem>>[vector<16xi32>, vector<16xi32>], vector<16xf32>,
      %add3A_297 = arith.constant 48 : i32
      %add3A_298 = vector.broadcast %add3A_297 : i32 to vector<16xi32>
      %add3A_299 = arith.addi %add3A_298, %iota3A : vector<16xi32>
      %gather3A_300 = tpu.vector_load_idx %arg9[%add3A_277, %add3A_299] : memref<128x128xf32, #tpu.memory_space<vmem>>[vector<16xi32>, vector<16xi32>], vector<16xf32>,
      %mul3A_301 = arith.mulf %gather3A_300, %gather3A_281 : vector<16xf32>
      tpu.vector_store_idx %arg9[%add3A_277, %add3A_299], %mul3A_301 : memref<128x128xf32, #tpu.memory_space<vmem>>[vector<16xi32>, vector<16xi32>], vector<16xf32>,
      %add3A_302 = arith.constant 64 : i32
      %add3A_303 = vector.broadcast %add3A_302 : i32 to vector<16xi32>
      %add3A_304 = arith.addi %add3A_303, %iota3A : vector<16xi32>
      %gather3A_305 = tpu.vector_load_idx %arg9[%add3A_277, %add3A_304] : memref<128x128xf32, #tpu.memory_space<vmem>>[vector<16xi32>, vector<16xi32>], vector<16xf32>,
      %mul3A_306 = arith.mulf %gather3A_305, %gather3A_281 : vector<16xf32>
      tpu.vector_store_idx %arg9[%add3A_277, %add3A_304], %mul3A_306 : memref<128x128xf32, #tpu.memory_space<vmem>>[vector<16xi32>, vector<16xi32>], vector<16xf32>,
      %add3A_307 = arith.constant 80 : i32
      %add3A_308 = vector.broadcast %add3A_307 : i32 to vector<16xi32>
      %add3A_309 = arith.addi %add3A_308, %iota3A : vector<16xi32>
      %gather3A_310 = tpu.vector_load_idx %arg9[%add3A_277, %add3A_309] : memref<128x128xf32, #tpu.memory_space<vmem>>[vector<16xi32>, vector<16xi32>], vector<16xf32>,
      %mul3A_311 = arith.mulf %gather3A_310, %gather3A_281 : vector<16xf32>
      tpu.vector_store_idx %arg9[%add3A_277, %add3A_309], %mul3A_311 : memref<128x128xf32, #tpu.memory_space<vmem>>[vector<16xi32>, vector<16xi32>], vector<16xf32>,
      %add3A_312 = arith.constant 96 : i32
      %add3A_313 = vector.broadcast %add3A_312 : i32 to vector<16xi32>
      %add3A_314 = arith.addi %add3A_313, %iota3A : vector<16xi32>
      %gather3A_315 = tpu.vector_load_idx %arg9[%add3A_277, %add3A_314] : memref<128x128xf32, #tpu.memory_space<vmem>>[vector<16xi32>, vector<16xi32>], vector<16xf32>,
      %mul3A_316 = arith.mulf %gather3A_315, %gather3A_281 : vector<16xf32>
      tpu.vector_store_idx %arg9[%add3A_277, %add3A_314], %mul3A_316 : memref<128x128xf32, #tpu.memory_space<vmem>>[vector<16xi32>, vector<16xi32>], vector<16xf32>,
      %add3A_317 = arith.constant 112 : i32
      %add3A_318 = vector.broadcast %add3A_317 : i32 to vector<16xi32>
      %add3A_319 = arith.addi %add3A_318, %iota3A : vector<16xi32>
      %gather3A_320 = tpu.vector_load_idx %arg9[%add3A_277, %add3A_319] : memref<128x128xf32, #tpu.memory_space<vmem>>[vector<16xi32>, vector<16xi32>], vector<16xf32>,
      %mul3A_321 = arith.mulf %gather3A_320, %gather3A_281 : vector<16xf32>
      tpu.vector_store_idx %arg9[%add3A_277, %add3A_319], %mul3A_321 : memref<128x128xf32, #tpu.memory_space<vmem>>[vector<16xi32>, vector<16xi32>], vector<16xf32>,
      %scan3A_322 = arith.constant 0 : i32
      scf.yield %scan3A_322 : i32
    }
    %scan3A_260 = arith.constant 64 : i32
    %mul3A_261 = arith.constant 5000 : i32
    %mul3A_262 = arith.muli %arg0, %mul3A_261 : i32
    %add3A_263 = arith.addi %mul3A_262, %mul3A_146 : i32
    %add3A_264 = arith.constant 256 : i32
    %add3A_265 = arith.addi %add3A_263, %add3A_264 : i32
    %multiple_of3A_266 = tpu.assume_multiple %add3A_265, 8 : i32
    %not3A_267 = arith.constant true
    %not3A_268 = arith.xori %eq3A_203, %not3A_267 : i1
    %convert_element_type3A_269 = arith.extui %not3A_268 : i1 to i32
    %cond3A_270 = arith.constant 0 : i32
    %cond3A_271 = arith.cmpi ne, %convert_element_type3A_269, %cond3A_270 : i32
    scf.if %cond3A_271 {
      "tpu.region"() ({
        %run_scoped3A = tpu.sem_alloc : memref<!tpu.dma_semaphore, #tpu.memory_space<semaphore_mem>>
        %dma_start3A = arith.constant 0 : i32
        %dma_start3A_272 = arith.constant 0 : i32
        %dma_start3A_273 = tpu.memref_slice %arg9[%dma_start3A, %dma_start3A_272] : memref<128x128xf32, #tpu.memory_space<vmem>> -> memref<64x128xf32, #tpu.memory_space<vmem>>
        %dma_start3A_274 = arith.constant 0 : i32
        %dma_start3A_275 = tpu.memref_slice %arg5[%multiple_of3A_266, %dma_start3A_274] : memref<10000x128xf32, #tpu.memory_space<hbm>> -> memref<64x128xf32, #tpu.memory_space<hbm>>
        %dma_start3A_276 = arith.constant 0 : i32
        %dma_start3A_277 = tpu.memref_slice %arg5[%multiple_of3A_266, %dma_start3A_276] : memref<10000x128xf32, #tpu.memory_space<hbm>> -> memref<64x128xf32, #tpu.memory_space<hbm>>
        %dma_start3A_278 = arith.constant 0 : i32
        %dma_start3A_279 = arith.constant 0 : i32
        %dma_start3A_280 = tpu.memref_slice %arg9[%dma_start3A_278, %dma_start3A_279] : memref<128x128xf32, #tpu.memory_space<vmem>> -> memref<64x128xf32, #tpu.memory_space<vmem>>
        tpu.enqueue_dma source(%dma_start3A_280 : memref<64x128xf32, #tpu.memory_space<vmem>>) target(%dma_start3A_277 : memref<64x128xf32, #tpu.memory_space<hbm>>) target_semaphore(%run_scoped3A : memref<!tpu.dma_semaphore, #tpu.memory_space<semaphore_mem>>)
        %dma_wait3A = arith.constant 0 : i32
        %dma_wait3A_281 = arith.constant 0 : i32
        %dma_wait3A_282 = tpu.memref_slice %arg9[%dma_wait3A, %dma_wait3A_281] : memref<128x128xf32, #tpu.memory_space<vmem>> -> memref<64x128xf32, #tpu.memory_space<vmem>>
        %dma_wait3A_283 = arith.constant 0 : i32
        %dma_wait3A_284 = tpu.memref_slice %arg5[%multiple_of3A_266, %dma_wait3A_283] : memref<10000x128xf32, #tpu.memory_space<hbm>> -> memref<64x128xf32, #tpu.memory_space<hbm>>
        %dma_wait3A_285 = arith.constant 0 : i32
        %dma_wait3A_286 = tpu.memref_slice %arg5[%multiple_of3A_266, %dma_wait3A_285] : memref<10000x128xf32, #tpu.memory_space<hbm>> -> memref<64x128xf32, #tpu.memory_space<hbm>>
        %dma_wait3A_287 = arith.constant 0 : i32
        %dma_wait3A_288 = arith.constant 0 : i32
        %dma_wait3A_289 = tpu.memref_slice %arg9[%dma_wait3A_287, %dma_wait3A_288] : memref<128x128xf32, #tpu.memory_space<vmem>> -> memref<64x128xf32, #tpu.memory_space<vmem>>
        tpu.wait_dma2 semaphore(%run_scoped3A : memref<!tpu.dma_semaphore, #tpu.memory_space<semaphore_mem>>) src(%dma_wait3A_289 : memref<64x128xf32, #tpu.memory_space<vmem>>) dst(%dma_wait3A_286 : memref<64x128xf32, #tpu.memory_space<hbm>>)
        tpu.yield
      }) : () -> ()
    } else {
    }
    return
  }
}

</mosaic_0001>

<sc_bundles>
// kernel: kernel.3.cloned.1.call-start
scs
__scs_entry_jumppad:
0x0: {  	(pc) =	sbr.rel $0x88, $3  }
0x1: {  	(tag) =	ssettag $0x0;
	lr =	simm.s32 $0x1  }
0x2: {  	[smem:$0x3F9F] =	sst lr;
	_ =	strace $0xD0000000  }
0x3: {  	_ = 	snop  }
0x4: {  	_ = 	snop  }
0x5: {  	_ = 	snop  }
0x6: {  	_ = 	snop  }
0x7: {  	_ = 	snop  }
__scs_overlays_trampoline_lowered:
0x8: {  	[smem:$0x3FAE] =	sst s0  }
0x9: {  	[smem:$0x3FAF] =	sst s1  }
0xa: {  	[smem:$0x3FB0] =	sst s2  }
0xb: {  	[smem:$0x3FB1] =	sst s3  }
0xc: {  	[smem:$0x3FB2] =	sst s4  }
0xd: {  	[smem:$0x3FB3] =	sst s5  }
0xe: {  	[smem:$0x3FB4] =	sst s6  }
0xf: {  	[smem:$0x3FB5] =	sst s7  }
0x10: {  	[smem:$0x3FB6] =	sst s8  }
0x11: {  	[smem:$0x3FB7] =	sst s9;
	s0 =	simm.s32 @!p0 $0x0  }
0x12: {  	s1 =	sld [smem:$0x3F9D];
	s0 =	simm.s32 @p0 $0x1  }
0x13: {  	[smem:$0x3FB8] =	sst s0;
	s0 =	simm.s32 @!p1 $0x0  }
0x14: {  	s2 =	sld [smem:$0x3F9C];
	s0 =	simm.s32 @p1 $0x1  }
0x15: {  	[smem:$0x3FB9] =	sst s0;
	s0 =	simm.s32 @!p2 $0x0  }
0x16: {  	s3 =	sld [smem:$0x3FDB];
	s0 =	simm.s32 @p2 $0x1  }
0x17: {  	s4 =	simm.s32 $0x1BF5;
	[smem:$0x3FBB] =	sst s0  }
0x18: {  	s0 =	sld [smem:$0x3F9E];
	_ =	swait.ge [sflag:s4], $0x0  }
0x19: {  	s7 =	sld [smem:$0x3F9F]  }
0x1a: {  	s8 =	sadd.s32 $0xFFFFE003, lr  }
0x1b: {  	s9 =	sadd.s32 $0xFFFFFEF7, lr;
	s5 =	simm.s32 $0xFFFFFFFF;
	p2 =	slt.u32 s8, $0xFFFFF086  }
0x1c: {  	p1 =	slt.u32 s9, $0xF7A;
	s5 =	simm.s32 @!p2 $0x0  }
0x1d: {  	s5 =	simm.s32 @p1 $0x1;
	p0 =	seq.s32 s7, s2  }
0x1e: {  	s7 =	smul.u32 @!p0 $0xF7A, s2;
	p2 =	seq.s32 @!p0 s5, $0x0  }
0x1f: {  	s9 =	smul.u32 $0xF7A, s1;
	s8 =	simm.s32 @!p0 $0x1BF5;
	p2 =	por !p2, p0  }
0x20: {  	[sflag:s8] =	ssyncset.s32 @!p0 $0xFFFFF086;
	s6 =	sadd.s32 @!p0 s3, s7;
	s7 =	simm.s32 @!p0 $0x108  }
0x21: {  	s3 =	sadd.s32 s3, s9;
	s6 =	sadd.s32 @!p0 $0x88, s6;
	s7 =	simm.s32 @p2 $0x1082  }
0x22: {  	[simem:s7], [sflag:s8] =	dma.local @!p0 [hbm:s6], $0xF7A  }
0x23: {  	s9 =	sor.u32 $0xD0000000, s2;
	s6 =	simm.s32 $0x108;
	_ =	swait.ge @!p0 [sflag:s8], $0x0  }
0x24: {  	s3 =	sadd.s32 $0x88, s3;
	s6 =	simm.s32 @!p1 $0x1082;
	[sflag:s4] =	ssyncset.s32 $0xFFFFF086  }
0x25: {  	[simem:s6], [sflag:s4] =	dma.local [hbm:s3], $0xF7A  }
0x26: {  	[smem:$0x3F9F] =	sst s1;
	(tag) =	ssettag s2;
	_ =	strace s9  }
0x27: {  	s1 =	sld [smem:$0x3FAF]  }
0x28: {  	s2 =	sld [smem:$0x3FB0]  }
0x29: {  	s4 =	sld [smem:$0x3FB2]  }
0x2a: {  	p0 =	seq.s32 s5, $0x0;
	s5 =	sld [smem:$0x3FB3]  }
0x2b: {  	s6 =	sld [smem:$0x3FB4]  }
0x2c: {  	s7 =	sld [smem:$0x3FB5]  }
0x2d: {  	s3 =	simm.s32 $0x108;
	s8 =	sld [smem:$0x3FB6]  }
0x2e: {  	s3 =	simm.s32 @!p0 $0x1082;
	s9 =	sld [smem:$0x3FB7]  }
0x2f: {  	lr =	sadd.s32 s0, s3;
	s0 =	sld [smem:$0x3FAE]  }
0x30: {  	s3 =	sld [smem:$0x3FB1]  }
0x31: {  	[smem:$0x3FBA] =	sst s10  }
0x32: {  	s10 =	sld [smem:$0x3FB8];
	_ =	sdelay $0x3  }
0x33: {  	p0 =	seq.s32 s10, $0x1;
	s10 =	sld [smem:$0x3FBA];
	_ =	sdelay $0x3  }
0x34: {  	[smem:$0x3FBA] =	sst s10  }
0x35: {  	s10 =	sld [smem:$0x3FB9];
	_ =	sdelay $0x3  }
0x36: {  	p1 =	seq.s32 s10, $0x1;
	s10 =	sld [smem:$0x3FBA];
	_ =	sdelay $0x3  }
0x37: {  	[smem:$0x3FBA] =	sst s10  }
0x38: {  	s10 =	sld [smem:$0x3FBB]  }
0x39: {  	_ = 	snop;
	(pc) =	sbr.ind lr, $3  }
0x3a: {  	_ = 	snop  }
0x3b: {  	_ = 	snop  }
0x3c: {  	p2 =	seq.s32 s10, $0x1;
	s10 =	sld [smem:$0x3FBA]  }
0x3d: {  	_ =	shalt  }
0x3e: {  	_ =	shalt  }
0x3f: {  	_ =	shalt  }
0x40: {  	_ =	shalt  }
0x41: {  	_ =	shalt  }
0x42: {  	_ =	shalt  }
0x43: {  	_ =	shalt  }
0x44: {  	_ =	shalt  }
0x45: {  	_ =	shalt  }
0x46: {  	_ =	shalt  }
0x47: {  	_ =	shalt  }
0x48: {  	_ =	shalt  }
0x49: {  	_ =	shalt  }
0x4a: {  	_ =	shalt  }
0x4b: {  	_ =	shalt  }
0x4c: {  	_ =	shalt  }
0x4d: {  	_ =	shalt  }
0x4e: {  	_ =	shalt  }
0x4f: {  	_ =	shalt  }
0x50: {  	_ =	shalt  }
0x51: {  	_ =	shalt  }
0x52: {  	_ =	shalt  }
0x53: {  	_ =	shalt  }
0x54: {  	_ =	shalt  }
0x55: {  	_ =	shalt  }
0x56: {  	_ =	shalt  }
0x57: {  	_ =	shalt  }
0x58: {  	_ =	shalt  }
0x59: {  	_ =	shalt  }
0x5a: {  	_ =	shalt  }
0x5b: {  	_ =	shalt  }
0x5c: {  	_ =	shalt  }
0x5d: {  	_ =	shalt  }
0x5e: {  	_ =	shalt  }
0x5f: {  	_ =	shalt  }
0x60: {  	_ =	shalt  }
0x61: {  	_ =	shalt  }
0x62: {  	_ =	shalt  }
0x63: {  	_ =	shalt  }
0x64: {  	_ =	shalt  }
0x65: {  	_ =	shalt  }
0x66: {  	_ =	shalt  }
0x67: {  	_ =	shalt  }
0x68: {  	_ =	shalt  }
0x69: {  	_ =	shalt  }
0x6a: {  	_ =	shalt  }
0x6b: {  	_ =	shalt  }
0x6c: {  	_ =	shalt  }
0x6d: {  	_ =	shalt  }
0x6e: {  	_ =	shalt  }
0x6f: {  	_ =	shalt  }
0x70: {  	_ =	shalt  }
0x71: {  	_ =	shalt  }
0x72: {  	_ =	shalt  }
0x73: {  	_ =	shalt  }
0x74: {  	_ =	shalt  }
0x75: {  	_ =	shalt  }
0x76: {  	_ =	shalt  }
0x77: {  	_ =	shalt  }
0x78: {  	_ =	shalt  }
0x79: {  	_ =	shalt  }
0x7a: {  	_ =	shalt  }
0x7b: {  	_ =	shalt  }
0x7c: {  	_ =	shalt  }
0x7d: {  	_ =	shalt  }
0x7e: {  	_ =	shalt  }
0x7f: {  	_ =	shalt  }
0x80: {  	_ =	shalt  }
0x81: {  	_ =	shalt  }
0x82: {  	_ =	shalt  }
0x83: {  	_ =	shalt  }
0x84: {  	_ =	shalt  }
0x85: {  	_ =	shalt  }
0x86: {  	_ =	shalt  }
0x87: {  	_ =	shalt  }
.Lfunc_end0:
.L_simem_size_0:
called_computation_lowered:
.L_overlay_start_0:
0x88: {  	s2 =	sld [smem:$0x3FD9]  }
0x89: {  	s3 =	sld [smem:$0x3FFE];
	_ =	sdelay $0x1  }
0x8a: {  	s1 =	srdreg.scid  }
0x8b: {  	s0 =	sand.u32 $0x1, s1  }
0x8c: {  	s17 =	sshll.u32 s0, $0xA;
	s2 =	sadd.s32 s3, s2  }
0x8d: {  	s2 =	sadd.s32 s2, s17  }
0x8e: {  	[smem:$0x3FC6] =	sst s2  }
0x8f: {  	_ = 	snop  }
0x90: {  	s2 =	sld [smem:$0x3FC9]  }
0x91: {  	s18 =	sld [smem:$0x3FC8]  }
0x92: {  	s4 =	sld [smem:$0x3FD0];
	(tm) =	ssettm $0x1  }
0x93: {  	s5 =	sld [smem:$0x3FFB];
	_ =	sdelay $0x3  }
0x94: {  	_ =	strace s5  }
0x95: {  	s5 =	sld [smem:$0x3FFC];
	_ =	sdelay $0x3  }
0x96: {  	_ =	strace s5  }
0x97: {  	s5 =	sld [smem:$0x3FFD];
	_ =	sdelay $0x3  }
0x98: {  	_ =	strace s5  }
0x99: {  	_ =	strace $0x8FFFFFFF  }
0x9a: {  	s19 =	sld [smem:$0x3FDB];
	_ =	sdelay $0x1  }
0x9b: {  	s6 =	simm.s32 $_scs_section_size  }
0x9c: {  	s7 =	simm.s32 $_size__tile_overlayer_lowered;
	s8 =	simm.s32 $_tile_overlayer_lowered  }
0x9d: {  	s22 =	simm.s32 $0x1BFF;
	s21 =	sshll.u32 s8, $0x1;
	s5 =	sadd.s32 s6, s19  }
0x9e: {  	s9 =	simm.s32 $0x0;
	s20 =	sshll.u32 s7, $0x1;
	s7 =	sadd.s32 s21, s5  }
0x9f: {  	[timem:s9], [sflag:s22] =	dma.local [hbm:s7], s20  }
0xa0: {  	_ =	swait.ge [sflag:s22], s20  }
0xa1: {  	s6 =	ssub.s32 $0x0, s20;
	[sflag:s22] =	ssyncset.done $0x0  }
0xa2: {  	[sflag:s22] =	ssyncadd.s32 s6;
	_ =	sdelay $0x1  }
0xa3: {  	s23 =	simm.s32 $0x1B8B  }
0xa4: {  	_ =	swait.ge [sflag:s23], $0x1  }
0xa5: {  	[sflag:s23] =	ssyncset.done $0x0  }
0xa6: {  	s25 =	simm.s32 $0x1B8E;
	s24 =	sld [smem:$0x3FFE];
	[sflag:s23] =	ssyncadd.s32 $0xFFFFFFFF  }
0xa7: {  	s26 =	simm.s32 $execute0_lowered;
	[smem:$0x3FD2] =	sst s25  }
0xa8: {  	s7 =	sshll.u32 s26, $0x1;
	_ =	strace $0x80000046;
	[dreg:$0x1] =	wrdreg $0xFFFFFFFF  }
0xa9: {  	s28 =	simm.s32 $_size_execute0_lowered;
	s5 =	sadd.s32 s5, s7;
	[dreg:$0x0] =	wrdreg $0x0  }
0xaa: {  	s7 =	sshll.u32 s28, $0x1;
	[dreg:$0x2] =	wrdreg s5  }
0xab: {  	[dreg:$0x3] =	wrdreg s7  }
0xac: {  	[dreg:$0x4] =	wrdreg $0xC0  }
0xad: {  	_ =	task [dreg:s9], $0x5FFFF  }
0xae: {  	[dreg:$0x1] =	wrdreg $0xFFFFFFFF  }
0xaf: {  	[dreg:$0x0] =	wrdreg $0x60  }
0xb0: {  	[dreg:$0x2] =	wrdreg s2  }
0xb1: {  	[dreg:$0x3] =	wrdreg s18  }
0xb2: {  	[dreg:$0x4] =	wrdreg s24  }
0xb3: {  	[dreg:$0x5] =	wrdreg s4  }
0xb4: {  	[dreg:$0x6] =	wrdreg $0x12E000  }
0xb5: {  	[dreg:$0x7] =	wrdreg $0x1CE000  }
0xb6: {  	[dreg:$0x8] =	wrdreg $0x9  }
0xb7: {  	_ =	task.clear_ibuf [dreg:s9], $0x9FFFF;
	_ =	strace $0x90000046  }
0xb8: {  	s29 =	simm.s32 $0x9;
	_ =	strace $0x80000048  }
0xb9: {  	_ =	swait.ge [sflag:s29], $0x1  }
0xba: {  	[sflag:s29] =	ssyncadd.s32 $0xFFFFFFFF  }
0xbb: {  	_ =	strace $0x90000048  }
0xbc: {  	_ =	sfence  }
0xbd: {  	s30 =	sld [smem:$0x0];
	_ =	sdelay $0x2  }
0xbe: {  	s31 =	sshll.u32 s1, $0xD;
	s1 =	sshrl.u32 s1, $0x2  }
0xbf: {  	s3 =	sand.u32 $0x4000, s31;
	s1 =	sadd.s32 s1, s30  }
0xc0: {  	s0 =	sor.u32 s3, s0;
	s1 =	sshll.u32 s1, $0x11  }
0xc1: {  	s0 =	sor.u32 s1, s0  }
0xc2: {  	s0 =	sadd.s32 $0x8F2B, s0  }
0xc3: {  	[sflag:s0] =	ssyncadd.remote.s32 $0x1  }
0xc4: {  	_ =	sfence.sel $0xFFFF  }
0xc5: {  	[dreg:$0x0] =	wrdreg $0xFFFFFFFF;
	(pc) =	sbr.abs _section_cstart, $3  }
0xc6: {  	[dreg:$0x1] =	wrdreg $0xFFFFFFFF  }
0xc7: {  	_ =	task.clear_ibuf [dreg:s9], $0x2FFFF;
	_ =	strace $0x9FFFFFFF  }
0xc8: {  	(tm) =	ssettm $0x7FFFFFFF  }
0xc9: {  	_ =	shalt  }
tec
execute0_lowered:
.L_overlay_start_1:
0x0: {  	(tag) =	ssettag $0x1  }
0x1: {  	s29 =	rddreg [dreg:$0x0];
	s2 =	stileid.u32  }
0x2: {  	s0 =	rddreg [dreg:$0x3];
	s7 =	smul.u32 $0x140, s2  }
0x3: {  	s1 =	rddreg [dreg:$0x4];
	s9 =	smul.u32 $0x5000, s2  }
0x4: {  	s3 =	rddreg [dreg:$0x5];
	s5 =	simm.s32 $0x0;
	s4 =	srdreg.scid  }
0x5: {  	[smem:$0x7FF] =	sst s5;
	s30 =	sshrl.u32 s9, $0x2;
	s31 =	sadd.s32 s7, s3  }
0x6: {  	_ =	strace $0x80000047;
	s3 =	sadd.s32 s30, s3;
	[dreg:$0x9] =	wrdreg s31  }
0x7: {  	s28 =	simm.s32 $0x10400;
	s9 =	sadd.s32 $0x1400, s31;
	[dreg:$0xb] =	wrdreg s3  }
0x8: {  	s4 =	sand.u32 $0x1, s4;
	s11 =	sadd.s32 $0x2800, s31;
	[dreg:$0xc] =	wrdreg s9  }
0x9: {  	s26 =	smul.u32 $0x28000, s2;
	s12 =	sadd.s32 $0x3C00, s31;
	[dreg:$0xd] =	wrdreg s11  }
0xa: {  	p1 =	seq.s32 s2, $0xF;
	s13 =	sadd.s32 $0x5000, s31;
	[dreg:$0xe] =	wrdreg s12  }
0xb: {  	s6 =	ssub.s32 $0x2, s4;
	s14 =	sadd.s32 $0x6400, s31;
	[dreg:$0xf] =	wrdreg s13  }
0xc: {  	p0 =	seq.s32 s4, $0x0;
	s15 =	sadd.s32 $0x7800, s31;
	[dreg:$0x10] =	wrdreg s14  }
0xd: {  	s8 =	sshrl.u32 s6, $0x1;
	s19 =	sadd.s32 $0x8C00, s31;
	[dreg:$0x11] =	wrdreg s15  }
0xe: {  	s5 =	sshrl.u32 s26, $0x2;
	s20 =	sadd.s32 $0xA000, s31;
	[dreg:$0x12] =	wrdreg s19  }
0xf: {  	s6 =	ssub.s32 s6, s8;
	s21 =	sadd.s32 $0xB400, s31;
	[dreg:$0x13] =	wrdreg s20  }
0x10: {  	s8 =	smul.u32 $0x1388, s4;
	s22 =	sadd.s32 $0xC800, s31;
	[dreg:$0x14] =	wrdreg s21  }
0x11: {  	s10 =	sadd.s32 s5, s1;
	s23 =	sadd.s32 $0xDC00, s31;
	[dreg:$0x16] =	wrdreg s22  }
0x12: {  	s25 =	sadd.s32 $0xF000, s31;
	s26 =	sadd.s32 $0x10400, s31;
	[dreg:$0x17] =	wrdreg s23  }
0x13: {  	s30 =	sadd.s32 $0x11800, s31;
	s1 =	sadd.s32 $0x12C00, s31;
	[dreg:$0x19] =	wrdreg s25  }
0x14: {  	s5 =	simm.s32 $0x10480;
	s16 =	sadd.s32 $0x4000, s10;
	[dreg:$0x1a] =	wrdreg s26  }
0x15: {  	s18 =	sadd.s32 $0x8000, s10;
	s24 =	smax.u32 s6, $0x1;
	[dreg:$0x1b] =	wrdreg s30  }
0x16: {  	v1 =	vlaneseq.u32;
	v2 =	vimm.f32 $0.0e+00;
	vm0 =	vmmov $0x1;
	[dreg:$0x1c] =	wrdreg s1;
	s20 =	simm.s32 $0xD;
	s11 =	simm.s32 $0x10080  }
0x17: {  	v3 =	vimm.f32 $1.000000000e+00;
	v4 =	vor.u32 $0x140, v1;
	v5 =	vor.u32 $0x280, v1;
	s12 =	simm.s32 $0x4080;
	s13 =	simm.s32 $0x10100;
	s14 =	simm.s32 $0x8080  }
0x18: {  	v6 =	vor.u32 $0x3C0, v1;
	v7 =	vor.u32 $0x500, v1;
	v8 =	vor.u32 $0x640, v1;
	s15 =	simm.s32 $0x10180;
	s19 =	simm.s32 $0x10300;
	[dreg:$0x7] =	wrdreg s10  }
0x19: {  	v9 =	vor.u32 $0x780, v1;
	v10 =	vor.u32 $0x8C0, v1;
	v11 =	vor.u32 $0xA00, v1;
	s23 =	simm.s32 $0x10380;
	s17 =	sadd.s32 s7, s8;
	[dreg:$0x18] =	wrdreg s24  }
0x1a: {  	v12 =	vor.u32 $0xB40, v1;
	v13 =	vor.u32 $0xC80, v1;
	v14 =	vor.u32 $0xDC0, v1;
	s26 =	simm.s32 $0x10200;
	[dreg:$0x8] =	wrdreg s16;
	s3 =	sshll.u32 s17, $0x4  }
0x1b: {  	v15 =	vor.u32 $0xF00, v1;
	v16 =	vor.u32 $0x1040, v1;
	v17 =	vor.u32 $0x1180, v1;
	s21 =	simm.s32 $0x11880;
	[dreg:$0xa] =	wrdreg s18;
	s0 =	sadd.s32 s0, s3  }
0x1c: {  	v18 =	vor.u32 $0x12C0, v1;
	v19 =	vor.u32 $0x10, v1;
	v20 =	vor.u32 $0x20, v1;
	s9 =	simm.s32 $0x12C80;
	s31 =	sadd.s32 $0x800, s0;
	[dreg:$0x15] =	wrdreg s0  }
0x1d: {  	v21 =	vor.u32 $0x30, v1;
	v22 =	vor.u32 $0x40, v1;
	v0 =	vmov s8;
	s8 =	simm.s32 $0x0;
	s0 =	sadd.s32 $0x1000, s0;
	[dreg:$0x1d] =	wrdreg s31  }
0x1e: {  	v23 =	vor.u32 $0x50, v1;
	v24 =	vor.u32 $0x60, v1;
	v25 =	vor.u32 $0x70, v1;
	s17 =	simm.s32 $0x10280;
	s3 =	simm.s32 $0x80;
	[dreg:$0x1e] =	wrdreg s0  }
.LBB2_1:
0x1f: {  	s0 =	rddreg [dreg:$0x2];
	s1 =	simm.s32 $0x0  }
0x20: {  	[tilespmem:s1], [sflag:$0xD] =	stream.linear.gather [hbm4b:s0+s1], $0x80, $0x38;
	[tilespmem:$0x1E200] =	vst v63  }
0x21: {  	_ =	swait.ge [sflag:s20], $0x80  }
0x22: {  	[sflag:s20] =	ssyncset.done $0x0  }
0x23: {  	[sflag:s20] =	ssyncadd.s32 $0xFFFFFF80  }
0x24: {  	s0 =	simm.s32 $0x0;
	v27 =	vld.idx.msk [tilespmem:v1+s1+$0x0], $0xffff  }
.LBB2_2:
0x25: {  	v26 =	vor.u32 s0, v1;
	p2 =	sne.s32 s0, $0x13F0  }
.Ltmp0:
0x26: {  	_ = 	snop;
	(pc) =	sbr.rel @p2 .LBB2_2-.Ltmp0, $2  }
0x27: {  	_ =	sdelay $0x2  }
0x28: {  	s0 =	sadd.s32 $0x10, s0;
	[tilespmem:v26+s5+$0x0] =	vst.idx.msk $0xffff, v2  }
0x29: {  	s4 =	simm.s32 $0x0  }
0x2a: {  	s0 =	simm.s32 $0x10;
	v26 =	vor.u32 s4, v1  }
.LBB2_4:
0x2b: {  	p2 =	sne.s32 s0, $0x3FF0  }
.Ltmp1:
0x2c: {  	_ = 	snop;
	(pc) =	sbr.rel @p2 .LBB2_4-.Ltmp1, $3  }
0x2d: {  	_ =	sdelay $0x1  }
0x2e: {  	[tilespmem:v26+s3+$0x0] =	vst.idx.msk $0xffff, v2;
	s4 =	smov.u32 s0;
	s0 =	sadd.s32 $0x10, s0  }
0x2f: {  	v26 =	vor.u32 s4, v1  }
0x30: {  	v27 =	vnsel vm0, $0x0, v27  }
0x31: {  	(xrf0) =	vadd.scan.msk.s32 $0xffff, v27;
	_ =	sdelay $0x5  }
0x32: {  	v27, _, _ =	vpop (xrf0)  }
0x33: {  	(v2sf) =	vpush v27, $0xF;
	_ =	sdelay $0xc  }
0x34: {  	[tilespmem:v26+s3+$0x0] =	vst.idx.msk $0xffff, v2  }
0x35: {  	[spmem:s10] =	stream.linear.scatter [tilespmem:s3], [sflag:$0xD], $0x4000, $0x38;
	[tilespmem:$0x1E200] =	vst v63  }
0x36: {  	s2 =	spop (v2sf)  }
0x37: {  	s30 =	smov.u32 s2  }
0x38: {  	_ =	swait.ge [sflag:s20], $0x4000;
	s30 =	simm.s32 @p0 $0x0  }
0x39: {  	[sflag:s20] =	ssyncset.done $0x0;
	s0 =	sand.u32 $0x7F, s30;
	s4 =	sshra.s32 s30, $0x1F  }
0x3a: {  	p2 =	slt.s32 s30, $0x1;
	[sflag:s20] =	ssyncadd.s32 $0xFFFFC000;
	p3 =	sne.s32 s0, $0x0  }
0x3b: {  	[spmem:s16] =	stream.linear.scatter [tilespmem:s3], [sflag:$0xD], $0x4000, $0x38;
	[tilespmem:$0x1E200] =	vst v63  }
0x3c: {  	s25 =	sshrl.u32 s4, $0x19;
	s4 =	simm.s32 $0x1;
	p2 =	por !p2, !p3  }
0x3d: {  	s0 =	sadd.s32 s25, s30;
	_ =	swait.ge [sflag:s20], $0x4000;
	p2 =	por !p2, !p2  }
0x3e: {  	s0 =	sshra.s32 s0, $0x7;
	[sflag:s20] =	ssyncset.done $0x0;
	s4 =	simm.s32 @!p2 $0x0  }
0x3f: {  	[sflag:s20] =	ssyncadd.s32 $0xFFFFC000;
	s0 =	ssub.s32 s0, s4  }
0x40: {  	[spmem:s18] =	stream.linear.scatter [tilespmem:s3], [sflag:$0xD], $0x2000, $0x38;
	[tilespmem:$0x1E200] =	vst v63  }
0x41: {  	s2 =	simm.s32 @!p0 $0x4E200;
	s4 =	sshll.u32 s0, $0x7  }
0x42: {  	s4 =	ssub.s32 s2, s4  }
0x43: {  	s4 =	sadd.s32 $0x1FFF, s4  }
0x44: {  	s6 =	sand.u32 $0x1FFF, s4  }
0x45: {  	s31 =	sshra.s32 s4, $0x1F;
	p6 =	slt.s32 s4, $0x1;
	p5 =	sne.s32 s6, $0x0  }
0x46: {  	s6 =	sshrl.u32 s31, $0x13;
	p2 =	por !p6, !p5  }
0x47: {  	s4 =	sadd.s32 s6, s4;
	s6 =	simm.s32 $0x1;
	p2 =	por !p2, !p2  }
0x48: {  	s4 =	sshra.s32 s4, $0xD;
	s6 =	simm.s32 @!p2 $0x0  }
0x49: {  	s7 =	ssub.s32 s4, s6  }
0x4a: {  	p2 =	slt.s32 s7, $0x1  }
.Ltmp2:
0x4b: {  	_ =	swait.ge [sflag:s20], $0x2000;
	(pc) =	sbr.rel @p2 .LBB2_17-.Ltmp2, $3  }
0x4c: {  	[sflag:s20] =	ssyncset.done $0x0  }
0x4d: {  	[sflag:s20] =	ssyncadd.s32 $0xFFFFE000  }
0x4e: {  	[bflag:$0x0] =	sbarrier.arrive $0xFFFF;
	_ =	sdelay $0x1  }
0x4f: {  	[dreg:$0x1f] =	wrdreg s8;
	s8 =	sshll.u32 s7, $0x2;
	s1 =	stileid.u32  }
0x50: {  	s4 =	smul.u32 s1, s8;
	_ =	sdelay $0x1  }
0x51: {  	s31 =	sadd.s32 s0, s4  }
0x52: {  	s6 =	sshll.u32 s31, $0x7  }
0x53: {  	p2 =	slt.s32 s6, $0x4E180;
	s0 =	smov.u32 s6  }
0x54: {  	s0 =	simm.s32 @!p2 $0x4E180  }
0x55: {  	s10 =	simm.s32 $0x0;
	s20 =	sshll.u32 s0, $0x4  }
0x56: {  	s22 =	rddreg [dreg:$0x1];
	s0 =	sshrl.u32 s0, $0x3;
	s4 =	sadd.s32 s29, s20  }
0x57: {  	[tilespmem:s3], [sflag:$0x1] =	stream.linear.gather [hbm4b:s4+s10], $0x4000, $0x38;
	[tilespmem:$0x1E200] =	vst v63  }
0x58: {  	s0 =	sadd.s32 s22, s0  }
0x59: {  	[tilespmem:s11], [sflag:$0x5] =	stream.linear.gather [hbm4b:s0+s10], $0x80, $0x38;
	[tilespmem:$0x1E200] =	vst v63  }
0x5a: {  	s0 =	sadd.s32 $0x80, s6  }
0x5b: {  	p2 =	slt.s32 s0, $0x4E180  }
0x5c: {  	s0 =	simm.s32 @!p2 $0x4E180  }
0x5d: {  	s24 =	sshll.u32 s0, $0x4  }
0x5e: {  	s0 =	sshrl.u32 s0, $0x3;
	s4 =	sadd.s32 s29, s24  }
0x5f: {  	[tilespmem:s12], [sflag:$0x2] =	stream.linear.gather [hbm4b:s4+s10], $0x4000, $0x38;
	[tilespmem:$0x1E200] =	vst v63  }
0x60: {  	s0 =	sadd.s32 s22, s0  }
0x61: {  	[tilespmem:s13], [sflag:$0x6] =	stream.linear.gather [hbm4b:s0+s10], $0x80, $0x38;
	[tilespmem:$0x1E200] =	vst v63  }
0x62: {  	s0 =	sadd.s32 $0x100, s6  }
0x63: {  	p2 =	slt.s32 s0, $0x4E180  }
0x64: {  	s0 =	simm.s32 @!p2 $0x4E180  }
0x65: {  	s25 =	sshll.u32 s0, $0x4  }
0x66: {  	s0 =	sshrl.u32 s0, $0x3;
	s4 =	sadd.s32 s29, s25  }
0x67: {  	[tilespmem:s14], [sflag:$0x3] =	stream.linear.gather [hbm4b:s4+s10], $0x4000, $0x38;
	[tilespmem:$0x1E200] =	vst v63  }
0x68: {  	s18 =	simm.s32 $0x0;
	s0 =	sadd.s32 s22, s0  }
0x69: {  	[tilespmem:s15], [sflag:$0x7] =	stream.linear.gather [hbm4b:s0+s10], $0x80, $0x38;
	[tilespmem:$0x1E200] =	vst v63  }
.LBB2_7:
0x6a: {  	s10 =	simm.s32 $0x0  }
0x6b: {  	v26 =	vor.u32 s10, v1  }
0x6c: {  	s1 =	simm.s32 $0x5  }
0x6d: {  	_ =	swait.ge [sflag:s1], $0x80  }
0x6e: {  	s24 =	sshll.u32 s18, $0x9;
	s22 =	smov.u32 s30;
	[sflag:s1] =	ssyncset.done $0x0  }
0x6f: {  	s25 =	smov.u32 s2;
	s0 =	sadd.s32 s6, s24;
	[sflag:s1] =	ssyncadd.s32 $0xFFFFFF80  }
0x70: {  	p2 =	slt.s32 s0, $0x4E180;
	s20 =	smov.u32 s0;
	s4 =	sadd.s32 $0x80, s0;
	v29 =	vld.idx.msk [tilespmem:v26+s11+$0x0], $0xffff  }
0x71: {  	s20 =	simm.s32 @!p2 $0x4E180;
	p2 =	sgt.s32 s0, s30;
	p3 =	slt.s32 s4, s2  }
0x72: {  	s22 =	smov.u32 @p2 s0;
	s25 =	smov.u32 @p3 s4;
	s10 =	sor.u32 s20, s10  }
0x73: {  	v27 =	vmov s22;
	v28 =	vmov s25;
	v30 =	vor.u32 s10, v1  }
0x74: {  	vm1 =	vge.s32 v30, v27;
	vm2 =	vlt.s32 v30, v28  }
0x75: {  	s22 =	simm.s32 $0x10;
	vm1 =	vmand vm1, vm2;
	v29 =	vsub.s32 v29, v0  }
0x76: {  	s16 =	smov.u32 s7;
	s0 =	simm.s32 $0x20;
	v30 =	vnsel vm1, $0x1388, v29;
	v29 =	vor.u32 s22, v1  }
.LBB2_8:
0x77: {  	p2 =	sne.s32 s0, $0x70;
	_ =	sdelay $0x1  }
0x78: {  	[tilespmem:v26+s17+$0x0] =	vst.idx.msk $0xffff, v30;
	v26 =	vmov v29  }
0x79: {  	[tilespmem:v30+s5+$0x0] =	vst.idx.add.f32.msk $0xffff, v3  }
0x7a: {  	v29 =	vld.idx.msk [tilespmem:v29+s11+$0x0], $0xffff;
	_ =	sdelay $0x2  }
0x7b: {  	s4 =	sor.u32 s20, s22;
	s22 =	smov.u32 s0  }
.Ltmp3:
0x7c: {  	v30 =	vor.u32 s4, v1;
	(pc) =	sbr.rel @p2 .LBB2_8-.Ltmp3, $4  }
0x7d: {  	vm1 =	vge.s32 v30, v27;
	vm2 =	vlt.s32 v30, v28  }
0x7e: {  	vm1 =	vmand vm1, vm2;
	v29 =	vsub.s32 v29, v0  }
0x7f: {  	v30 =	vnsel vm1, $0x1388, v29  }
0x80: {  	s0 =	sadd.s32 $0x10, s0;
	v29 =	vor.u32 s22, v1  }
0x81: {  	_ =	sdelay $0x3  }
0x82: {  	[tilespmem:v26+s17+$0x0] =	vst.idx.msk $0xffff, v30  }
0x83: {  	[tilespmem:v30+s5+$0x0] =	vst.idx.add.f32.msk $0xffff, v3  }
0x84: {  	v26 =	vld.idx.msk [tilespmem:v29+s11+$0x0], $0xffff;
	_ =	sdelay $0x1  }
0x85: {  	s0 =	sor.u32 s20, s22  }
0x86: {  	v30 =	vor.u32 s0, v1  }
0x87: {  	vm1 =	vge.s32 v30, v27;
	vm2 =	vlt.s32 v30, v28  }
0x88: {  	vm1 =	vmand vm1, vm2;
	v26 =	vsub.s32 v26, v0  }
0x89: {  	v26 =	vnsel vm1, $0x1388, v26;
	_ =	sdelay $0x3  }
0x8a: {  	[tilespmem:v29+s17+$0x0] =	vst.idx.msk $0xffff, v26  }
0x8b: {  	s7 =	simm.s32 $0x1;
	[tilespmem:v26+s5+$0x0] =	vst.idx.add.f32.msk $0xffff, v3  }
0x8c: {  	_ =	swait.ge [sflag:s7], $0x4000  }
0x8d: {  	[sflag:s7] =	ssyncset.done $0x0  }
0x8e: {  	s22 =	sshllo.u32 s18, $0x2;
	[sflag:s7] =	ssyncadd.s32 $0xFFFFC000  }
0x8f: {  	s20 =	sshll.u32 s18, $0x2;
	p2 =	sge.s32 s22, s8;
	s0 =	rddreg [dreg:$0x4]  }
0x90: {  	[spmem:s0] =	stream.indirect.scatter.add.f32 [tilespmem:s3], [sflag:$0x9], $0x80, s17, s3, $0xb8;
	[tilespmem:$0x1E200] =	vst v63  }
0x91: {  	p3 =	seq.s32 @!p2 s20, $0x0;
	s0 =	sadd.s32 @!p2 s31, s22  }
0x92: {  	p3 =	por p3, p2;
	s0 =	sshll.u32 @!p2 s0, $0x7  }
0x93: {  	s4 =	simm.s32 @!p3 $0xC;
	p4 =	slt.s32 @!p2 s0, $0x4E180  }
0x94: {  	_ =	swait.ge @!p3 [sflag:s4], $0x4000;
	p4 =	por !p4, p2  }
0x95: {  	[sflag:s4] =	ssyncset.done @!p3 $0x0;
	s0 =	simm.s32 @p4 $0x4E180  }
0x96: {  	s25 =	simm.s32 @!p2 $0x0;
	[sflag:s4] =	ssyncadd.s32 @!p3 $0xFFFFC000;
	s4 =	sshll.u32 @!p2 s0, $0x4  }
0x97: {  	s7 =	smov.u32 s29;
	s4 =	sadd.s32 @!p2 s29, s4;
	s29 =	simm.s32 @!p2 $0xC080  }
0x98: {  	[tilespmem:s29], [sflag:$0x4] =	stream.linear.gather @!p2 [hbm4b:s4+s25], $0x4000, $0x38;
	[tilespmem:$0x1E200] =	vst v63  }
0x99: {  	s1 =	rddreg [dreg:$0x1];
	s0 =	sshrl.u32 @!p2 s0, $0x3;
	s4 =	simm.s32 $0x0  }
0x9a: {  	s10 =	simm.s32 $0x6;
	s0 =	sadd.s32 @!p2 s1, s0;
	s29 =	simm.s32 @!p2 $0x10200;
	v26 =	vor.u32 s4, v1  }
0x9b: {  	[tilespmem:s29], [sflag:$0x8] =	stream.linear.gather @!p2 [hbm4b:s0+s25], $0x80, $0x38;
	[tilespmem:$0x1E200] =	vst v63  }
0x9c: {  	_ =	swait.ge [sflag:s10], $0x80  }
0x9d: {  	s1 =	smov.u32 s2;
	s25 =	sadd.s32 s24, s6;
	[sflag:s10] =	ssyncset.done $0x0  }
0x9e: {  	s0 =	sadd.s32 $0x80, s25;
	s24 =	sadd.s32 $0x100, s25;
	[sflag:s10] =	ssyncadd.s32 $0xFFFFFF80  }
0x9f: {  	p2 =	slt.s32 s0, $0x4E180;
	s29 =	smov.u32 s0;
	p3 =	slt.s32 s24, s2;
	v29 =	vld.idx.msk [tilespmem:v26+s13+$0x0], $0xffff  }
0xa0: {  	s29 =	simm.s32 @!p2 $0x4E180;
	p2 =	sgt.s32 s0, s30;
	s10 =	smov.u32 s30  }
0xa1: {  	s1 =	smov.u32 @p3 s24;
	s10 =	smov.u32 @p2 s0;
	s4 =	sor.u32 s29, s4  }
0xa2: {  	v28 =	vmov s1;
	v27 =	vmov s10;
	v30 =	vor.u32 s4, v1  }
0xa3: {  	vm1 =	vge.s32 v30, v27;
	vm2 =	vlt.s32 v30, v28  }
0xa4: {  	s0 =	simm.s32 $0x10;
	vm1 =	vmand vm1, vm2;
	v29 =	vsub.s32 v29, v0  }
0xa5: {  	s4 =	simm.s32 $0x20;
	v30 =	vnsel vm1, $0x1388, v29;
	v29 =	vor.u32 s0, v1  }
.LBB2_10:
0xa6: {  	p2 =	sne.s32 s4, $0x70;
	_ =	sdelay $0x1  }
0xa7: {  	[tilespmem:v26+s19+$0x0] =	vst.idx.msk $0xffff, v30;
	v26 =	vmov v29  }
0xa8: {  	[tilespmem:v30+s5+$0x0] =	vst.idx.add.f32.msk $0xffff, v3  }
0xa9: {  	v29 =	vld.idx.msk [tilespmem:v29+s13+$0x0], $0xffff;
	_ =	sdelay $0x2  }
0xaa: {  	s1 =	sor.u32 s29, s0;
	s0 =	smov.u32 s4  }
.Ltmp4:
0xab: {  	v30 =	vor.u32 s1, v1;
	(pc) =	sbr.rel @p2 .LBB2_10-.Ltmp4, $4  }
0xac: {  	vm1 =	vge.s32 v30, v27;
	vm2 =	vlt.s32 v30, v28  }
0xad: {  	vm1 =	vmand vm1, vm2;
	v29 =	vsub.s32 v29, v0  }
0xae: {  	v30 =	vnsel vm1, $0x1388, v29  }
0xaf: {  	s4 =	sadd.s32 $0x10, s4;
	v29 =	vor.u32 s0, v1  }
0xb0: {  	_ =	sdelay $0x3  }
0xb1: {  	[tilespmem:v26+s19+$0x0] =	vst.idx.msk $0xffff, v30  }
0xb2: {  	[tilespmem:v30+s5+$0x0] =	vst.idx.add.f32.msk $0xffff, v3  }
0xb3: {  	v26 =	vld.idx.msk [tilespmem:v29+s13+$0x0], $0xffff;
	_ =	sdelay $0x1  }
0xb4: {  	s0 =	sor.u32 s29, s0  }
0xb5: {  	v30 =	vor.u32 s0, v1  }
0xb6: {  	vm1 =	vge.s32 v30, v27;
	vm2 =	vlt.s32 v30, v28  }
0xb7: {  	vm1 =	vmand vm1, vm2;
	v26 =	vsub.s32 v26, v0  }
0xb8: {  	v26 =	vnsel vm1, $0x1388, v26;
	_ =	sdelay $0x3  }
0xb9: {  	[tilespmem:v29+s19+$0x0] =	vst.idx.msk $0xffff, v26  }
0xba: {  	s4 =	simm.s32 $0x2;
	[tilespmem:v26+s5+$0x0] =	vst.idx.add.f32.msk $0xffff, v3  }
0xbb: {  	_ =	swait.ge [sflag:s4], $0x4000  }
0xbc: {  	[sflag:s4] =	ssyncset.done $0x0  }
0xbd: {  	[sflag:s4] =	ssyncadd.s32 $0xFFFFC000  }
0xbe: {  	s0 =	rddreg [dreg:$0x4]  }
0xbf: {  	[spmem:s0] =	stream.indirect.scatter.add.f32 [tilespmem:s12], [sflag:$0xA], $0x80, s19, s3, $0xb8;
	[tilespmem:$0x1E200] =	vst v63  }
0xc0: {  	s0 =	sadd.s32 $0x4, s20  }
0xc1: {  	p2 =	sge.s32 s0, s8  }
0xc2: {  	s0 =	sadd.s32 @!p2 s31, s0  }
0xc3: {  	s0 =	sshll.u32 @!p2 s0, $0x7  }
0xc4: {  	s1 =	simm.s32 @!p2 $0x9;
	p3 =	slt.s32 @!p2 s0, $0x4E180  }
0xc5: {  	_ =	swait.ge @!p2 [sflag:s1], $0x4000;
	p3 =	por !p3, p2  }
0xc6: {  	[sflag:s1] =	ssyncset.done @!p2 $0x0;
	s0 =	simm.s32 @p3 $0x4E180  }
0xc7: {  	[sflag:s1] =	ssyncadd.s32 @!p2 $0xFFFFC000;
	s1 =	sshll.u32 @!p2 s0, $0x4  }
0xc8: {  	s4 =	simm.s32 @!p2 $0x0;
	s10 =	simm.s32 @!p2 $0x80;
	s1 =	sadd.s32 @!p2 s7, s1  }
0xc9: {  	[tilespmem:s10], [sflag:$0x1] =	stream.linear.gather @!p2 [hbm4b:s1+s4], $0x4000, $0x38;
	[tilespmem:$0x1E200] =	vst v63  }
0xca: {  	s0 =	sshrl.u32 @!p2 s0, $0x3;
	s10 =	rddreg [dreg:$0x1]  }
0xcb: {  	s1 =	simm.s32 $0x0;
	s0 =	sadd.s32 @!p2 s10, s0;
	s10 =	simm.s32 @!p2 $0x10080  }
0xcc: {  	v26 =	vor.u32 s1, v1;
	[tilespmem:s10], [sflag:$0x5] =	stream.linear.gather @!p2 [hbm4b:s0+s4], $0x80, $0x38;
	[tilespmem:$0x1E200] =	vst v63  }
0xcd: {  	s10 =	simm.s32 $0x7  }
0xce: {  	_ =	swait.ge [sflag:s10], $0x80  }
0xcf: {  	[sflag:s10] =	ssyncset.done $0x0  }
0xd0: {  	s29 =	smov.u32 s24;
	p2 =	slt.s32 s24, $0x4E180;
	[sflag:s10] =	ssyncadd.s32 $0xFFFFFF80  }
0xd1: {  	s0 =	sadd.s32 $0x180, s25;
	s4 =	smov.u32 s30;
	s29 =	simm.s32 @!p2 $0x4E180;
	v29 =	vld.idx.msk [tilespmem:v26+s15+$0x0], $0xffff  }
0xd2: {  	p2 =	sgt.s32 s24, s30;
	p3 =	slt.s32 s0, s2;
	s10 =	smov.u32 s2  }
0xd3: {  	s4 =	smov.u32 @p2 s24;
	s25 =	sor.u32 s29, s1;
	s10 =	smov.u32 @p3 s0  }
0xd4: {  	v27 =	vmov s4;
	v30 =	vor.u32 s25, v1;
	v28 =	vmov s10  }
0xd5: {  	vm1 =	vge.s32 v30, v27;
	vm2 =	vlt.s32 v30, v28  }
0xd6: {  	s0 =	simm.s32 $0x10;
	vm1 =	vmand vm1, vm2;
	v29 =	vsub.s32 v29, v0  }
0xd7: {  	s4 =	simm.s32 $0x20;
	v30 =	vnsel vm1, $0x1388, v29;
	v29 =	vor.u32 s0, v1  }
.LBB2_12:
0xd8: {  	p2 =	sne.s32 s4, $0x70;
	_ =	sdelay $0x1  }
0xd9: {  	[tilespmem:v26+s23+$0x0] =	vst.idx.msk $0xffff, v30;
	v26 =	vmov v29  }
0xda: {  	[tilespmem:v30+s5+$0x0] =	vst.idx.add.f32.msk $0xffff, v3  }
0xdb: {  	v29 =	vld.idx.msk [tilespmem:v29+s15+$0x0], $0xffff;
	_ =	sdelay $0x2  }
0xdc: {  	s1 =	sor.u32 s29, s0;
	s0 =	smov.u32 s4  }
.Ltmp5:
0xdd: {  	v30 =	vor.u32 s1, v1;
	(pc) =	sbr.rel @p2 .LBB2_12-.Ltmp5, $4  }
0xde: {  	vm1 =	vge.s32 v30, v27;
	vm2 =	vlt.s32 v30, v28  }
0xdf: {  	vm1 =	vmand vm1, vm2;
	v29 =	vsub.s32 v29, v0  }
0xe0: {  	v30 =	vnsel vm1, $0x1388, v29  }
0xe1: {  	s4 =	sadd.s32 $0x10, s4;
	v29 =	vor.u32 s0, v1  }
0xe2: {  	_ =	sdelay $0x3  }
0xe3: {  	[tilespmem:v26+s23+$0x0] =	vst.idx.msk $0xffff, v30  }
0xe4: {  	[tilespmem:v30+s5+$0x0] =	vst.idx.add.f32.msk $0xffff, v3  }
0xe5: {  	v26 =	vld.idx.msk [tilespmem:v29+s15+$0x0], $0xffff;
	_ =	sdelay $0x1  }
0xe6: {  	s0 =	sor.u32 s29, s0  }
0xe7: {  	v30 =	vor.u32 s0, v1  }
0xe8: {  	vm1 =	vge.s32 v30, v27;
	vm2 =	vlt.s32 v30, v28  }
0xe9: {  	vm1 =	vmand vm1, vm2;
	v26 =	vsub.s32 v26, v0  }
0xea: {  	v26 =	vnsel vm1, $0x1388, v26;
	_ =	sdelay $0x3  }
0xeb: {  	[tilespmem:v29+s23+$0x0] =	vst.idx.msk $0xffff, v26  }
0xec: {  	s24 =	simm.s32 $0x3;
	[tilespmem:v26+s5+$0x0] =	vst.idx.add.f32.msk $0xffff, v3  }
0xed: {  	_ =	swait.ge [sflag:s24], $0x4000  }
0xee: {  	[sflag:s24] =	ssyncset.done $0x0  }
0xef: {  	[sflag:s24] =	ssyncadd.s32 $0xFFFFC000  }
0xf0: {  	s0 =	rddreg [dreg:$0x4]  }
0xf1: {  	[spmem:s0] =	stream.indirect.scatter.add.f32 [tilespmem:s14], [sflag:$0xB], $0x80, s23, s3, $0xb8;
	[tilespmem:$0x1E200] =	vst v63  }
0xf2: {  	s0 =	sadd.s32 $0x5, s20  }
0xf3: {  	p2 =	sge.s32 s0, s8  }
0xf4: {  	s0 =	sadd.s32 @!p2 s31, s0  }
0xf5: {  	s0 =	sshll.u32 @!p2 s0, $0x7  }
0xf6: {  	s1 =	simm.s32 @!p2 $0xA;
	p3 =	slt.s32 @!p2 s0, $0x4E180  }
0xf7: {  	s29 =	smov.u32 s7;
	_ =	swait.ge @!p2 [sflag:s1], $0x4000;
	p3 =	por !p3, p2  }
0xf8: {  	s4 =	simm.s32 @!p2 $0x0;
	[sflag:s1] =	ssyncset.done @!p2 $0x0;
	s0 =	simm.s32 @p3 $0x4E180  }
0xf9: {  	s10 =	simm.s32 @!p2 $0x4080;
	[sflag:s1] =	ssyncadd.s32 @!p2 $0xFFFFC000;
	s1 =	sshll.u32 @!p2 s0, $0x4  }
0xfa: {  	s0 =	sshrl.u32 @!p2 s0, $0x3;
	s1 =	sadd.s32 @!p2 s7, s1;
	s7 =	rddreg [dreg:$0x1]  }
0xfb: {  	[tilespmem:s10], [sflag:$0x2] =	stream.linear.gather @!p2 [hbm4b:s1+s4], $0x4000, $0x38;
	[tilespmem:$0x1E200] =	vst v63  }
0xfc: {  	s25 =	simm.s32 $0x0;
	s0 =	sadd.s32 @!p2 s7, s0;
	s10 =	simm.s32 @!p2 $0x10100  }
0xfd: {  	v26 =	vor.u32 s25, v1;
	[tilespmem:s10], [sflag:$0x6] =	stream.linear.gather @!p2 [hbm4b:s0+s4], $0x80, $0x38;
	[tilespmem:$0x1E200] =	vst v63  }
0xfe: {  	s10 =	simm.s32 $0x8  }
0xff: {  	s24 =	sadd.s32 s31, s22;
	_ =	swait.ge [sflag:s10], $0x80  }
0x100: {  	s0 =	sshll.u32 s24, $0x7;
	[sflag:s10] =	ssyncset.done $0x0  }
0x101: {  	p2 =	slt.s32 s0, $0x4E180;
	s22 =	smov.u32 s0;
	[sflag:s10] =	ssyncadd.s32 $0xFFFFFF80  }
0x102: {  	s24 =	smov.u32 s2;
	s4 =	sadd.s32 $0x80, s0;
	s22 =	simm.s32 @!p2 $0x4E180;
	v29 =	vld.idx.msk [tilespmem:v26+s26+$0x0], $0xffff  }
0x103: {  	p2 =	sgt.s32 s0, s30;
	p3 =	slt.s32 s4, s2;
	s10 =	smov.u32 s30  }
0x104: {  	s24 =	smov.u32 @p3 s4;
	s25 =	sor.u32 s22, s25;
	s10 =	smov.u32 @p2 s0  }
0x105: {  	v28 =	vmov s24;
	v30 =	vor.u32 s25, v1;
	v27 =	vmov s10  }
0x106: {  	vm2 =	vlt.s32 v30, v28;
	vm1 =	vge.s32 v30, v27  }
0x107: {  	s0 =	simm.s32 $0x10;
	vm1 =	vmand vm1, vm2;
	v29 =	vsub.s32 v29, v0  }
0x108: {  	s4 =	simm.s32 $0x20;
	v30 =	vnsel vm1, $0x1388, v29;
	v29 =	vor.u32 s0, v1  }
.LBB2_14:
0x109: {  	p2 =	sne.s32 s4, $0x70;
	_ =	sdelay $0x1  }
0x10a: {  	[tilespmem:v26+s28+$0x0] =	vst.idx.msk $0xffff, v30;
	v26 =	vmov v29  }
0x10b: {  	[tilespmem:v30+s5+$0x0] =	vst.idx.add.f32.msk $0xffff, v3  }
0x10c: {  	v29 =	vld.idx.msk [tilespmem:v29+s26+$0x0], $0xffff;
	_ =	sdelay $0x2  }
0x10d: {  	s1 =	sor.u32 s22, s0;
	s0 =	smov.u32 s4  }
.Ltmp6:
0x10e: {  	v30 =	vor.u32 s1, v1;
	(pc) =	sbr.rel @p2 .LBB2_14-.Ltmp6, $4  }
0x10f: {  	vm1 =	vge.s32 v30, v27;
	vm2 =	vlt.s32 v30, v28  }
0x110: {  	vm1 =	vmand vm1, vm2;
	v29 =	vsub.s32 v29, v0  }
0x111: {  	v30 =	vnsel vm1, $0x1388, v29  }
0x112: {  	s4 =	sadd.s32 $0x10, s4;
	v29 =	vor.u32 s0, v1  }
0x113: {  	_ =	sdelay $0x3  }
0x114: {  	[tilespmem:v26+s28+$0x0] =	vst.idx.msk $0xffff, v30  }
0x115: {  	[tilespmem:v30+s5+$0x0] =	vst.idx.add.f32.msk $0xffff, v3  }
0x116: {  	v26 =	vld.idx.msk [tilespmem:v29+s26+$0x0], $0xffff;
	_ =	sdelay $0x1  }
0x117: {  	s0 =	sor.u32 s22, s0  }
0x118: {  	v63 =	vor.u32 s0, v1  }
0x119: {  	vm1 =	vge.s32 v63, v27;
	vm2 =	vlt.s32 v63, v28  }
0x11a: {  	vm1 =	vmand vm1, vm2;
	v26 =	vsub.s32 v26, v0  }
0x11b: {  	v26 =	vnsel vm1, $0x1388, v26;
	_ =	sdelay $0x3  }
0x11c: {  	[tilespmem:v29+s28+$0x0] =	vst.idx.msk $0xffff, v26  }
0x11d: {  	s25 =	simm.s32 $0x4;
	[tilespmem:v26+s5+$0x0] =	vst.idx.add.f32.msk $0xffff, v3  }
0x11e: {  	_ =	swait.ge [sflag:s25], $0x4000  }
0x11f: {  	[sflag:s25] =	ssyncset.done $0x0  }
0x120: {  	[sflag:s25] =	ssyncadd.s32 $0xFFFFC000  }
0x121: {  	s1 =	simm.s32 $0xC080;
	s0 =	rddreg [dreg:$0x4]  }
0x122: {  	[spmem:s0] =	stream.indirect.scatter.add.f32 [tilespmem:s1], [sflag:$0xC], $0x80, s28, s3, $0xb8;
	[tilespmem:$0x1E200] =	vst v63  }
0x123: {  	s0 =	sadd.s32 $0x6, s20  }
0x124: {  	p2 =	sge.s32 s0, s8  }
0x125: {  	s0 =	sadd.s32 @!p2 s31, s0  }
0x126: {  	s0 =	sshll.u32 @!p2 s0, $0x7  }
0x127: {  	s1 =	simm.s32 @!p2 $0xB;
	p3 =	slt.s32 @!p2 s0, $0x4E180  }
0x128: {  	_ =	swait.ge @!p2 [sflag:s1], $0x4000;
	p3 =	por !p3, p2  }
0x129: {  	[sflag:s1] =	ssyncset.done @!p2 $0x0;
	s0 =	simm.s32 @p3 $0x4E180  }
0x12a: {  	[sflag:s1] =	ssyncadd.s32 @!p2 $0xFFFFC000;
	s1 =	sshll.u32 @!p2 s0, $0x4  }
0x12b: {  	s4 =	simm.s32 @!p2 $0x0;
	s10 =	simm.s32 @!p2 $0x8080;
	s1 =	sadd.s32 @!p2 s29, s1  }
0x12c: {  	[tilespmem:s10], [sflag:$0x3] =	stream.linear.gather @!p2 [hbm4b:s1+s4], $0x4000, $0x38;
	[tilespmem:$0x1E200] =	vst v63  }
0x12d: {  	s0 =	sshrl.u32 @!p2 s0, $0x3;
	s1 =	rddreg [dreg:$0x1]  }
0x12e: {  	s18 =	sadd.s32 $0x1, s18;
	s0 =	sadd.s32 @!p2 s1, s0;
	s1 =	simm.s32 @!p2 $0x10180  }
0x12f: {  	[tilespmem:s1], [sflag:$0x7] =	stream.linear.gather @!p2 [hbm4b:s0+s4], $0x80, $0x38;
	[tilespmem:$0x1E200] =	vst v63  }
0x130: {  	p2 =	sne.s32 s18, s16  }
.Ltmp7:
0x131: {  	_ = 	snop;
	(pc) =	sbr.rel @p2 .LBB2_7-.Ltmp7, $2  }
0x132: {  	_ =	sdelay $0x2  }
0x133: {  	s7 =	smov.u32 s16  }
0x134: {  	s0 =	simm.s32 $0x9  }
0x135: {  	_ =	swait.ge [sflag:s0], $0x4000  }
0x136: {  	[sflag:s0] =	ssyncset.done $0x0  }
0x137: {  	s25 =	simm.s32 $0xA;
	[sflag:s0] =	ssyncadd.s32 $0xFFFFC000  }
0x138: {  	_ =	swait.ge [sflag:s25], $0x4000  }
0x139: {  	[sflag:s25] =	ssyncset.done $0x0  }
0x13a: {  	s30 =	simm.s32 $0xB;
	[sflag:s25] =	ssyncadd.s32 $0xFFFFC000  }
0x13b: {  	_ =	swait.ge [sflag:s30], $0x4000  }
0x13c: {  	[sflag:s30] =	ssyncset.done $0x0  }
0x13d: {  	s31 =	simm.s32 $0xC;
	[sflag:s30] =	ssyncadd.s32 $0xFFFFC000  }
0x13e: {  	_ =	swait.ge [sflag:s31], $0x4000  }
0x13f: {  	s10 =	rddreg [dreg:$0x7]  }
0x140: {  	s16 =	rddreg [dreg:$0x8]  }
0x141: {  	[sflag:s31] =	ssyncset.done $0x0;
	s18 =	rddreg [dreg:$0xa]  }
0x142: {  	s20 =	simm.s32 $0xD;
	s8 =	rddreg [dreg:$0x1f];
	[sflag:s31] =	ssyncadd.s32 $0xFFFFC000  }
.LBB2_17:
0x143: {  	s0 =	rddreg [dreg:$0xb]  }
0x144: {  	[spmem:s0] =	stream.linear.scatter [tilespmem:s5], [sflag:$0xD], $0x1400, $0x38;
	[tilespmem:$0x1E200] =	vst v63  }
0x145: {  	_ =	swait.ge [sflag:s20], $0x1400  }
0x146: {  	[sflag:s20] =	ssyncset.done $0x0  }
0x147: {  	[sflag:s20] =	ssyncadd.s32 $0xFFFFEC00  }
0x148: {  	[bflag:$0x0] =	sbarrier.arrive $0xFFFF  }
0x149: {  	s1 =	rddreg [dreg:$0x9]  }
0x14a: {  	[tilespmem:s21], [sflag:$0xD] =	stream.linear.gather [spmem:s1], $0x140, $0x38;
	[tilespmem:$0x1E200] =	vst v63  }
0x14b: {  	_ =	swait.ge [sflag:s20], $0x140  }
0x14c: {  	[sflag:s20] =	ssyncset.done $0x0  }
0x14d: {  	s1 =	simm.s32 $0x119C0;
	s2 =	rddreg [dreg:$0xc];
	[sflag:s20] =	ssyncadd.s32 $0xFFFFFEC0  }
0x14e: {  	[tilespmem:s1], [sflag:$0xD] =	stream.linear.gather [spmem:s2], $0x140, $0x38;
	[tilespmem:$0x1E200] =	vst v63  }
0x14f: {  	_ =	swait.ge [sflag:s20], $0x140  }
0x150: {  	[sflag:s20] =	ssyncset.done $0x0  }
0x151: {  	s6 =	simm.s32 $0x11B00;
	s4 =	rddreg [dreg:$0xd];
	[sflag:s20] =	ssyncadd.s32 $0xFFFFFEC0  }
0x152: {  	[tilespmem:s6], [sflag:$0xD] =	stream.linear.gather [spmem:s4], $0x140, $0x38;
	[tilespmem:$0x1E200] =	vst v63  }
0x153: {  	_ =	swait.ge [sflag:s20], $0x140  }
0x154: {  	[sflag:s20] =	ssyncset.done $0x0  }
0x155: {  	s22 =	simm.s32 $0x11C40;
	s7 =	rddreg [dreg:$0xe];
	[sflag:s20] =	ssyncadd.s32 $0xFFFFFEC0  }
0x156: {  	[tilespmem:s22], [sflag:$0xD] =	stream.linear.gather [spmem:s7], $0x140, $0x38;
	[tilespmem:$0x1E200] =	vst v63  }
0x157: {  	_ =	swait.ge [sflag:s20], $0x140  }
0x158: {  	[sflag:s20] =	ssyncset.done $0x0  }
0x159: {  	s25 =	simm.s32 $0x11D80;
	s24 =	rddreg [dreg:$0xf];
	[sflag:s20] =	ssyncadd.s32 $0xFFFFFEC0  }
0x15a: {  	[tilespmem:s25], [sflag:$0xD] =	stream.linear.gather [spmem:s24], $0x140, $0x38;
	[tilespmem:$0x1E200] =	vst v63  }
0x15b: {  	_ =	swait.ge [sflag:s20], $0x140  }
0x15c: {  	[sflag:s20] =	ssyncset.done $0x0  }
0x15d: {  	s31 =	simm.s32 $0x11EC0;
	s30 =	rddreg [dreg:$0x10];
	[sflag:s20] =	ssyncadd.s32 $0xFFFFFEC0  }
0x15e: {  	[tilespmem:s31], [sflag:$0xD] =	stream.linear.gather [spmem:s30], $0x140, $0x38;
	[tilespmem:$0x1E200] =	vst v63  }
0x15f: {  	_ =	swait.ge [sflag:s20], $0x140  }
0x160: {  	[sflag:s20] =	ssyncset.done $0x0  }
0x161: {  	s2 =	simm.s32 $0x12000;
	s1 =	rddreg [dreg:$0x11];
	[sflag:s20] =	ssyncadd.s32 $0xFFFFFEC0  }
0x162: {  	[tilespmem:s2], [sflag:$0xD] =	stream.linear.gather [spmem:s1], $0x140, $0x38;
	[tilespmem:$0x1E200] =	vst v63  }
0x163: {  	_ =	swait.ge [sflag:s20], $0x140  }
0x164: {  	[sflag:s20] =	ssyncset.done $0x0  }
0x165: {  	s6 =	simm.s32 $0x12140;
	s4 =	rddreg [dreg:$0x12];
	[sflag:s20] =	ssyncadd.s32 $0xFFFFFEC0  }
0x166: {  	[tilespmem:s6], [sflag:$0xD] =	stream.linear.gather [spmem:s4], $0x140, $0x38;
	[tilespmem:$0x1E200] =	vst v63  }
0x167: {  	_ =	swait.ge [sflag:s20], $0x140  }
0x168: {  	[sflag:s20] =	ssyncset.done $0x0  }
0x169: {  	s22 =	simm.s32 $0x12280;
	s7 =	rddreg [dreg:$0x13];
	[sflag:s20] =	ssyncadd.s32 $0xFFFFFEC0  }
0x16a: {  	[tilespmem:s22], [sflag:$0xD] =	stream.linear.gather [spmem:s7], $0x140, $0x38;
	[tilespmem:$0x1E200] =	vst v63  }
0x16b: {  	_ =	swait.ge [sflag:s20], $0x140  }
0x16c: {  	[sflag:s20] =	ssyncset.done $0x0  }
0x16d: {  	s25 =	simm.s32 $0x123C0;
	s24 =	rddreg [dreg:$0x14];
	[sflag:s20] =	ssyncadd.s32 $0xFFFFFEC0  }
0x16e: {  	[tilespmem:s25], [sflag:$0xD] =	stream.linear.gather [spmem:s24], $0x140, $0x38;
	[tilespmem:$0x1E200] =	vst v63  }
0x16f: {  	_ =	swait.ge [sflag:s20], $0x140  }
0x170: {  	[sflag:s20] =	ssyncset.done $0x0  }
0x171: {  	s31 =	simm.s32 $0x12500;
	s30 =	rddreg [dreg:$0x16];
	[sflag:s20] =	ssyncadd.s32 $0xFFFFFEC0  }
0x172: {  	[tilespmem:s31], [sflag:$0xD] =	stream.linear.gather [spmem:s30], $0x140, $0x38;
	[tilespmem:$0x1E200] =	vst v63  }
0x173: {  	_ =	swait.ge [sflag:s20], $0x140  }
0x174: {  	[sflag:s20] =	ssyncset.done $0x0  }
0x175: {  	s2 =	simm.s32 $0x12640;
	s1 =	rddreg [dreg:$0x17];
	[sflag:s20] =	ssyncadd.s32 $0xFFFFFEC0  }
0x176: {  	[tilespmem:s2], [sflag:$0xD] =	stream.linear.gather [spmem:s1], $0x140, $0x38;
	[tilespmem:$0x1E200] =	vst v63  }
0x177: {  	_ =	swait.ge [sflag:s20], $0x140  }
0x178: {  	[sflag:s20] =	ssyncset.done $0x0  }
0x179: {  	s6 =	simm.s32 $0x12780;
	s4 =	rddreg [dreg:$0x19];
	[sflag:s20] =	ssyncadd.s32 $0xFFFFFEC0  }
0x17a: {  	[tilespmem:s6], [sflag:$0xD] =	stream.linear.gather [spmem:s4], $0x140, $0x38;
	[tilespmem:$0x1E200] =	vst v63  }
0x17b: {  	_ =	swait.ge [sflag:s20], $0x140  }
0x17c: {  	[sflag:s20] =	ssyncset.done $0x0  }
0x17d: {  	s22 =	simm.s32 $0x128C0;
	s7 =	rddreg [dreg:$0x1a];
	[sflag:s20] =	ssyncadd.s32 $0xFFFFFEC0  }
0x17e: {  	[tilespmem:s22], [sflag:$0xD] =	stream.linear.gather [spmem:s7], $0x140, $0x38;
	[tilespmem:$0x1E200] =	vst v63  }
0x17f: {  	_ =	swait.ge [sflag:s20], $0x140  }
0x180: {  	[sflag:s20] =	ssyncset.done $0x0  }
0x181: {  	s25 =	simm.s32 $0x12A00;
	s24 =	rddreg [dreg:$0x1b];
	[sflag:s20] =	ssyncadd.s32 $0xFFFFFEC0  }
0x182: {  	[tilespmem:s25], [sflag:$0xD] =	stream.linear.gather [spmem:s24], $0x140, $0x38;
	[tilespmem:$0x1E200] =	vst v63  }
0x183: {  	_ =	swait.ge [sflag:s20], $0x140  }
0x184: {  	s30 =	simm.s32 $0x0;
	[sflag:s20] =	ssyncset.done $0x0  }
0x185: {  	v26 =	vor.u32 s30, v1;
	s2 =	simm.s32 $0x12B40;
	s31 =	rddreg [dreg:$0x1c];
	[sflag:s20] =	ssyncadd.s32 $0xFFFFFEC0  }
0x186: {  	[tilespmem:s2], [sflag:$0xD] =	stream.linear.gather [spmem:s31], $0x140, $0x38;
	[tilespmem:$0x1E200] =	vst v63  }
0x187: {  	v27 =	vadd.s32 s30, v4;
	_ =	swait.ge [sflag:s20], $0x140  }
0x188: {  	[sflag:s20] =	ssyncset.done $0x0  }
0x189: {  	v28 =	vadd.s32 s30, v5;
	[sflag:s20] =	ssyncadd.s32 $0xFFFFFEC0  }
0x18a: {  	v29 =	vld.idx.msk [tilespmem:v26+s21+$0x0], $0xffff  }
0x18b: {  	v30 =	vadd.s32 s30, v6  }
0x18c: {  	v27 =	vld.idx.msk [tilespmem:v27+s21+$0x0], $0xffff  }
0x18d: {  	v31 =	vadd.s32 s30, v7  }
0x18e: {  	v28 =	vld.idx.msk [tilespmem:v28+s21+$0x0], $0xffff  }
0x18f: {  	v32 =	vadd.s32 s30, v8;
	v29 =	vadd.f32 $0.0e+00, v29  }
0x190: {  	v30 =	vld.idx.msk [tilespmem:v30+s21+$0x0], $0xffff  }
0x191: {  	v33 =	vadd.s32 s30, v9;
	v27 =	vadd.f32 v27, v29  }
0x192: {  	v29 =	vld.idx.msk [tilespmem:v31+s21+$0x0], $0xffff  }
0x193: {  	v51 =	vadd.s32 s30, v10;
	v27 =	vadd.f32 v28, v27  }
0x194: {  	v28 =	vld.idx.msk [tilespmem:v32+s21+$0x0], $0xffff  }
0x195: {  	v52 =	vor.u32 s30, v11;
	v27 =	vadd.f32 v30, v27  }
0x196: {  	v53 =	vld.idx.msk [tilespmem:v33+s21+$0x0], $0xffff  }
0x197: {  	v54 =	vadd.s32 s30, v12;
	v27 =	vadd.f32 v29, v27  }
0x198: {  	v29 =	vld.idx.msk [tilespmem:v51+s21+$0x0], $0xffff  }
0x199: {  	v55 =	vadd.s32 s30, v13;
	v27 =	vadd.f32 v28, v27  }
0x19a: {  	v28 =	vld.idx.msk [tilespmem:v52+s21+$0x0], $0xffff  }
0x19b: {  	v56 =	vadd.s32 s30, v14;
	v27 =	vadd.f32 v53, v27  }
0x19c: {  	v57 =	vld.idx.msk [tilespmem:v54+s21+$0x0], $0xffff  }
0x19d: {  	v58 =	vadd.s32 s30, v15;
	v27 =	vadd.f32 v29, v27  }
0x19e: {  	v29 =	vld.idx.msk [tilespmem:v55+s21+$0x0], $0xffff  }
0x19f: {  	v59 =	vadd.s32 s30, v16;
	v27 =	vadd.f32 v28, v27  }
0x1a0: {  	v28 =	vld.idx.msk [tilespmem:v56+s21+$0x0], $0xffff  }
0x1a1: {  	v60 =	vadd.s32 s30, v17;
	v27 =	vadd.f32 v57, v27  }
0x1a2: {  	v61 =	vld.idx.msk [tilespmem:v58+s21+$0x0], $0xffff  }
0x1a3: {  	v62 =	vadd.s32 s30, v18;
	v27 =	vadd.f32 v29, v27  }
0x1a4: {  	v29 =	vld.idx.msk [tilespmem:v59+s21+$0x0], $0xffff  }
0x1a5: {  	v27 =	vadd.f32 v28, v27  }
0x1a6: {  	v28 =	vld.idx.msk [tilespmem:v60+s21+$0x0], $0xffff  }
0x1a7: {  	v27 =	vadd.f32 v61, v27  }
0x1a8: {  	v63 =	vld.idx.msk [tilespmem:v62+s21+$0x0], $0xffff  }
0x1a9: {  	v27 =	vadd.f32 v29, v27;
	_ =	sdelay $0x1  }
0x1aa: {  	v27 =	vadd.f32 v28, v27;
	_ =	sdelay $0x1  }
0x1ab: {  	v27 =	vadd.f32 v63, v27;
	_ =	sdelay $0x1  }
0x1ac: {  	v27 =	vmax.f32 v27, $1.000000000e+00  }
0x1ad: {  	(erf) = vrcp.f32 v27;
	_ =	sdelay $0x4  }
0x1ae: {  	s6 =	simm.s32 $0x10  }
0x1af: {  	s7 =	simm.s32 $0x20;
	v27 =	vor.u32 s6, v1  }
.LBB2_18:
0x1b0: {  	p2 =	sne.s32 s7, $0x130  }
0x1b1: {  	v28 =	vadd.s32 s6, v4  }
0x1b2: {  	v29 =	vpop (erf)  }
0x1b3: {  	v30 =	vadd.s32 s6, v5;
	[tilespmem:v26+s9+$0x0] =	vst.idx.msk $0xffff, v29;
	v26 =	vmov v27  }
0x1b4: {  	v27 =	vld.idx.msk [tilespmem:v27+s21+$0x0], $0xffff  }
0x1b5: {  	v29 =	vadd.s32 s6, v6  }
0x1b6: {  	v28 =	vld.idx.msk [tilespmem:v28+s21+$0x0], $0xffff  }
0x1b7: {  	v31 =	vadd.s32 s6, v7  }
0x1b8: {  	v30 =	vld.idx.msk [tilespmem:v30+s21+$0x0], $0xffff  }
0x1b9: {  	v32 =	vadd.s32 s6, v8  }
0x1ba: {  	v27 =	vadd.f32 $0.0e+00, v27;
	v29 =	vld.idx.msk [tilespmem:v29+s21+$0x0], $0xffff  }
0x1bb: {  	v33 =	vadd.s32 s6, v9  }
0x1bc: {  	v27 =	vadd.f32 v28, v27;
	v28 =	vld.idx.msk [tilespmem:v31+s21+$0x0], $0xffff  }
0x1bd: {  	v31 =	vadd.s32 s6, v10  }
0x1be: {  	v27 =	vadd.f32 v30, v27;
	v30 =	vld.idx.msk [tilespmem:v32+s21+$0x0], $0xffff  }
0x1bf: {  	v32 =	vor.u32 s6, v11  }
0x1c0: {  	v27 =	vadd.f32 v29, v27;
	v29 =	vld.idx.msk [tilespmem:v33+s21+$0x0], $0xffff  }
0x1c1: {  	v33 =	vadd.s32 s6, v12  }
0x1c2: {  	v27 =	vadd.f32 v28, v27;
	v28 =	vld.idx.msk [tilespmem:v31+s21+$0x0], $0xffff  }
0x1c3: {  	v31 =	vadd.s32 s6, v13  }
0x1c4: {  	v27 =	vadd.f32 v30, v27;
	v30 =	vld.idx.msk [tilespmem:v32+s21+$0x0], $0xffff  }
0x1c5: {  	v32 =	vadd.s32 s6, v14  }
0x1c6: {  	v27 =	vadd.f32 v29, v27;
	v29 =	vld.idx.msk [tilespmem:v33+s21+$0x0], $0xffff  }
0x1c7: {  	v33 =	vadd.s32 s6, v15  }
0x1c8: {  	v27 =	vadd.f32 v28, v27;
	v28 =	vld.idx.msk [tilespmem:v31+s21+$0x0], $0xffff  }
0x1c9: {  	v31 =	vadd.s32 s6, v16  }
0x1ca: {  	v27 =	vadd.f32 v30, v27;
	v30 =	vld.idx.msk [tilespmem:v32+s21+$0x0], $0xffff  }
0x1cb: {  	v32 =	vadd.s32 s6, v17  }
0x1cc: {  	v27 =	vadd.f32 v29, v27;
	v29 =	vld.idx.msk [tilespmem:v33+s21+$0x0], $0xffff  }
0x1cd: {  	v33 =	vadd.s32 s6, v18;
	s6 =	smov.u32 s7  }
0x1ce: {  	v27 =	vadd.f32 v28, v27;
	v28 =	vld.idx.msk [tilespmem:v31+s21+$0x0], $0xffff;
	_ =	sdelay $0x1  }
0x1cf: {  	v27 =	vadd.f32 v30, v27;
	v30 =	vld.idx.msk [tilespmem:v32+s21+$0x0], $0xffff;
	_ =	sdelay $0x1  }
0x1d0: {  	v27 =	vadd.f32 v29, v27;
	v29 =	vld.idx.msk [tilespmem:v33+s21+$0x0], $0xffff;
	_ =	sdelay $0x1  }
0x1d1: {  	v27 =	vadd.f32 v28, v27;
	_ =	sdelay $0x1  }
0x1d2: {  	v27 =	vadd.f32 v30, v27;
	_ =	sdelay $0x1  }
0x1d3: {  	v27 =	vadd.f32 v29, v27;
	_ =	sdelay $0x1  }
0x1d4: {  	v27 =	vmax.f32 v27, $1.000000000e+00  }
0x1d5: {  	(erf) = vrcp.f32 v27;
	_ =	sdelay $0x1  }
.Ltmp8:
0x1d6: {  	(pc) =	sbr.rel @p2 .LBB2_18-.Ltmp8, $2  }
0x1d7: {  	_ =	sdelay $0x2  }
0x1d8: {  	s7 =	sadd.s32 $0x10, s7;
	v27 =	vor.u32 s6, v1  }
0x1d9: {  	_ =	sdelay $0x1  }
0x1da: {  	v28 =	vadd.s32 s6, v4  }
0x1db: {  	v29 =	vpop (erf)  }
0x1dc: {  	v30 =	vadd.s32 s6, v5;
	[tilespmem:v26+s9+$0x0] =	vst.idx.msk $0xffff, v29  }
0x1dd: {  	v26 =	vld.idx.msk [tilespmem:v27+s21+$0x0], $0xffff  }
0x1de: {  	v29 =	vadd.s32 s6, v6  }
0x1df: {  	v28 =	vld.idx.msk [tilespmem:v28+s21+$0x0], $0xffff  }
0x1e0: {  	v31 =	vadd.s32 s6, v7  }
0x1e1: {  	v30 =	vld.idx.msk [tilespmem:v30+s21+$0x0], $0xffff  }
0x1e2: {  	v32 =	vadd.s32 s6, v8;
	v26 =	vadd.f32 $0.0e+00, v26  }
0x1e3: {  	v29 =	vld.idx.msk [tilespmem:v29+s21+$0x0], $0xffff  }
0x1e4: {  	v33 =	vadd.s32 s6, v9;
	v26 =	vadd.f32 v28, v26  }
0x1e5: {  	v28 =	vld.idx.msk [tilespmem:v31+s21+$0x0], $0xffff  }
0x1e6: {  	v31 =	vadd.s32 s6, v10;
	v26 =	vadd.f32 v30, v26  }
0x1e7: {  	v30 =	vld.idx.msk [tilespmem:v32+s21+$0x0], $0xffff  }
0x1e8: {  	v58 =	vor.u32 s6, v11;
	v26 =	vadd.f32 v29, v26  }
0x1e9: {  	v29 =	vld.idx.msk [tilespmem:v33+s21+$0x0], $0xffff  }
0x1ea: {  	v59 =	vadd.s32 s6, v12;
	v26 =	vadd.f32 v28, v26  }
0x1eb: {  	v28 =	vld.idx.msk [tilespmem:v31+s21+$0x0], $0xffff  }
0x1ec: {  	v31 =	vadd.s32 s6, v13;
	v26 =	vadd.f32 v30, v26  }
0x1ed: {  	v30 =	vld.idx.msk [tilespmem:v58+s21+$0x0], $0xffff  }
0x1ee: {  	v60 =	vadd.s32 s6, v14;
	v26 =	vadd.f32 v29, v26  }
0x1ef: {  	v29 =	vld.idx.msk [tilespmem:v59+s21+$0x0], $0xffff  }
0x1f0: {  	v61 =	vadd.s32 s6, v15;
	v26 =	vadd.f32 v28, v26  }
0x1f1: {  	v28 =	vld.idx.msk [tilespmem:v31+s21+$0x0], $0xffff  }
0x1f2: {  	v31 =	vadd.s32 s6, v16;
	v26 =	vadd.f32 v30, v26  }
0x1f3: {  	v30 =	vld.idx.msk [tilespmem:v60+s21+$0x0], $0xffff  }
0x1f4: {  	v62 =	vadd.s32 s6, v17;
	v26 =	vadd.f32 v29, v26  }
0x1f5: {  	v29 =	vld.idx.msk [tilespmem:v61+s21+$0x0], $0xffff  }
0x1f6: {  	v63 =	vadd.s32 s6, v18;
	v26 =	vadd.f32 v28, v26  }
0x1f7: {  	v28 =	vld.idx.msk [tilespmem:v31+s21+$0x0], $0xffff  }
0x1f8: {  	v26 =	vadd.f32 v30, v26  }
0x1f9: {  	v30 =	vld.idx.msk [tilespmem:v62+s21+$0x0], $0xffff  }
0x1fa: {  	v26 =	vadd.f32 v29, v26  }
0x1fb: {  	v29 =	vld.idx.msk [tilespmem:v63+s21+$0x0], $0xffff  }
0x1fc: {  	v26 =	vadd.f32 v28, v26;
	_ =	sdelay $0x1  }
0x1fd: {  	v26 =	vadd.f32 v30, v26;
	_ =	sdelay $0x1  }
0x1fe: {  	v26 =	vadd.f32 v29, v26;
	_ =	sdelay $0x1  }
0x1ff: {  	v26 =	vmax.f32 v26, $1.000000000e+00  }
0x200: {  	(erf) = vrcp.f32 v26;
	_ =	sdelay $0x7  }
0x201: {  	s0 =	simm.s32 $0x0  }
0x202: {  	v28 =	vmov s0;
	v26 =	vpop (erf)  }
0x203: {  	[tilespmem:v27+s9+$0x0] =	vst.idx.msk $0xffff, v26;
	v26 =	vshll.u32 v28, $0x7  }
0x204: {  	[tilespmem:s3], [sflag:$0xD] =	stream.linear.gather [spmem:s10], $0x4000, $0x38;
	v27 =	vor.u32 v1, v26;
	[tilespmem:$0x1E200] =	vst v63  }
0x205: {  	_ =	swait.ge [sflag:s20], $0x4000  }
0x206: {  	[sflag:s20] =	ssyncset.done $0x0  }
0x207: {  	[sflag:s20] =	ssyncadd.s32 $0xFFFFC000  }
0x208: {  	v30 =	vld.idx.msk [tilespmem:v28+s9+$0x0], $0xffff  }
0x209: {  	v28 =	vld.idx.msk [tilespmem:v27+s3+$0x0], $0xffff;
	_ =	sdelay $0x2  }
0x20a: {  	v29 =	vor.u32 v19, v26;
	_ =	sdelay $0x1  }
0x20b: {  	v28 =	vmul.f32 v28, v30;
	_ =	sdelay $0x1  }
0x20c: {  	[tilespmem:v27+s3+$0x0] =	vst.idx.msk $0xffff, v28  }
0x20d: {  	v27 =	vld.idx.msk [tilespmem:v29+s3+$0x0], $0xffff;
	_ =	sdelay $0x2  }
0x20e: {  	v28 =	vor.u32 v20, v26;
	_ =	sdelay $0x1  }
0x20f: {  	v27 =	vmul.f32 v27, v30;
	_ =	sdelay $0x1  }
0x210: {  	[tilespmem:v29+s3+$0x0] =	vst.idx.msk $0xffff, v27  }
0x211: {  	v27 =	vld.idx.msk [tilespmem:v28+s3+$0x0], $0xffff;
	_ =	sdelay $0x2  }
0x212: {  	v29 =	vor.u32 v21, v26;
	_ =	sdelay $0x1  }
0x213: {  	v27 =	vmul.f32 v27, v30;
	_ =	sdelay $0x1  }
0x214: {  	[tilespmem:v28+s3+$0x0] =	vst.idx.msk $0xffff, v27  }
0x215: {  	v27 =	vld.idx.msk [tilespmem:v29+s3+$0x0], $0xffff;
	_ =	sdelay $0x2  }
0x216: {  	v28 =	vor.u32 v22, v26;
	_ =	sdelay $0x1  }
0x217: {  	v27 =	vmul.f32 v27, v30;
	_ =	sdelay $0x1  }
0x218: {  	[tilespmem:v29+s3+$0x0] =	vst.idx.msk $0xffff, v27  }
0x219: {  	v27 =	vld.idx.msk [tilespmem:v28+s3+$0x0], $0xffff;
	_ =	sdelay $0x2  }
0x21a: {  	v29 =	vor.u32 v23, v26;
	_ =	sdelay $0x1  }
0x21b: {  	v27 =	vmul.f32 v27, v30;
	_ =	sdelay $0x1  }
0x21c: {  	[tilespmem:v28+s3+$0x0] =	vst.idx.msk $0xffff, v27  }
0x21d: {  	v27 =	vld.idx.msk [tilespmem:v29+s3+$0x0], $0xffff;
	_ =	sdelay $0x2  }
0x21e: {  	v28 =	vor.u32 v24, v26;
	_ =	sdelay $0x1  }
0x21f: {  	v27 =	vmul.f32 v27, v30;
	_ =	sdelay $0x1  }
0x220: {  	[tilespmem:v29+s3+$0x0] =	vst.idx.msk $0xffff, v27  }
0x221: {  	v29 =	vld.idx.msk [tilespmem:v28+s3+$0x0], $0xffff;
	_ =	sdelay $0x2  }
0x222: {  	v27 =	vor.u32 v25, v26;
	_ =	sdelay $0x1  }
0x223: {  	v26 =	vmul.f32 v29, v30;
	_ =	sdelay $0x1  }
0x224: {  	[tilespmem:v28+s3+$0x0] =	vst.idx.msk $0xffff, v26  }
0x225: {  	v31 =	vld.idx.msk [tilespmem:v27+s3+$0x0], $0xffff  }
0x226: {  	s31 =	simm.s32 $0x1  }
0x227: {  	v29 =	vmov s31  }
0x228: {  	v26 =	vshll.u32 v29, $0x7  }
0x229: {  	v28 =	vor.u32 v1, v26  }
0x22a: {  	s6 =	simm.s32 $0x2;
	v30 =	vmul.f32 v31, v30  }
.LBB2_20:
0x22b: {  	_ = 	snop  }
0x22c: {  	p2 =	sne.s32 s6, $0x7F;
	s7 =	smov.u32 s6;
	s6 =	sadd.s32 $0x1, s6;
	[tilespmem:v27+s3+$0x0] =	vst.idx.msk $0xffff, v30  }
0x22d: {  	v30 =	vld.idx.msk [tilespmem:v29+s9+$0x0], $0xffff  }
0x22e: {  	v27 =	vld.idx.msk [tilespmem:v28+s3+$0x0], $0xffff;
	_ =	sdelay $0x3  }
0x22f: {  	v29 =	vor.u32 v19, v26;
	_ =	sdelay $0x1  }
0x230: {  	v27 =	vmul.f32 v27, v30;
	_ =	sdelay $0x1  }
0x231: {  	[tilespmem:v28+s3+$0x0] =	vst.idx.msk $0xffff, v27  }
0x232: {  	v27 =	vld.idx.msk [tilespmem:v29+s3+$0x0], $0xffff;
	_ =	sdelay $0x3  }
0x233: {  	v28 =	vor.u32 v20, v26;
	_ =	sdelay $0x1  }
0x234: {  	v27 =	vmul.f32 v27, v30;
	_ =	sdelay $0x1  }
0x235: {  	[tilespmem:v29+s3+$0x0] =	vst.idx.msk $0xffff, v27  }
0x236: {  	v27 =	vld.idx.msk [tilespmem:v28+s3+$0x0], $0xffff;
	_ =	sdelay $0x3  }
0x237: {  	v29 =	vor.u32 v21, v26;
	_ =	sdelay $0x1  }
0x238: {  	v27 =	vmul.f32 v27, v30;
	_ =	sdelay $0x1  }
0x239: {  	[tilespmem:v28+s3+$0x0] =	vst.idx.msk $0xffff, v27  }
0x23a: {  	v27 =	vld.idx.msk [tilespmem:v29+s3+$0x0], $0xffff;
	_ =	sdelay $0x3  }
0x23b: {  	v28 =	vor.u32 v22, v26;
	_ =	sdelay $0x1  }
0x23c: {  	v27 =	vmul.f32 v27, v30;
	_ =	sdelay $0x1  }
0x23d: {  	[tilespmem:v29+s3+$0x0] =	vst.idx.msk $0xffff, v27  }
0x23e: {  	v27 =	vld.idx.msk [tilespmem:v28+s3+$0x0], $0xffff;
	_ =	sdelay $0x3  }
0x23f: {  	v29 =	vor.u32 v23, v26;
	_ =	sdelay $0x1  }
0x240: {  	v27 =	vmul.f32 v27, v30;
	_ =	sdelay $0x1  }
0x241: {  	[tilespmem:v28+s3+$0x0] =	vst.idx.msk $0xffff, v27  }
0x242: {  	v27 =	vld.idx.msk [tilespmem:v29+s3+$0x0], $0xffff;
	_ =	sdelay $0x3  }
0x243: {  	v28 =	vor.u32 v24, v26;
	_ =	sdelay $0x1  }
0x244: {  	v27 =	vmul.f32 v27, v30;
	_ =	sdelay $0x1  }
0x245: {  	[tilespmem:v29+s3+$0x0] =	vst.idx.msk $0xffff, v27  }
0x246: {  	v29 =	vld.idx.msk [tilespmem:v28+s3+$0x0], $0xffff;
	_ =	sdelay $0x3  }
0x247: {  	v27 =	vor.u32 v25, v26;
	_ =	sdelay $0x1  }
0x248: {  	v26 =	vmul.f32 v29, v30;
	_ =	sdelay $0x1  }
0x249: {  	[tilespmem:v28+s3+$0x0] =	vst.idx.msk $0xffff, v26  }
0x24a: {  	v31 =	vld.idx.msk [tilespmem:v27+s3+$0x0], $0xffff;
	_ =	sdelay $0x1  }
.Ltmp9:
0x24b: {  	(pc) =	sbr.rel @p2 .LBB2_20-.Ltmp9, $4  }
0x24c: {  	v29 =	vmov s7  }
0x24d: {  	v26 =	vshll.u32 v29, $0x7  }
0x24e: {  	v28 =	vor.u32 v1, v26  }
0x24f: {  	v30 =	vmul.f32 v31, v30  }
0x250: {  	_ =	sdelay $0x3  }
0x251: {  	[tilespmem:v27+s3+$0x0] =	vst.idx.msk $0xffff, v30  }
0x252: {  	v27 =	vld.idx.msk [tilespmem:v29+s9+$0x0], $0xffff  }
0x253: {  	v29 =	vld.idx.msk [tilespmem:v28+s3+$0x0], $0xffff;
	_ =	sdelay $0x2  }
0x254: {  	v30 =	vor.u32 v19, v26;
	_ =	sdelay $0x1  }
0x255: {  	v29 =	vmul.f32 v29, v27;
	_ =	sdelay $0x1  }
0x256: {  	[tilespmem:v28+s3+$0x0] =	vst.idx.msk $0xffff, v29  }
0x257: {  	v28 =	vld.idx.msk [tilespmem:v30+s3+$0x0], $0xffff;
	_ =	sdelay $0x2  }
0x258: {  	v29 =	vor.u32 v20, v26;
	_ =	sdelay $0x1  }
0x259: {  	v28 =	vmul.f32 v28, v27;
	_ =	sdelay $0x1  }
0x25a: {  	[tilespmem:v30+s3+$0x0] =	vst.idx.msk $0xffff, v28  }
0x25b: {  	v28 =	vld.idx.msk [tilespmem:v29+s3+$0x0], $0xffff;
	_ =	sdelay $0x2  }
0x25c: {  	v30 =	vor.u32 v21, v26;
	_ =	sdelay $0x1  }
0x25d: {  	v28 =	vmul.f32 v28, v27;
	_ =	sdelay $0x1  }
0x25e: {  	[tilespmem:v29+s3+$0x0] =	vst.idx.msk $0xffff, v28  }
0x25f: {  	v28 =	vld.idx.msk [tilespmem:v30+s3+$0x0], $0xffff;
	_ =	sdelay $0x2  }
0x260: {  	v29 =	vor.u32 v22, v26;
	_ =	sdelay $0x1  }
0x261: {  	v28 =	vmul.f32 v28, v27;
	_ =	sdelay $0x1  }
0x262: {  	[tilespmem:v30+s3+$0x0] =	vst.idx.msk $0xffff, v28  }
0x263: {  	v28 =	vld.idx.msk [tilespmem:v29+s3+$0x0], $0xffff;
	_ =	sdelay $0x2  }
0x264: {  	v30 =	vor.u32 v23, v26;
	_ =	sdelay $0x1  }
0x265: {  	v28 =	vmul.f32 v28, v27;
	_ =	sdelay $0x1  }
0x266: {  	[tilespmem:v29+s3+$0x0] =	vst.idx.msk $0xffff, v28  }
0x267: {  	v28 =	vld.idx.msk [tilespmem:v30+s3+$0x0], $0xffff;
	_ =	sdelay $0x2  }
0x268: {  	v29 =	vor.u32 v24, v26;
	_ =	sdelay $0x1  }
0x269: {  	v28 =	vmul.f32 v28, v27;
	_ =	sdelay $0x1  }
0x26a: {  	[tilespmem:v30+s3+$0x0] =	vst.idx.msk $0xffff, v28  }
0x26b: {  	v28 =	vld.idx.msk [tilespmem:v29+s3+$0x0], $0xffff;
	_ =	sdelay $0x2  }
0x26c: {  	v26 =	vor.u32 v25, v26;
	_ =	sdelay $0x1  }
0x26d: {  	v28 =	vmul.f32 v28, v27;
	_ =	sdelay $0x1  }
0x26e: {  	[tilespmem:v29+s3+$0x0] =	vst.idx.msk $0xffff, v28  }
0x26f: {  	v28 =	vld.idx.msk [tilespmem:v26+s3+$0x0], $0xffff;
	_ =	sdelay $0x4  }
0x270: {  	v27 =	vmul.f32 v28, v27;
	_ =	sdelay $0x1  }
0x271: {  	s0 =	simm.s32 $0x0;
	s1 =	rddreg [dreg:$0x15];
	[tilespmem:v26+s3+$0x0] =	vst.idx.msk $0xffff, v27  }
0x272: {  	[hbm4b:s1+s0] =	stream.linear.scatter [tilespmem:s3], [sflag:$0xD], $0x4000, $0x38;
	[tilespmem:$0x1E200] =	vst v63  }
0x273: {  	_ =	swait.ge [sflag:s20], $0x4000  }
0x274: {  	v26 =	vmov s0;
	[sflag:s20] =	ssyncset.done $0x0  }
0x275: {  	v27 =	vor.u32 $0x80, v26;
	v26 =	vshll.u32 v26, $0x7;
	[sflag:s20] =	ssyncadd.s32 $0xFFFFC000  }
0x276: {  	v28 =	vor.u32 v1, v26;
	[tilespmem:s12], [sflag:$0xD] =	stream.linear.gather [spmem:s16], $0x4000, $0x38;
	[tilespmem:$0x1E200] =	vst v63  }
0x277: {  	_ =	swait.ge [sflag:s20], $0x4000  }
0x278: {  	[sflag:s20] =	ssyncset.done $0x0  }
0x279: {  	[sflag:s20] =	ssyncadd.s32 $0xFFFFC000  }
0x27a: {  	v30 =	vld.idx.msk [tilespmem:v27+s9+$0x0], $0xffff  }
0x27b: {  	v27 =	vld.idx.msk [tilespmem:v28+s12+$0x0], $0xffff;
	_ =	sdelay $0x2  }
0x27c: {  	v29 =	vor.u32 v19, v26;
	_ =	sdelay $0x1  }
0x27d: {  	v27 =	vmul.f32 v27, v30;
	_ =	sdelay $0x1  }
0x27e: {  	[tilespmem:v28+s12+$0x0] =	vst.idx.msk $0xffff, v27  }
0x27f: {  	v27 =	vld.idx.msk [tilespmem:v29+s12+$0x0], $0xffff;
	_ =	sdelay $0x2  }
0x280: {  	v28 =	vor.u32 v20, v26;
	_ =	sdelay $0x1  }
0x281: {  	v27 =	vmul.f32 v27, v30;
	_ =	sdelay $0x1  }
0x282: {  	[tilespmem:v29+s12+$0x0] =	vst.idx.msk $0xffff, v27  }
0x283: {  	v27 =	vld.idx.msk [tilespmem:v28+s12+$0x0], $0xffff;
	_ =	sdelay $0x2  }
0x284: {  	v29 =	vor.u32 v21, v26;
	_ =	sdelay $0x1  }
0x285: {  	v27 =	vmul.f32 v27, v30;
	_ =	sdelay $0x1  }
0x286: {  	[tilespmem:v28+s12+$0x0] =	vst.idx.msk $0xffff, v27  }
0x287: {  	v27 =	vld.idx.msk [tilespmem:v29+s12+$0x0], $0xffff;
	_ =	sdelay $0x2  }
0x288: {  	v28 =	vor.u32 v22, v26;
	_ =	sdelay $0x1  }
0x289: {  	v27 =	vmul.f32 v27, v30;
	_ =	sdelay $0x1  }
0x28a: {  	[tilespmem:v29+s12+$0x0] =	vst.idx.msk $0xffff, v27  }
0x28b: {  	v27 =	vld.idx.msk [tilespmem:v28+s12+$0x0], $0xffff;
	_ =	sdelay $0x2  }
0x28c: {  	v29 =	vor.u32 v23, v26;
	_ =	sdelay $0x1  }
0x28d: {  	v27 =	vmul.f32 v27, v30;
	_ =	sdelay $0x1  }
0x28e: {  	[tilespmem:v28+s12+$0x0] =	vst.idx.msk $0xffff, v27  }
0x28f: {  	v27 =	vld.idx.msk [tilespmem:v29+s12+$0x0], $0xffff;
	_ =	sdelay $0x2  }
0x290: {  	v28 =	vor.u32 v24, v26;
	_ =	sdelay $0x1  }
0x291: {  	v27 =	vmul.f32 v27, v30;
	_ =	sdelay $0x1  }
0x292: {  	[tilespmem:v29+s12+$0x0] =	vst.idx.msk $0xffff, v27  }
0x293: {  	v29 =	vld.idx.msk [tilespmem:v28+s12+$0x0], $0xffff;
	_ =	sdelay $0x2  }
0x294: {  	v27 =	vor.u32 v25, v26;
	_ =	sdelay $0x1  }
0x295: {  	v26 =	vmul.f32 v29, v30;
	_ =	sdelay $0x1  }
0x296: {  	[tilespmem:v28+s12+$0x0] =	vst.idx.msk $0xffff, v26  }
0x297: {  	v31 =	vld.idx.msk [tilespmem:v27+s12+$0x0], $0xffff  }
0x298: {  	s31 =	simm.s32 $0x1  }
0x299: {  	v28 =	vmov s31  }
0x29a: {  	v26 =	vshll.u32 v28, $0x7;
	v29 =	vor.u32 $0x80, v28  }
0x29b: {  	v28 =	vor.u32 v1, v26  }
0x29c: {  	s6 =	simm.s32 $0x2;
	v30 =	vmul.f32 v31, v30  }
.LBB2_22:
0x29d: {  	_ = 	snop  }
0x29e: {  	p2 =	sne.s32 s6, $0x7F;
	s7 =	smov.u32 s6;
	s6 =	sadd.s32 $0x1, s6;
	[tilespmem:v27+s12+$0x0] =	vst.idx.msk $0xffff, v30  }
0x29f: {  	v30 =	vld.idx.msk [tilespmem:v29+s9+$0x0], $0xffff  }
0x2a0: {  	v27 =	vld.idx.msk [tilespmem:v28+s12+$0x0], $0xffff;
	_ =	sdelay $0x3  }
0x2a1: {  	v29 =	vor.u32 v19, v26;
	_ =	sdelay $0x1  }
0x2a2: {  	v27 =	vmul.f32 v27, v30;
	_ =	sdelay $0x1  }
0x2a3: {  	[tilespmem:v28+s12+$0x0] =	vst.idx.msk $0xffff, v27  }
0x2a4: {  	v27 =	vld.idx.msk [tilespmem:v29+s12+$0x0], $0xffff;
	_ =	sdelay $0x3  }
0x2a5: {  	v28 =	vor.u32 v20, v26;
	_ =	sdelay $0x1  }
0x2a6: {  	v27 =	vmul.f32 v27, v30;
	_ =	sdelay $0x1  }
0x2a7: {  	[tilespmem:v29+s12+$0x0] =	vst.idx.msk $0xffff, v27  }
0x2a8: {  	v27 =	vld.idx.msk [tilespmem:v28+s12+$0x0], $0xffff;
	_ =	sdelay $0x3  }
0x2a9: {  	v29 =	vor.u32 v21, v26;
	_ =	sdelay $0x1  }
0x2aa: {  	v27 =	vmul.f32 v27, v30;
	_ =	sdelay $0x1  }
0x2ab: {  	[tilespmem:v28+s12+$0x0] =	vst.idx.msk $0xffff, v27  }
0x2ac: {  	v27 =	vld.idx.msk [tilespmem:v29+s12+$0x0], $0xffff;
	_ =	sdelay $0x3  }
0x2ad: {  	v28 =	vor.u32 v22, v26;
	_ =	sdelay $0x1  }
0x2ae: {  	v27 =	vmul.f32 v27, v30;
	_ =	sdelay $0x1  }
0x2af: {  	[tilespmem:v29+s12+$0x0] =	vst.idx.msk $0xffff, v27  }
0x2b0: {  	v27 =	vld.idx.msk [tilespmem:v28+s12+$0x0], $0xffff;
	_ =	sdelay $0x3  }
0x2b1: {  	v29 =	vor.u32 v23, v26;
	_ =	sdelay $0x1  }
0x2b2: {  	v27 =	vmul.f32 v27, v30;
	_ =	sdelay $0x1  }
0x2b3: {  	[tilespmem:v28+s12+$0x0] =	vst.idx.msk $0xffff, v27  }
0x2b4: {  	v27 =	vld.idx.msk [tilespmem:v29+s12+$0x0], $0xffff;
	_ =	sdelay $0x3  }
0x2b5: {  	v28 =	vor.u32 v24, v26;
	_ =	sdelay $0x1  }
0x2b6: {  	v27 =	vmul.f32 v27, v30;
	_ =	sdelay $0x1  }
0x2b7: {  	[tilespmem:v29+s12+$0x0] =	vst.idx.msk $0xffff, v27  }
0x2b8: {  	v29 =	vld.idx.msk [tilespmem:v28+s12+$0x0], $0xffff;
	_ =	sdelay $0x3  }
0x2b9: {  	v27 =	vor.u32 v25, v26;
	_ =	sdelay $0x1  }
0x2ba: {  	v26 =	vmul.f32 v29, v30;
	_ =	sdelay $0x1  }
0x2bb: {  	[tilespmem:v28+s12+$0x0] =	vst.idx.msk $0xffff, v26  }
0x2bc: {  	v31 =	vld.idx.msk [tilespmem:v27+s12+$0x0], $0xffff;
	_ =	sdelay $0x1  }
.Ltmp10:
0x2bd: {  	(pc) =	sbr.rel @p2 .LBB2_22-.Ltmp10, $4  }
0x2be: {  	v26 =	vmov s7  }
0x2bf: {  	v29 =	vor.u32 $0x80, v26;
	v26 =	vshll.u32 v26, $0x7  }
0x2c0: {  	v28 =	vor.u32 v1, v26  }
0x2c1: {  	v30 =	vmul.f32 v31, v30  }
0x2c2: {  	_ =	sdelay $0x3  }
0x2c3: {  	[tilespmem:v27+s12+$0x0] =	vst.idx.msk $0xffff, v30  }
0x2c4: {  	v27 =	vld.idx.msk [tilespmem:v29+s9+$0x0], $0xffff  }
0x2c5: {  	v29 =	vld.idx.msk [tilespmem:v28+s12+$0x0], $0xffff;
	_ =	sdelay $0x2  }
0x2c6: {  	v30 =	vor.u32 v19, v26;
	_ =	sdelay $0x1  }
0x2c7: {  	v29 =	vmul.f32 v29, v27;
	_ =	sdelay $0x1  }
0x2c8: {  	[tilespmem:v28+s12+$0x0] =	vst.idx.msk $0xffff, v29  }
0x2c9: {  	v28 =	vld.idx.msk [tilespmem:v30+s12+$0x0], $0xffff;
	_ =	sdelay $0x2  }
0x2ca: {  	v29 =	vor.u32 v20, v26;
	_ =	sdelay $0x1  }
0x2cb: {  	v28 =	vmul.f32 v28, v27;
	_ =	sdelay $0x1  }
0x2cc: {  	[tilespmem:v30+s12+$0x0] =	vst.idx.msk $0xffff, v28  }
0x2cd: {  	v28 =	vld.idx.msk [tilespmem:v29+s12+$0x0], $0xffff;
	_ =	sdelay $0x2  }
0x2ce: {  	v30 =	vor.u32 v21, v26;
	_ =	sdelay $0x1  }
0x2cf: {  	v28 =	vmul.f32 v28, v27;
	_ =	sdelay $0x1  }
0x2d0: {  	[tilespmem:v29+s12+$0x0] =	vst.idx.msk $0xffff, v28  }
0x2d1: {  	v28 =	vld.idx.msk [tilespmem:v30+s12+$0x0], $0xffff;
	_ =	sdelay $0x2  }
0x2d2: {  	v29 =	vor.u32 v22, v26;
	_ =	sdelay $0x1  }
0x2d3: {  	v28 =	vmul.f32 v28, v27;
	_ =	sdelay $0x1  }
0x2d4: {  	[tilespmem:v30+s12+$0x0] =	vst.idx.msk $0xffff, v28  }
0x2d5: {  	v28 =	vld.idx.msk [tilespmem:v29+s12+$0x0], $0xffff;
	_ =	sdelay $0x2  }
0x2d6: {  	v30 =	vor.u32 v23, v26;
	_ =	sdelay $0x1  }
0x2d7: {  	v28 =	vmul.f32 v28, v27;
	_ =	sdelay $0x1  }
0x2d8: {  	[tilespmem:v29+s12+$0x0] =	vst.idx.msk $0xffff, v28  }
0x2d9: {  	v28 =	vld.idx.msk [tilespmem:v30+s12+$0x0], $0xffff;
	_ =	sdelay $0x2  }
0x2da: {  	v29 =	vor.u32 v24, v26;
	_ =	sdelay $0x1  }
0x2db: {  	v28 =	vmul.f32 v28, v27;
	_ =	sdelay $0x1  }
0x2dc: {  	[tilespmem:v30+s12+$0x0] =	vst.idx.msk $0xffff, v28  }
0x2dd: {  	v28 =	vld.idx.msk [tilespmem:v29+s12+$0x0], $0xffff;
	_ =	sdelay $0x2  }
0x2de: {  	v26 =	vor.u32 v25, v26;
	_ =	sdelay $0x1  }
0x2df: {  	v28 =	vmul.f32 v28, v27;
	_ =	sdelay $0x1  }
0x2e0: {  	[tilespmem:v29+s12+$0x0] =	vst.idx.msk $0xffff, v28  }
0x2e1: {  	v28 =	vld.idx.msk [tilespmem:v26+s12+$0x0], $0xffff;
	_ =	sdelay $0x4  }
0x2e2: {  	v27 =	vmul.f32 v28, v27;
	_ =	sdelay $0x1  }
0x2e3: {  	s0 =	simm.s32 @p1 $0x0;
	s1 =	simm.s32 @p1 $0x4080;
	s2 =	rddreg [dreg:$0x1d];
	[tilespmem:v26+s12+$0x0] =	vst.idx.msk $0xffff, v27  }
0x2e4: {  	[hbm4b:s2+s0] =	stream.linear.scatter @p1 [tilespmem:s1], [sflag:$0xD], $0x2400, $0x38;
	[tilespmem:$0x1E200] =	vst v63  }
0x2e5: {  	s0 =	simm.s32 @p1 $0xD  }
0x2e6: {  	_ =	swait.ge @p1 [sflag:s0], $0x2400  }
0x2e7: {  	[sflag:s0] =	ssyncset.done @p1 $0x0  }
0x2e8: {  	s1 =	simm.s32 @!p1 $0x4080;
	[sflag:s0] =	ssyncadd.s32 @p1 $0xFFFFDC00;
	s0 =	simm.s32 @!p1 $0x0  }
0x2e9: {  	[hbm4b:s2+s0] =	stream.linear.scatter @!p1 [tilespmem:s1], [sflag:$0xD], $0x4000, $0x38;
	[tilespmem:$0x1E200] =	vst v63  }
0x2ea: {  	s0 =	simm.s32 @!p1 $0xD  }
0x2eb: {  	s30 =	simm.s32 $0x0;
	_ =	swait.ge @!p1 [sflag:s0], $0x4000  }
0x2ec: {  	v26 =	vmov s30;
	[sflag:s0] =	ssyncset.done @!p1 $0x0  }
0x2ed: {  	v27 =	vor.u32 $0x100, v26;
	v26 =	vshll.u32 v26, $0x7;
	[sflag:s0] =	ssyncadd.s32 @!p1 $0xFFFFC000  }
0x2ee: {  	v28 =	vor.u32 v1, v26;
	[tilespmem:s14], [sflag:$0xD] =	stream.linear.gather [spmem:s18], $0x2000, $0x38;
	[tilespmem:$0x1E200] =	vst v63  }
0x2ef: {  	_ =	swait.ge [sflag:s20], $0x2000  }
0x2f0: {  	[sflag:s20] =	ssyncset.done $0x0  }
0x2f1: {  	[sflag:s20] =	ssyncadd.s32 $0xFFFFE000  }
0x2f2: {  	v30 =	vld.idx.msk [tilespmem:v27+s9+$0x0], $0xffff  }
0x2f3: {  	v27 =	vld.idx.msk [tilespmem:v28+s14+$0x0], $0xffff;
	_ =	sdelay $0x2  }
0x2f4: {  	v29 =	vor.u32 v19, v26;
	_ =	sdelay $0x1  }
0x2f5: {  	v27 =	vmul.f32 v27, v30;
	_ =	sdelay $0x1  }
0x2f6: {  	[tilespmem:v28+s14+$0x0] =	vst.idx.msk $0xffff, v27  }
0x2f7: {  	v27 =	vld.idx.msk [tilespmem:v29+s14+$0x0], $0xffff;
	_ =	sdelay $0x2  }
0x2f8: {  	v28 =	vor.u32 v20, v26;
	_ =	sdelay $0x1  }
0x2f9: {  	v27 =	vmul.f32 v27, v30;
	_ =	sdelay $0x1  }
0x2fa: {  	[tilespmem:v29+s14+$0x0] =	vst.idx.msk $0xffff, v27  }
0x2fb: {  	v27 =	vld.idx.msk [tilespmem:v28+s14+$0x0], $0xffff;
	_ =	sdelay $0x2  }
0x2fc: {  	v29 =	vor.u32 v21, v26;
	_ =	sdelay $0x1  }
0x2fd: {  	v27 =	vmul.f32 v27, v30;
	_ =	sdelay $0x1  }
0x2fe: {  	[tilespmem:v28+s14+$0x0] =	vst.idx.msk $0xffff, v27  }
0x2ff: {  	v27 =	vld.idx.msk [tilespmem:v29+s14+$0x0], $0xffff;
	_ =	sdelay $0x2  }
0x300: {  	v28 =	vor.u32 v22, v26;
	_ =	sdelay $0x1  }
0x301: {  	v27 =	vmul.f32 v27, v30;
	_ =	sdelay $0x1  }
0x302: {  	[tilespmem:v29+s14+$0x0] =	vst.idx.msk $0xffff, v27  }
0x303: {  	v27 =	vld.idx.msk [tilespmem:v28+s14+$0x0], $0xffff;
	_ =	sdelay $0x2  }
0x304: {  	v29 =	vor.u32 v23, v26;
	_ =	sdelay $0x1  }
0x305: {  	v27 =	vmul.f32 v27, v30;
	_ =	sdelay $0x1  }
0x306: {  	[tilespmem:v28+s14+$0x0] =	vst.idx.msk $0xffff, v27  }
0x307: {  	v27 =	vld.idx.msk [tilespmem:v29+s14+$0x0], $0xffff;
	_ =	sdelay $0x2  }
0x308: {  	v28 =	vor.u32 v24, v26;
	_ =	sdelay $0x1  }
0x309: {  	v27 =	vmul.f32 v27, v30;
	_ =	sdelay $0x1  }
0x30a: {  	[tilespmem:v29+s14+$0x0] =	vst.idx.msk $0xffff, v27  }
0x30b: {  	v29 =	vld.idx.msk [tilespmem:v28+s14+$0x0], $0xffff;
	_ =	sdelay $0x2  }
0x30c: {  	v27 =	vor.u32 v25, v26;
	_ =	sdelay $0x1  }
0x30d: {  	v26 =	vmul.f32 v29, v30;
	_ =	sdelay $0x1  }
0x30e: {  	[tilespmem:v28+s14+$0x0] =	vst.idx.msk $0xffff, v26  }
0x30f: {  	v31 =	vld.idx.msk [tilespmem:v27+s14+$0x0], $0xffff  }
0x310: {  	s31 =	simm.s32 $0x1  }
0x311: {  	v28 =	vmov s31  }
0x312: {  	v26 =	vshll.u32 v28, $0x7;
	v29 =	vor.u32 $0x100, v28  }
0x313: {  	v28 =	vor.u32 v1, v26  }
0x314: {  	s6 =	simm.s32 $0x2;
	v30 =	vmul.f32 v31, v30  }
.LBB2_24:
0x315: {  	_ = 	snop  }
0x316: {  	p2 =	sne.s32 s6, $0x3F;
	s7 =	smov.u32 s6;
	s6 =	sadd.s32 $0x1, s6;
	[tilespmem:v27+s14+$0x0] =	vst.idx.msk $0xffff, v30  }
0x317: {  	v30 =	vld.idx.msk [tilespmem:v29+s9+$0x0], $0xffff  }
0x318: {  	v27 =	vld.idx.msk [tilespmem:v28+s14+$0x0], $0xffff;
	_ =	sdelay $0x3  }
0x319: {  	v29 =	vor.u32 v19, v26;
	_ =	sdelay $0x1  }
0x31a: {  	v27 =	vmul.f32 v27, v30;
	_ =	sdelay $0x1  }
0x31b: {  	[tilespmem:v28+s14+$0x0] =	vst.idx.msk $0xffff, v27  }
0x31c: {  	v27 =	vld.idx.msk [tilespmem:v29+s14+$0x0], $0xffff;
	_ =	sdelay $0x3  }
0x31d: {  	v28 =	vor.u32 v20, v26;
	_ =	sdelay $0x1  }
0x31e: {  	v27 =	vmul.f32 v27, v30;
	_ =	sdelay $0x1  }
0x31f: {  	[tilespmem:v29+s14+$0x0] =	vst.idx.msk $0xffff, v27  }
0x320: {  	v27 =	vld.idx.msk [tilespmem:v28+s14+$0x0], $0xffff;
	_ =	sdelay $0x3  }
0x321: {  	v29 =	vor.u32 v21, v26;
	_ =	sdelay $0x1  }
0x322: {  	v27 =	vmul.f32 v27, v30;
	_ =	sdelay $0x1  }
0x323: {  	[tilespmem:v28+s14+$0x0] =	vst.idx.msk $0xffff, v27  }
0x324: {  	v27 =	vld.idx.msk [tilespmem:v29+s14+$0x0], $0xffff;
	_ =	sdelay $0x3  }
0x325: {  	v28 =	vor.u32 v22, v26;
	_ =	sdelay $0x1  }
0x326: {  	v27 =	vmul.f32 v27, v30;
	_ =	sdelay $0x1  }
0x327: {  	[tilespmem:v29+s14+$0x0] =	vst.idx.msk $0xffff, v27  }
0x328: {  	v27 =	vld.idx.msk [tilespmem:v28+s14+$0x0], $0xffff;
	_ =	sdelay $0x3  }
0x329: {  	v29 =	vor.u32 v23, v26;
	_ =	sdelay $0x1  }
0x32a: {  	v27 =	vmul.f32 v27, v30;
	_ =	sdelay $0x1  }
0x32b: {  	[tilespmem:v28+s14+$0x0] =	vst.idx.msk $0xffff, v27  }
0x32c: {  	v27 =	vld.idx.msk [tilespmem:v29+s14+$0x0], $0xffff;
	_ =	sdelay $0x3  }
0x32d: {  	v28 =	vor.u32 v24, v26;
	_ =	sdelay $0x1  }
0x32e: {  	v27 =	vmul.f32 v27, v30;
	_ =	sdelay $0x1  }
0x32f: {  	[tilespmem:v29+s14+$0x0] =	vst.idx.msk $0xffff, v27  }
0x330: {  	v29 =	vld.idx.msk [tilespmem:v28+s14+$0x0], $0xffff;
	_ =	sdelay $0x3  }
0x331: {  	v27 =	vor.u32 v25, v26;
	_ =	sdelay $0x1  }
0x332: {  	v26 =	vmul.f32 v29, v30;
	_ =	sdelay $0x1  }
0x333: {  	[tilespmem:v28+s14+$0x0] =	vst.idx.msk $0xffff, v26  }
0x334: {  	v31 =	vld.idx.msk [tilespmem:v27+s14+$0x0], $0xffff;
	_ =	sdelay $0x1  }
.Ltmp11:
0x335: {  	(pc) =	sbr.rel @p2 .LBB2_24-.Ltmp11, $4  }
0x336: {  	v26 =	vmov s7  }
0x337: {  	v29 =	vor.u32 $0x100, v26;
	v26 =	vshll.u32 v26, $0x7  }
0x338: {  	v28 =	vor.u32 v1, v26  }
0x339: {  	v30 =	vmul.f32 v31, v30  }
0x33a: {  	_ =	sdelay $0x3  }
0x33b: {  	[tilespmem:v27+s14+$0x0] =	vst.idx.msk $0xffff, v30  }
0x33c: {  	v27 =	vld.idx.msk [tilespmem:v29+s9+$0x0], $0xffff  }
0x33d: {  	v57 =	vld.idx.msk [tilespmem:v28+s14+$0x0], $0xffff;
	_ =	sdelay $0x2  }
0x33e: {  	v58 =	vor.u32 v19, v26;
	_ =	sdelay $0x1  }
0x33f: {  	v29 =	vmul.f32 v57, v27;
	_ =	sdelay $0x1  }
0x340: {  	[tilespmem:v28+s14+$0x0] =	vst.idx.msk $0xffff, v29  }
0x341: {  	v28 =	vld.idx.msk [tilespmem:v58+s14+$0x0], $0xffff;
	_ =	sdelay $0x2  }
0x342: {  	v59 =	vor.u32 v20, v26;
	_ =	sdelay $0x1  }
0x343: {  	v28 =	vmul.f32 v28, v27;
	_ =	sdelay $0x1  }
0x344: {  	[tilespmem:v58+s14+$0x0] =	vst.idx.msk $0xffff, v28  }
0x345: {  	v28 =	vld.idx.msk [tilespmem:v59+s14+$0x0], $0xffff;
	_ =	sdelay $0x2  }
0x346: {  	v60 =	vor.u32 v21, v26;
	_ =	sdelay $0x1  }
0x347: {  	v28 =	vmul.f32 v28, v27;
	_ =	sdelay $0x1  }
0x348: {  	[tilespmem:v59+s14+$0x0] =	vst.idx.msk $0xffff, v28  }
0x349: {  	v28 =	vld.idx.msk [tilespmem:v60+s14+$0x0], $0xffff;
	_ =	sdelay $0x2  }
0x34a: {  	v61 =	vor.u32 v22, v26;
	_ =	sdelay $0x1  }
0x34b: {  	v28 =	vmul.f32 v28, v27;
	_ =	sdelay $0x1  }
0x34c: {  	[tilespmem:v60+s14+$0x0] =	vst.idx.msk $0xffff, v28  }
0x34d: {  	v28 =	vld.idx.msk [tilespmem:v61+s14+$0x0], $0xffff;
	_ =	sdelay $0x2  }
0x34e: {  	v62 =	vor.u32 v23, v26;
	_ =	sdelay $0x1  }
0x34f: {  	v28 =	vmul.f32 v28, v27;
	_ =	sdelay $0x1  }
0x350: {  	[tilespmem:v61+s14+$0x0] =	vst.idx.msk $0xffff, v28  }
0x351: {  	v28 =	vld.idx.msk [tilespmem:v62+s14+$0x0], $0xffff;
	_ =	sdelay $0x2  }
0x352: {  	v63 =	vor.u32 v24, v26;
	_ =	sdelay $0x1  }
0x353: {  	v28 =	vmul.f32 v28, v27;
	_ =	sdelay $0x1  }
0x354: {  	[tilespmem:v62+s14+$0x0] =	vst.idx.msk $0xffff, v28  }
0x355: {  	v28 =	vld.idx.msk [tilespmem:v63+s14+$0x0], $0xffff;
	_ =	sdelay $0x2  }
0x356: {  	v26 =	vor.u32 v25, v26;
	_ =	sdelay $0x1  }
0x357: {  	v28 =	vmul.f32 v28, v27;
	_ =	sdelay $0x1  }
0x358: {  	[tilespmem:v63+s14+$0x0] =	vst.idx.msk $0xffff, v28  }
0x359: {  	v28 =	vld.idx.msk [tilespmem:v26+s14+$0x0], $0xffff;
	_ =	sdelay $0x4  }
0x35a: {  	v27 =	vmul.f32 v28, v27;
	_ =	sdelay $0x1  }
0x35b: {  	s0 =	simm.s32 @!p1 $0x0;
	s1 =	simm.s32 @!p1 $0x8080;
	s2 =	rddreg [dreg:$0x1e];
	[tilespmem:v26+s14+$0x0] =	vst.idx.msk $0xffff, v27  }
0x35c: {  	[hbm4b:s2+s0] =	stream.linear.scatter @!p1 [tilespmem:s1], [sflag:$0xD], $0x2000, $0x38;
	[tilespmem:$0x1E200] =	vst v63  }
0x35d: {  	s0 =	simm.s32 @!p1 $0xD  }
0x35e: {  	_ =	swait.ge @!p1 [sflag:s0], $0x2000  }
0x35f: {  	s8 =	sadd.s32 $0x1, s8;
	s31 =	rddreg [dreg:$0x18]  }
0x360: {  	p2 =	sne.s32 s8, s31  }
.Ltmp12:
0x361: {  	_ = 	snop;
	(pc) =	sbr.rel @p2 .LBB2_1-.Ltmp12, $3  }
0x362: {  	_ =	sdelay $0x1  }
0x363: {  	[sflag:s0] =	ssyncset.done @!p1 $0x0  }
0x364: {  	[sflag:s0] =	ssyncadd.s32 @!p1 $0xFFFFE000  }
0x365: {  	_ =	sfence.sel $0x180000  }
0x366: {  	[bflag:$0x0] =	sbarrier.arrive $0xFFFF  }
0x367: {  	_ =	strace $0x90000047  }
0x368: {  	s0 =	stileid.u32;
	[bflag:$0x2] =	sbarrier.arrive $0xFFFF  }
0x369: {  	p0 =	sne.s32 s0, $0x0;
	s0 =	rddreg [dreg:$0x6]  }
0x36a: {  	s0 =	sadd.s32 @!p0 $0x100000, s0  }
0x36b: {  	[sflag:s0] =	ssyncadd.tile.s32 @!p0 $0x1;
	_ =	shalt  }
.Lfunc_end2:
_tile_overlayer_lowered:
.L_overlay_start_2:
0x36c: {  	(tag) =	ssettag $0x2  }
0x36d: {  	s0 =	rddreg [dreg:$0x0];
	s2 =	stileid.u32  }
0x36e: {  	s1 =	rddreg [dreg:$0x1];
	p0 =	sne.s32 s2, $0x0  }
0x36f: {  	s3 =	rddreg [dreg:$0x2];
	[bflag:$0x3] =	sbarrier.arrive $0xFFFF;
	s2 =	simm.s32 @!p0 $0x1C0D  }
0x370: {  	[timem:s3], [sflag:s2] =	dma.local @!p0 [hbm:s0], s1  }
0x371: {  	s0 =	simm.s32 @!p0 $0xD  }
0x372: {  	_ =	swait.ge @!p0 [sflag:s0], s1  }
0x373: {  	s1 =	ssub.s32 @!p0 $0x0, s1;
	[sflag:s0] =	ssyncset.done @!p0 $0x0  }
0x374: {  	[sflag:s0] =	ssyncadd.s32 @!p0 s1  }
0x375: {  	[bflag:$0x3] =	sbarrier.arrive $0xFFFF  }
0x376: {  	_ =	shalt  }

</sc_bundles>
